<compile_context>
chip_gen: v7x
topology: tpu7x:2x2x1
jax: 0.10.2.dev20260603
libtpu: 0.0.44.dev20260713+nightly
codegen_flags: <defaults>
</compile_context>

<pallas_src>
import functools

import jax
import jax.numpy as jnp
from jax import lax
from jax.experimental import pallas as pl
from jax.experimental.pallas import tpu as pltpu
from jax.experimental.pallas import tpu_sc as plsc

N = 10000
E = 320000
D = 128

NC = 2
NS = 16
NW = NC * NS
C = 128
CPT = 80
EP = NW * CPT * C
EPT = CPT * C
NP = N + 48
RPT = 624
TAIL = N - NS * RPT

_mesh = plsc.VectorSubcoreMesh(core_axis_name="c", subcore_axis_name="s")


@functools.partial(
    pl.kernel,
    out_type=jax.ShapeDtypeStruct((NC * N, D), jnp.float32),
    mesh=_mesh,
    scratch_types=(
        [pltpu.VMEM((CPT, C), jnp.int32)]
        + [pltpu.VMEM((C, D), jnp.float32)]
        + [pltpu.SemaphoreType.DMA] * 4
        + [pltpu.VMEM_SHARED((NP, D), jnp.float32)]
    ),
)
def _deg_sc(dst2d_hbm, ones_hbm, zeros_hbm, out_hbm,
            didx, ones_v, s0s, s1s, s2s, s3s, acc):
    c = lax.axis_index("c")
    s = lax.axis_index("s")
    wid = c * NS + s
    ssem = (s0s, s1s, s2s, s3s)

    pltpu.sync_copy(zeros_hbm.at[pl.ds(s * RPT, RPT)], acc.at[pl.ds(s * RPT, RPT)])
    @pl.when(s == 0)
    def _():
        pltpu.sync_copy(zeros_hbm.at[pl.ds(NS * RPT, TAIL)],
                        acc.at[pl.ds(NS * RPT, TAIL)])
    pltpu.sync_copy(dst2d_hbm.at[pl.ds(wid * CPT, CPT)], didx)
    pltpu.sync_copy(ones_hbm, ones_v)
    plsc.subcore_barrier()

    def issue(t, b):
        pltpu.async_copy(ones_v, acc.at[didx.at[t]], ssem[b], add=True)

    def wait(t, b):
        pltpu.make_async_copy(ones_v, acc.at[didx.at[t]], ssem[b]).wait()

    issue(0, 0)
    issue(1, 1)
    issue(2, 2)
    issue(3, 3)

    def body(p, carry):
        t = 4 * p
        wait(t - 4, 0); issue(t, 0)
        wait(t - 3, 1); issue(t + 1, 1)
        wait(t - 2, 2); issue(t + 2, 2)
        wait(t - 1, 3); issue(t + 3, 3)
        return carry

    lax.fori_loop(1, 20, body, 0)
    wait(76, 0)
    wait(77, 1)
    wait(78, 2)
    wait(79, 3)

    plsc.subcore_barrier()
    pltpu.sync_copy(acc.at[pl.ds(s * RPT, RPT)],
                    out_hbm.at[pl.ds(c * N + s * RPT, RPT)])
    @pl.when(s == 0)
    def _():
        pltpu.sync_copy(acc.at[pl.ds(NS * RPT, TAIL)],
                        out_hbm.at[pl.ds(c * N + NS * RPT, TAIL)])


@functools.partial(
    pl.kernel,
    out_type=jax.ShapeDtypeStruct((NC * N, D), jnp.float32),
    mesh=_mesh,
    scratch_types=(
        [pltpu.VMEM((C,), jnp.int32)] * 3
        + [pltpu.VMEM((C,), jnp.int32)] * 3
        + [pltpu.VMEM((C, D), jnp.float32)] * 3
        + [pltpu.SemaphoreType.DMA] * 9
        + [pltpu.VMEM_SHARED((NP, D), jnp.float32)]
    ),
)
def _edge_sc(src_hbm, dst_hbm, g_hbm, zeros_hbm, out_hbm,
             sb0, sb1, sb2, db0, db1, db2, r0, r1, r2,
             g0s, g1s, g2s, i0s, i1s, i2s, d0s, d1s, d2s, acc):
    c = lax.axis_index("c")
    s = lax.axis_index("s")
    wid = c * NS + s
    base = wid * EPT
    rows = (r0, r1, r2)
    sbuf = (sb0, sb1, sb2)
    dbuf = (db0, db1, db2)
    gsem = (g0s, g1s, g2s)
    isem = (i0s, i1s, i2s)
    dsem = (d0s, d1s, d2s)

    pltpu.sync_copy(zeros_hbm.at[pl.ds(s * RPT, RPT)], acc.at[pl.ds(s * RPT, RPT)])
    @pl.when(s == 0)
    def _():
        pltpu.sync_copy(zeros_hbm.at[pl.ds(NS * RPT, TAIL)],
                        acc.at[pl.ds(NS * RPT, TAIL)])
    plsc.subcore_barrier()

    def sidx_pre(t, b):
        return pltpu.async_copy(src_hbm.at[pl.ds(base + t * C, C)],
                                sbuf[b], isem[b])

    def didx_pre(t, b):
        return pltpu.async_copy(dst_hbm.at[pl.ds(base + t * C, C)],
                                dbuf[b], dsem[b])

    def g_issue(t, b):
        pltpu.async_copy(g_hbm.at[sbuf[b]], rows[b], gsem[b])

    def sidx_wait(t, b):
        pltpu.make_async_copy(src_hbm.at[pl.ds(base + t * C, C)],
                              sbuf[b], isem[b]).wait()

    sidx_pre(0, 0)
    sidx_pre(1, 1)
    sidx_pre(2, 2)
    didx_pre(0, 0)
    didx_pre(1, 1)
    didx_pre(2, 2)
    sidx_wait(0, 0)
    g_issue(0, 0)
    sidx_wait(1, 1)
    g_issue(1, 1)

    def visit(t, b, do_g, do_pre):
        b2 = (b + 2) % 3
        pltpu.make_async_copy(g_hbm.at[sbuf[b]], rows[b], gsem[b]).wait()
        if do_g:
            sidx_wait(t + 2, b2)
            g_issue(t + 2, b2)
        if do_pre:
            sidx_pre(t + 3, b)
        pltpu.make_async_copy(dst_hbm.at[pl.ds(base + t * C, C)],
                              dbuf[b], dsem[b]).wait()
        pltpu.sync_copy(rows[b], acc.at[dbuf[b]], add=True)
        if do_pre:
            didx_pre(t + 3, b)

    def body(p, carry):
        t = 3 * p
        visit(t, 0, True, True)
        visit(t + 1, 1, True, True)
        visit(t + 2, 2, True, True)
        return carry

    lax.fori_loop(0, 25, body, 0)
    visit(75, 0, True, True)
    visit(76, 1, True, True)
    visit(77, 2, True, False)
    visit(78, 0, False, False)
    visit(79, 1, False, False)

    plsc.subcore_barrier()
    pltpu.sync_copy(acc.at[pl.ds(s * RPT, RPT)],
                    out_hbm.at[pl.ds(c * N + s * RPT, RPT)])
    @pl.when(s == 0)
    def _():
        pltpu.sync_copy(acc.at[pl.ds(NS * RPT, TAIL)],
                        out_hbm.at[pl.ds(c * N + NS * RPT, TAIL)])


_R = 1000
_NB = N // _R


def _lin_tc_body(x_ref, win_ref, bin_ref, w1_ref, u_ref):
    h0 = jnp.dot(x_ref[...], win_ref[...],
                 preferred_element_type=jnp.float32) + bin_ref[...]
    u_ref[...] = jnp.dot(h0, w1_ref[...], preferred_element_type=jnp.float32)


def _lin_tc(x, w_in, b_in, w1):
    return pl.pallas_call(
        _lin_tc_body,
        grid=(_NB,),
        in_specs=[
            pl.BlockSpec((_R, D), lambda i: (i, 0)),
            pl.BlockSpec((D, D), lambda i: (0, 0)),
            pl.BlockSpec((1, D), lambda i: (0, 0)),
            pl.BlockSpec((D, D), lambda i: (0, 0)),
        ],
        out_specs=pl.BlockSpec((_R, D), lambda i: (i, 0)),
        out_shape=jax.ShapeDtypeStruct((N, D), jnp.float32),
    )(x, w_in, b_in, w1)


def _scale_tc_body(u_ref, ca_ref, cb_ref, dis_ref, g_ref):
    deg = 1.0 + ca_ref[:, 0:1] + cb_ref[:, 0:1]
    dis = lax.rsqrt(deg)
    dis_ref[...] = dis
    g_ref[...] = u_ref[...] * dis


def _scale_tc(u, cnt):
    return pl.pallas_call(
        _scale_tc_body,
        grid=(_NB,),
        in_specs=[
            pl.BlockSpec((_R, D), lambda i: (i, 0)),
            pl.BlockSpec((_R, D), lambda i: (i, 0)),
            pl.BlockSpec((_R, D), lambda i: (_NB + i, 0)),
        ],
        out_specs=[
            pl.BlockSpec((_R, 1), lambda i: (i, 0)),
            pl.BlockSpec((_R, D), lambda i: (i, 0)),
        ],
        out_shape=[
            jax.ShapeDtypeStruct((N, 1), jnp.float32),
            jax.ShapeDtypeStruct((N, D), jnp.float32),
        ],
    )(u, cnt, cnt)


def _mid_tc_body(sa_ref, sb_ref, g_ref, dis_ref, b_ref, w_ref, gn_ref):
    dis = dis_ref[...]
    out = dis * (sa_ref[...] + sb_ref[...] + g_ref[...]) + b_ref[...]
    gn_ref[...] = jnp.dot(out, w_ref[...],
                          preferred_element_type=jnp.float32) * dis


def _mid_tc(s_part, g, dis, b, w):
    return pl.pallas_call(
        _mid_tc_body,
        grid=(_NB,),
        in_specs=[
            pl.BlockSpec((_R, D), lambda i: (i, 0)),
            pl.BlockSpec((_R, D), lambda i: (_NB + i, 0)),
            pl.BlockSpec((_R, D), lambda i: (i, 0)),
            pl.BlockSpec((_R, 1), lambda i: (i, 0)),
            pl.BlockSpec((1, D), lambda i: (0, 0)),
            pl.BlockSpec((D, D), lambda i: (0, 0)),
        ],
        out_specs=pl.BlockSpec((_R, D), lambda i: (i, 0)),
        out_shape=jax.ShapeDtypeStruct((N, D), jnp.float32),
    )(s_part, s_part, g, dis, b, w)


def _final_tc_body(sa_ref, sb_ref, g_ref, dis_ref, b_ref, out_ref):
    out_ref[...] = dis_ref[...] * (sa_ref[...] + sb_ref[...] + g_ref[...]) \
        + b_ref[...]


def _final_tc(s_part, g, dis, b):
    return pl.pallas_call(
        _final_tc_body,
        grid=(_NB,),
        in_specs=[
            pl.BlockSpec((_R, D), lambda i: (i, 0)),
            pl.BlockSpec((_R, D), lambda i: (_NB + i, 0)),
            pl.BlockSpec((_R, D), lambda i: (i, 0)),
            pl.BlockSpec((_R, 1), lambda i: (i, 0)),
            pl.BlockSpec((1, D), lambda i: (0, 0)),
        ],
        out_specs=pl.BlockSpec((_R, D), lambda i: (i, 0)),
        out_shape=jax.ShapeDtypeStruct((N, D), jnp.float32),
    )(s_part, s_part, g, dis, b)


def kernel(x, edge_index, W_in, b_in, W1, b1, W2, b2):
    pad = EP - E
    pad_iota = jnp.arange(pad, dtype=jnp.int32)
    src_p = jnp.concatenate([edge_index[0], pad_iota % N])
    pad_dst = N + (pad_iota % (NP - N))
    dst_p = jnp.concatenate([edge_index[1], pad_dst])
    dst2d = dst_p.reshape(-1, C)
    zeros = jnp.zeros((N, D), jnp.float32)
    ones = jnp.ones((C, D), jnp.float32)

    cnt = _deg_sc(dst2d, ones, zeros)
    u = _lin_tc(x, W_in, b_in.reshape(1, D), W1)
    dis, g0 = _scale_tc(u, cnt)

    s0 = _edge_sc(src_p, dst_p, g0, zeros)
    g1 = _mid_tc(s0, g0, dis, b1.reshape(1, D), W2)

    s1 = _edge_sc(src_p, dst_p, g1, zeros)
    return _final_tc(s1, g1, dis, b2.reshape(1, D))

# --- scband reference (transcript-rebuilt; emitter-appended) ---
"""Pipeline reference for scband-gcn-49014166782490 (READ-ONLY COPY).

The authoritative reference and input builder live on the scoring server;
editing this copy changes nothing except your own understanding.
"""

import jax
import jax.numpy as jnp
import numpy as np

N = 10000
E = 320000
D = 128


def setup_inputs(seed: int = 0) -> dict:
    key = jax.random.key(seed)
    ks = jax.random.split(key, 9)
    x = jax.random.normal(ks[0], (N, D), dtype=jnp.float32)
    edge_index = jax.random.randint(ks[1], (2, E), 0, N, dtype=jnp.int32)
    s = 1.0 / np.sqrt(D)
    W_in = jax.random.uniform(ks[2], (D, D), dtype=jnp.float32, minval=-s, maxval=s)
    b_in = jax.random.uniform(ks[3], (D,), dtype=jnp.float32, minval=-s, maxval=s)
    W1 = jax.random.uniform(ks[4], (D, D), dtype=jnp.float32, minval=-s, maxval=s)
    b1 = jnp.zeros((D,), dtype=jnp.float32)
    W2 = jax.random.uniform(ks[5], (D, D), dtype=jnp.float32, minval=-s, maxval=s)
    b2 = jnp.zeros((D,), dtype=jnp.float32)
    return {"x": x, "edge_index": edge_index, "W_in": W_in, "b_in": b_in,
            "W1": W1, "b1": b1, "W2": W2, "b2": b2}


def gcn_conv(x, edge_index, W, b):
    # Faithful PyG GCNConv: add self-loops, symmetric deg^{-1/2} normalization,
    # linear transform, scatter-add aggregation, then bias.
    n = x.shape[0]
    loop = jnp.arange(n, dtype=edge_index.dtype)
    src = jnp.concatenate([edge_index[0], loop])
    dst = jnp.concatenate([edge_index[1], loop])
    ones = jnp.ones(src.shape[0], dtype=x.dtype)
    deg = jax.ops.segment_sum(ones, dst, num_segments=n)
    deg_inv_sqrt = jnp.where(deg > 0, jax.lax.rsqrt(jnp.maximum(deg, 1e-12)), 0.0)
    norm = deg_inv_sqrt[src] * deg_inv_sqrt[dst]
    h = x @ W
    msg = h[src] * norm[:, None]
    out = jax.ops.segment_sum(msg, dst, num_segments=n)
    return out + b


def reference(x, edge_index, W_in, b_in, W1, b1, W2, b2):
    # Single node type: in_linear projection, to_homogeneous is identity concat,
    # then two GCNConv layers (no activation in the original module),
    # then slice back per node type (identity here).
    h = x @ W_in + b_in
    h = gcn_conv(h, edge_index, W1, b1)
    h = gcn_conv(h, edge_index, W2, b2)
    return h

if __name__ == "__main__":
    import jax
    _d = setup_inputs()
    print(jax.jit(kernel)(*tuple(_d.values())))

</pallas_src>

<mosaic_0001>
#map = affine_map<(d0, d1) -> (0, 0)>
module attributes {stable_mosaic.version = 14 : i64} {
  func.func @_deg_sc(%arg0: i32, %arg1: i32, %arg2: memref<2560x128xi32, #tpu.memory_space<hbm>>, %arg3: memref<128x128xf32, #tpu.memory_space<hbm>>, %arg4: memref<10000x128xf32, #tpu.memory_space<hbm>>, %arg5: memref<20000x128xf32, #tpu.memory_space<hbm>>, %arg6: memref<80x128xi32, #tpu.memory_space<vmem>>, %arg7: memref<128x128xf32, #tpu.memory_space<vmem>>, %arg8: memref<!tpu.dma_semaphore, #tpu.memory_space<semaphore_mem>>, %arg9: memref<!tpu.dma_semaphore, #tpu.memory_space<semaphore_mem>>, %arg10: memref<!tpu.dma_semaphore, #tpu.memory_space<semaphore_mem>>, %arg11: memref<!tpu.dma_semaphore, #tpu.memory_space<semaphore_mem>>, %arg12: memref<10048x128xf32, #tpu.memory_space<vmem_shared>>) attributes {dimension_semantics = [#tpu.dimension_semantics<core_parallel>, #tpu.dimension_semantics<subcore_parallel>], iteration_bounds = array<i64: 2, 16>, scalar_prefetch = 0 : i64, scratch_operands = 7 : i64, tpu.core_type = #tpu.core_type<sc_vector_subcore>, window_params = [{transform_indices = #map}, {transform_indices = #map}, {transform_indices = #map}, {transform_indices = #map}]} {
    %mul3A = arith.constant 16 : i32
    %mul3A_0 = arith.muli %arg0, %mul3A : i32
    %add3A = arith.addi %mul3A_0, %arg1 : i32
    %mul3A_1 = arith.constant 624 : i32
    %mul3A_2 = arith.muli %arg1, %mul3A_1 : i32
    %mul3A_3 = arith.constant 624 : i32
    %mul3A_4 = arith.muli %arg1, %mul3A_3 : i32
    "tpu.region"() ({
      %run_scoped3A = tpu.sem_alloc : memref<!tpu.dma_semaphore, #tpu.memory_space<semaphore_mem>>
      %dma_start3A_81 = arith.constant 0 : i32
      %dma_start3A_82 = tpu.memref_slice %arg12[%mul3A_4, %dma_start3A_81] : memref<10048x128xf32, #tpu.memory_space<vmem_shared>> -> memref<624x128xf32, #tpu.memory_space<vmem_shared>>
      %dma_start3A_83 = arith.constant 0 : i32
      %dma_start3A_84 = tpu.memref_slice %arg4[%mul3A_2, %dma_start3A_83] : memref<10000x128xf32, #tpu.memory_space<hbm>> -> memref<624x128xf32, #tpu.memory_space<hbm>>
      tpu.enqueue_dma source(%dma_start3A_84 : memref<624x128xf32, #tpu.memory_space<hbm>>) target(%dma_start3A_82 : memref<624x128xf32, #tpu.memory_space<vmem_shared>>) target_semaphore(%run_scoped3A : memref<!tpu.dma_semaphore, #tpu.memory_space<semaphore_mem>>)
      %dma_wait3A_85 = arith.constant 0 : i32
      %dma_wait3A_86 = tpu.memref_slice %arg12[%mul3A_4, %dma_wait3A_85] : memref<10048x128xf32, #tpu.memory_space<vmem_shared>> -> memref<624x128xf32, #tpu.memory_space<vmem_shared>>
      %dma_wait3A_87 = arith.constant 0 : i32
      %dma_wait3A_88 = tpu.memref_slice %arg4[%mul3A_2, %dma_wait3A_87] : memref<10000x128xf32, #tpu.memory_space<hbm>> -> memref<624x128xf32, #tpu.memory_space<hbm>>
      tpu.wait_dma2 semaphore(%run_scoped3A : memref<!tpu.dma_semaphore, #tpu.memory_space<semaphore_mem>>) src(%dma_wait3A_88 : memref<624x128xf32, #tpu.memory_space<hbm>>) dst(%dma_wait3A_86 : memref<624x128xf32, #tpu.memory_space<vmem_shared>>)
      tpu.yield
    }) : () -> ()
    %eq3A = arith.constant 0 : i32
    %eq3A_5 = arith.cmpi eq, %arg1, %eq3A : i32
    %convert_element_type3A = arith.extui %eq3A_5 : i1 to i32
    %cond3A = arith.constant 0 : i32
    %cond3A_6 = arith.cmpi ne, %convert_element_type3A, %cond3A : i32
    scf.if %cond3A_6 {
      "tpu.region"() ({
        %run_scoped3A = tpu.sem_alloc : memref<!tpu.dma_semaphore, #tpu.memory_space<semaphore_mem>>
        %dma_start3A_81 = arith.constant 9984 : i32
        %dma_start3A_82 = arith.constant 0 : i32
        %dma_start3A_83 = tpu.memref_slice %arg12[%dma_start3A_81, %dma_start3A_82] : memref<10048x128xf32, #tpu.memory_space<vmem_shared>> -> memref<16x128xf32, #tpu.memory_space<vmem_shared>>
        %dma_start3A_84 = arith.constant 9984 : i32
        %dma_start3A_85 = arith.constant 0 : i32
        %dma_start3A_86 = tpu.memref_slice %arg4[%dma_start3A_84, %dma_start3A_85] : memref<10000x128xf32, #tpu.memory_space<hbm>> -> memref<16x128xf32, #tpu.memory_space<hbm>>
        tpu.enqueue_dma source(%dma_start3A_86 : memref<16x128xf32, #tpu.memory_space<hbm>>) target(%dma_start3A_83 : memref<16x128xf32, #tpu.memory_space<vmem_shared>>) target_semaphore(%run_scoped3A : memref<!tpu.dma_semaphore, #tpu.memory_space<semaphore_mem>>)
        %dma_wait3A_87 = arith.constant 9984 : i32
        %dma_wait3A_88 = arith.constant 0 : i32
        %dma_wait3A_89 = tpu.memref_slice %arg12[%dma_wait3A_87, %dma_wait3A_88] : memref<10048x128xf32, #tpu.memory_space<vmem_shared>> -> memref<16x128xf32, #tpu.memory_space<vmem_shared>>
        %dma_wait3A_90 = arith.constant 9984 : i32
        %dma_wait3A_91 = arith.constant 0 : i32
        %dma_wait3A_92 = tpu.memref_slice %arg4[%dma_wait3A_90, %dma_wait3A_91] : memref<10000x128xf32, #tpu.memory_space<hbm>> -> memref<16x128xf32, #tpu.memory_space<hbm>>
        tpu.wait_dma2 semaphore(%run_scoped3A : memref<!tpu.dma_semaphore, #tpu.memory_space<semaphore_mem>>) src(%dma_wait3A_92 : memref<16x128xf32, #tpu.memory_space<hbm>>) dst(%dma_wait3A_89 : memref<16x128xf32, #tpu.memory_space<vmem_shared>>)
        tpu.yield
      }) : () -> ()
    } else {
    }
    %mul3A_7 = arith.constant 80 : i32
    %mul3A_8 = arith.muli %add3A, %mul3A_7 : i32
    "tpu.region"() ({
      %run_scoped3A = tpu.sem_alloc : memref<!tpu.dma_semaphore, #tpu.memory_space<semaphore_mem>>
      %dma_start3A_81 = arith.constant 0 : i32
      %dma_start3A_82 = tpu.memref_slice %arg2[%mul3A_8, %dma_start3A_81] : memref<2560x128xi32, #tpu.memory_space<hbm>> -> memref<80x128xi32, #tpu.memory_space<hbm>>
      %dma_start3A_83 = arith.constant 0 : i32
      %dma_start3A_84 = tpu.memref_slice %arg2[%mul3A_8, %dma_start3A_83] : memref<2560x128xi32, #tpu.memory_space<hbm>> -> memref<80x128xi32, #tpu.memory_space<hbm>>
      tpu.enqueue_dma source(%dma_start3A_84 : memref<80x128xi32, #tpu.memory_space<hbm>>) target(%arg6 : memref<80x128xi32, #tpu.memory_space<vmem>>) target_semaphore(%run_scoped3A : memref<!tpu.dma_semaphore, #tpu.memory_space<semaphore_mem>>)
      %dma_wait3A_85 = arith.constant 0 : i32
      %dma_wait3A_86 = tpu.memref_slice %arg2[%mul3A_8, %dma_wait3A_85] : memref<2560x128xi32, #tpu.memory_space<hbm>> -> memref<80x128xi32, #tpu.memory_space<hbm>>
      %dma_wait3A_87 = arith.constant 0 : i32
      %dma_wait3A_88 = tpu.memref_slice %arg2[%mul3A_8, %dma_wait3A_87] : memref<2560x128xi32, #tpu.memory_space<hbm>> -> memref<80x128xi32, #tpu.memory_space<hbm>>
      tpu.wait_dma2 semaphore(%run_scoped3A : memref<!tpu.dma_semaphore, #tpu.memory_space<semaphore_mem>>) src(%dma_wait3A_88 : memref<80x128xi32, #tpu.memory_space<hbm>>) dst(%arg6 : memref<80x128xi32, #tpu.memory_space<vmem>>)
      tpu.yield
    }) : () -> ()
    "tpu.region"() ({
      %run_scoped3A = tpu.sem_alloc : memref<!tpu.dma_semaphore, #tpu.memory_space<semaphore_mem>>
      tpu.enqueue_dma source(%arg3 : memref<128x128xf32, #tpu.memory_space<hbm>>) target(%arg7 : memref<128x128xf32, #tpu.memory_space<vmem>>) target_semaphore(%run_scoped3A : memref<!tpu.dma_semaphore, #tpu.memory_space<semaphore_mem>>)
      tpu.wait_dma2 semaphore(%run_scoped3A : memref<!tpu.dma_semaphore, #tpu.memory_space<semaphore_mem>>) src(%arg3 : memref<128x128xf32, #tpu.memory_space<hbm>>) dst(%arg7 : memref<128x128xf32, #tpu.memory_space<vmem>>)
      tpu.yield
    }) : () -> ()
    %barrier3A = arith.constant 0 : index
    tpu.barrier barrier_id(%barrier3A)
    %dma_start3A = arith.constant 0 : i32
    %dma_start3A_9 = arith.constant 0 : i32
    %dma_start3A_10 = tpu.memref_slice %arg6[%dma_start3A, %dma_start3A_9] : memref<80x128xi32, #tpu.memory_space<vmem>> -> memref<1x128xi32, #tpu.memory_space<vmem>>
    %dma_start3A_11 = tpu.memref_squeeze %dma_start3A_10 : memref<1x128xi32, #tpu.memory_space<vmem>> -> memref<128xi32, #tpu.memory_space<vmem>>
    %dma_start3A_12 = arith.constant 0 : i32
    %dma_start3A_13 = arith.constant 0 : i32
    %dma_start3A_14 = tpu.memref_slice %arg12[%dma_start3A_12, %dma_start3A_13] : memref<10048x128xf32, #tpu.memory_space<vmem_shared>> -> memref<10048x128xf32, #tpu.memory_space<vmem_shared>>
    tpu.enqueue_indirect_dma source(%arg7 : memref<128x128xf32, #tpu.memory_space<vmem>>) target(%dma_start3A_14 : memref<10048x128xf32, #tpu.memory_space<vmem_shared>>) offsets(%dma_start3A_11 : memref<128xi32, #tpu.memory_space<vmem>>) semaphore(%arg8 : memref<!tpu.dma_semaphore, #tpu.memory_space<semaphore_mem>>) {add = true}
    %dma_start3A_15 = arith.constant 1 : i32
    %dma_start3A_16 = arith.constant 0 : i32
    %dma_start3A_17 = tpu.memref_slice %arg6[%dma_start3A_15, %dma_start3A_16] : memref<80x128xi32, #tpu.memory_space<vmem>> -> memref<1x128xi32, #tpu.memory_space<vmem>>
    %dma_start3A_18 = tpu.memref_squeeze %dma_start3A_17 : memref<1x128xi32, #tpu.memory_space<vmem>> -> memref<128xi32, #tpu.memory_space<vmem>>
    %dma_start3A_19 = arith.constant 0 : i32
    %dma_start3A_20 = arith.constant 0 : i32
    %dma_start3A_21 = tpu.memref_slice %arg12[%dma_start3A_19, %dma_start3A_20] : memref<10048x128xf32, #tpu.memory_space<vmem_shared>> -> memref<10048x128xf32, #tpu.memory_space<vmem_shared>>
    tpu.enqueue_indirect_dma source(%arg7 : memref<128x128xf32, #tpu.memory_space<vmem>>) target(%dma_start3A_21 : memref<10048x128xf32, #tpu.memory_space<vmem_shared>>) offsets(%dma_start3A_18 : memref<128xi32, #tpu.memory_space<vmem>>) semaphore(%arg9 : memref<!tpu.dma_semaphore, #tpu.memory_space<semaphore_mem>>) {add = true}
    %dma_start3A_22 = arith.constant 2 : i32
    %dma_start3A_23 = arith.constant 0 : i32
    %dma_start3A_24 = tpu.memref_slice %arg6[%dma_start3A_22, %dma_start3A_23] : memref<80x128xi32, #tpu.memory_space<vmem>> -> memref<1x128xi32, #tpu.memory_space<vmem>>
    %dma_start3A_25 = tpu.memref_squeeze %dma_start3A_24 : memref<1x128xi32, #tpu.memory_space<vmem>> -> memref<128xi32, #tpu.memory_space<vmem>>
    %dma_start3A_26 = arith.constant 0 : i32
    %dma_start3A_27 = arith.constant 0 : i32
    %dma_start3A_28 = tpu.memref_slice %arg12[%dma_start3A_26, %dma_start3A_27] : memref<10048x128xf32, #tpu.memory_space<vmem_shared>> -> memref<10048x128xf32, #tpu.memory_space<vmem_shared>>
    tpu.enqueue_indirect_dma source(%arg7 : memref<128x128xf32, #tpu.memory_space<vmem>>) target(%dma_start3A_28 : memref<10048x128xf32, #tpu.memory_space<vmem_shared>>) offsets(%dma_start3A_25 : memref<128xi32, #tpu.memory_space<vmem>>) semaphore(%arg10 : memref<!tpu.dma_semaphore, #tpu.memory_space<semaphore_mem>>) {add = true}
    %dma_start3A_29 = arith.constant 3 : i32
    %dma_start3A_30 = arith.constant 0 : i32
    %dma_start3A_31 = tpu.memref_slice %arg6[%dma_start3A_29, %dma_start3A_30] : memref<80x128xi32, #tpu.memory_space<vmem>> -> memref<1x128xi32, #tpu.memory_space<vmem>>
    %dma_start3A_32 = tpu.memref_squeeze %dma_start3A_31 : memref<1x128xi32, #tpu.memory_space<vmem>> -> memref<128xi32, #tpu.memory_space<vmem>>
    %dma_start3A_33 = arith.constant 0 : i32
    %dma_start3A_34 = arith.constant 0 : i32
    %dma_start3A_35 = tpu.memref_slice %arg12[%dma_start3A_33, %dma_start3A_34] : memref<10048x128xf32, #tpu.memory_space<vmem_shared>> -> memref<10048x128xf32, #tpu.memory_space<vmem_shared>>
    tpu.enqueue_indirect_dma source(%arg7 : memref<128x128xf32, #tpu.memory_space<vmem>>) target(%dma_start3A_35 : memref<10048x128xf32, #tpu.memory_space<vmem_shared>>) offsets(%dma_start3A_32 : memref<128xi32, #tpu.memory_space<vmem>>) semaphore(%arg11 : memref<!tpu.dma_semaphore, #tpu.memory_space<semaphore_mem>>) {add = true}
    %scan3A = arith.constant 0 : i32
    %scan3A_36 = arith.constant 1 : i32
    %scan3A_37 = arith.constant 19 : i32
    %scan3A_38 = arith.addi %scan3A_36, %scan3A_37 : i32
    %scan3A_39 = arith.constant 1 : i32
    scf.for %scan3A_81 = %scan3A_36 to %scan3A_38 step %scan3A_39  : i32 {
      %mul3A_82 = arith.constant 4 : i32
      %mul3A_83 = arith.muli %mul3A_82, %scan3A_81 : i32
      %sub3A = arith.constant 4 : i32
      %sub3A_84 = arith.subi %mul3A_83, %sub3A : i32
      %dma_wait3A_85 = arith.constant 0 : i32
      %dma_wait3A_86 = tpu.memref_slice %arg6[%sub3A_84, %dma_wait3A_85] : memref<80x128xi32, #tpu.memory_space<vmem>> -> memref<1x128xi32, #tpu.memory_space<vmem>>
      %dma_wait3A_87 = tpu.memref_squeeze %dma_wait3A_86 : memref<1x128xi32, #tpu.memory_space<vmem>> -> memref<128xi32, #tpu.memory_space<vmem>>
      %dma_wait3A_88 = arith.constant 0 : i32
      %dma_wait3A_89 = arith.constant 0 : i32
      %dma_wait3A_90 = tpu.memref_slice %arg12[%dma_wait3A_88, %dma_wait3A_89] : memref<10048x128xf32, #tpu.memory_space<vmem_shared>> -> memref<10048x128xf32, #tpu.memory_space<vmem_shared>>
      tpu.wait_indirect_dma semaphore(%arg8 : memref<!tpu.dma_semaphore, #tpu.memory_space<semaphore_mem>>) src(%arg7 : memref<128x128xf32, #tpu.memory_space<vmem>>) dst(%dma_wait3A_90 : memref<10048x128xf32, #tpu.memory_space<vmem_shared>>)
      %dma_start3A_91 = arith.constant 0 : i32
      %dma_start3A_92 = tpu.memref_slice %arg6[%mul3A_83, %dma_start3A_91] : memref<80x128xi32, #tpu.memory_space<vmem>> -> memref<1x128xi32, #tpu.memory_space<vmem>>
      %dma_start3A_93 = tpu.memref_squeeze %dma_start3A_92 : memref<1x128xi32, #tpu.memory_space<vmem>> -> memref<128xi32, #tpu.memory_space<vmem>>
      %dma_start3A_94 = arith.constant 0 : i32
      %dma_start3A_95 = arith.constant 0 : i32
      %dma_start3A_96 = tpu.memref_slice %arg12[%dma_start3A_94, %dma_start3A_95] : memref<10048x128xf32, #tpu.memory_space<vmem_shared>> -> memref<10048x128xf32, #tpu.memory_space<vmem_shared>>
      tpu.enqueue_indirect_dma source(%arg7 : memref<128x128xf32, #tpu.memory_space<vmem>>) target(%dma_start3A_96 : memref<10048x128xf32, #tpu.memory_space<vmem_shared>>) offsets(%dma_start3A_93 : memref<128xi32, #tpu.memory_space<vmem>>) semaphore(%arg8 : memref<!tpu.dma_semaphore, #tpu.memory_space<semaphore_mem>>) {add = true}
      %sub3A_97 = arith.constant 3 : i32
      %sub3A_98 = arith.subi %mul3A_83, %sub3A_97 : i32
      %dma_wait3A_99 = arith.constant 0 : i32
      %dma_wait3A_100 = tpu.memref_slice %arg6[%sub3A_98, %dma_wait3A_99] : memref<80x128xi32, #tpu.memory_space<vmem>> -> memref<1x128xi32, #tpu.memory_space<vmem>>
      %dma_wait3A_101 = tpu.memref_squeeze %dma_wait3A_100 : memref<1x128xi32, #tpu.memory_space<vmem>> -> memref<128xi32, #tpu.memory_space<vmem>>
      %dma_wait3A_102 = arith.constant 0 : i32
      %dma_wait3A_103 = arith.constant 0 : i32
      %dma_wait3A_104 = tpu.memref_slice %arg12[%dma_wait3A_102, %dma_wait3A_103] : memref<10048x128xf32, #tpu.memory_space<vmem_shared>> -> memref<10048x128xf32, #tpu.memory_space<vmem_shared>>
      tpu.wait_indirect_dma semaphore(%arg9 : memref<!tpu.dma_semaphore, #tpu.memory_space<semaphore_mem>>) src(%arg7 : memref<128x128xf32, #tpu.memory_space<vmem>>) dst(%dma_wait3A_104 : memref<10048x128xf32, #tpu.memory_space<vmem_shared>>)
      %add3A_105 = arith.constant 1 : i32
      %add3A_106 = arith.addi %mul3A_83, %add3A_105 : i32
      %dma_start3A_107 = arith.constant 0 : i32
      %dma_start3A_108 = tpu.memref_slice %arg6[%add3A_106, %dma_start3A_107] : memref<80x128xi32, #tpu.memory_space<vmem>> -> memref<1x128xi32, #tpu.memory_space<vmem>>
      %dma_start3A_109 = tpu.memref_squeeze %dma_start3A_108 : memref<1x128xi32, #tpu.memory_space<vmem>> -> memref<128xi32, #tpu.memory_space<vmem>>
      %dma_start3A_110 = arith.constant 0 : i32
      %dma_start3A_111 = arith.constant 0 : i32
      %dma_start3A_112 = tpu.memref_slice %arg12[%dma_start3A_110, %dma_start3A_111] : memref<10048x128xf32, #tpu.memory_space<vmem_shared>> -> memref<10048x128xf32, #tpu.memory_space<vmem_shared>>
      tpu.enqueue_indirect_dma source(%arg7 : memref<128x128xf32, #tpu.memory_space<vmem>>) target(%dma_start3A_112 : memref<10048x128xf32, #tpu.memory_space<vmem_shared>>) offsets(%dma_start3A_109 : memref<128xi32, #tpu.memory_space<vmem>>) semaphore(%arg9 : memref<!tpu.dma_semaphore, #tpu.memory_space<semaphore_mem>>) {add = true}
      %sub3A_113 = arith.constant 2 : i32
      %sub3A_114 = arith.subi %mul3A_83, %sub3A_113 : i32
      %dma_wait3A_115 = arith.constant 0 : i32
      %dma_wait3A_116 = tpu.memref_slice %arg6[%sub3A_114, %dma_wait3A_115] : memref<80x128xi32, #tpu.memory_space<vmem>> -> memref<1x128xi32, #tpu.memory_space<vmem>>
      %dma_wait3A_117 = tpu.memref_squeeze %dma_wait3A_116 : memref<1x128xi32, #tpu.memory_space<vmem>> -> memref<128xi32, #tpu.memory_space<vmem>>
      %dma_wait3A_118 = arith.constant 0 : i32
      %dma_wait3A_119 = arith.constant 0 : i32
      %dma_wait3A_120 = tpu.memref_slice %arg12[%dma_wait3A_118, %dma_wait3A_119] : memref<10048x128xf32, #tpu.memory_space<vmem_shared>> -> memref<10048x128xf32, #tpu.memory_space<vmem_shared>>
      tpu.wait_indirect_dma semaphore(%arg10 : memref<!tpu.dma_semaphore, #tpu.memory_space<semaphore_mem>>) src(%arg7 : memref<128x128xf32, #tpu.memory_space<vmem>>) dst(%dma_wait3A_120 : memref<10048x128xf32, #tpu.memory_space<vmem_shared>>)
      %add3A_121 = arith.constant 2 : i32
      %add3A_122 = arith.addi %mul3A_83, %add3A_121 : i32
      %dma_start3A_123 = arith.constant 0 : i32
      %dma_start3A_124 = tpu.memref_slice %arg6[%add3A_122, %dma_start3A_123] : memref<80x128xi32, #tpu.memory_space<vmem>> -> memref<1x128xi32, #tpu.memory_space<vmem>>
      %dma_start3A_125 = tpu.memref_squeeze %dma_start3A_124 : memref<1x128xi32, #tpu.memory_space<vmem>> -> memref<128xi32, #tpu.memory_space<vmem>>
      %dma_start3A_126 = arith.constant 0 : i32
      %dma_start3A_127 = arith.constant 0 : i32
      %dma_start3A_128 = tpu.memref_slice %arg12[%dma_start3A_126, %dma_start3A_127] : memref<10048x128xf32, #tpu.memory_space<vmem_shared>> -> memref<10048x128xf32, #tpu.memory_space<vmem_shared>>
      tpu.enqueue_indirect_dma source(%arg7 : memref<128x128xf32, #tpu.memory_space<vmem>>) target(%dma_start3A_128 : memref<10048x128xf32, #tpu.memory_space<vmem_shared>>) offsets(%dma_start3A_125 : memref<128xi32, #tpu.memory_space<vmem>>) semaphore(%arg10 : memref<!tpu.dma_semaphore, #tpu.memory_space<semaphore_mem>>) {add = true}
      %sub3A_129 = arith.constant 1 : i32
      %sub3A_130 = arith.subi %mul3A_83, %sub3A_129 : i32
      %dma_wait3A_131 = arith.constant 0 : i32
      %dma_wait3A_132 = tpu.memref_slice %arg6[%sub3A_130, %dma_wait3A_131] : memref<80x128xi32, #tpu.memory_space<vmem>> -> memref<1x128xi32, #tpu.memory_space<vmem>>
      %dma_wait3A_133 = tpu.memref_squeeze %dma_wait3A_132 : memref<1x128xi32, #tpu.memory_space<vmem>> -> memref<128xi32, #tpu.memory_space<vmem>>
      %dma_wait3A_134 = arith.constant 0 : i32
      %dma_wait3A_135 = arith.constant 0 : i32
      %dma_wait3A_136 = tpu.memref_slice %arg12[%dma_wait3A_134, %dma_wait3A_135] : memref<10048x128xf32, #tpu.memory_space<vmem_shared>> -> memref<10048x128xf32, #tpu.memory_space<vmem_shared>>
      tpu.wait_indirect_dma semaphore(%arg11 : memref<!tpu.dma_semaphore, #tpu.memory_space<semaphore_mem>>) src(%arg7 : memref<128x128xf32, #tpu.memory_space<vmem>>) dst(%dma_wait3A_136 : memref<10048x128xf32, #tpu.memory_space<vmem_shared>>)
      %add3A_137 = arith.constant 3 : i32
      %add3A_138 = arith.addi %mul3A_83, %add3A_137 : i32
      %dma_start3A_139 = arith.constant 0 : i32
      %dma_start3A_140 = tpu.memref_slice %arg6[%add3A_138, %dma_start3A_139] : memref<80x128xi32, #tpu.memory_space<vmem>> -> memref<1x128xi32, #tpu.memory_space<vmem>>
      %dma_start3A_141 = tpu.memref_squeeze %dma_start3A_140 : memref<1x128xi32, #tpu.memory_space<vmem>> -> memref<128xi32, #tpu.memory_space<vmem>>
      %dma_start3A_142 = arith.constant 0 : i32
      %dma_start3A_143 = arith.constant 0 : i32
      %dma_start3A_144 = tpu.memref_slice %arg12[%dma_start3A_142, %dma_start3A_143] : memref<10048x128xf32, #tpu.memory_space<vmem_shared>> -> memref<10048x128xf32, #tpu.memory_space<vmem_shared>>
      tpu.enqueue_indirect_dma source(%arg7 : memref<128x128xf32, #tpu.memory_space<vmem>>) target(%dma_start3A_144 : memref<10048x128xf32, #tpu.memory_space<vmem_shared>>) offsets(%dma_start3A_141 : memref<128xi32, #tpu.memory_space<vmem>>) semaphore(%arg11 : memref<!tpu.dma_semaphore, #tpu.memory_space<semaphore_mem>>) {add = true}
    }
    %scan3A_40 = arith.constant 19 : i32
    %dma_wait3A = arith.constant 76 : i32
    %dma_wait3A_41 = arith.constant 0 : i32
    %dma_wait3A_42 = tpu.memref_slice %arg6[%dma_wait3A, %dma_wait3A_41] : memref<80x128xi32, #tpu.memory_space<vmem>> -> memref<1x128xi32, #tpu.memory_space<vmem>>
    %dma_wait3A_43 = tpu.memref_squeeze %dma_wait3A_42 : memref<1x128xi32, #tpu.memory_space<vmem>> -> memref<128xi32, #tpu.memory_space<vmem>>
    %dma_wait3A_44 = arith.constant 0 : i32
    %dma_wait3A_45 = arith.constant 0 : i32
    %dma_wait3A_46 = tpu.memref_slice %arg12[%dma_wait3A_44, %dma_wait3A_45] : memref<10048x128xf32, #tpu.memory_space<vmem_shared>> -> memref<10048x128xf32, #tpu.memory_space<vmem_shared>>
    tpu.wait_indirect_dma semaphore(%arg8 : memref<!tpu.dma_semaphore, #tpu.memory_space<semaphore_mem>>) src(%arg7 : memref<128x128xf32, #tpu.memory_space<vmem>>) dst(%dma_wait3A_46 : memref<10048x128xf32, #tpu.memory_space<vmem_shared>>)
    %dma_wait3A_47 = arith.constant 77 : i32
    %dma_wait3A_48 = arith.constant 0 : i32
    %dma_wait3A_49 = tpu.memref_slice %arg6[%dma_wait3A_47, %dma_wait3A_48] : memref<80x128xi32, #tpu.memory_space<vmem>> -> memref<1x128xi32, #tpu.memory_space<vmem>>
    %dma_wait3A_50 = tpu.memref_squeeze %dma_wait3A_49 : memref<1x128xi32, #tpu.memory_space<vmem>> -> memref<128xi32, #tpu.memory_space<vmem>>
    %dma_wait3A_51 = arith.constant 0 : i32
    %dma_wait3A_52 = arith.constant 0 : i32
    %dma_wait3A_53 = tpu.memref_slice %arg12[%dma_wait3A_51, %dma_wait3A_52] : memref<10048x128xf32, #tpu.memory_space<vmem_shared>> -> memref<10048x128xf32, #tpu.memory_space<vmem_shared>>
    tpu.wait_indirect_dma semaphore(%arg9 : memref<!tpu.dma_semaphore, #tpu.memory_space<semaphore_mem>>) src(%arg7 : memref<128x128xf32, #tpu.memory_space<vmem>>) dst(%dma_wait3A_53 : memref<10048x128xf32, #tpu.memory_space<vmem_shared>>)
    %dma_wait3A_54 = arith.constant 78 : i32
    %dma_wait3A_55 = arith.constant 0 : i32
    %dma_wait3A_56 = tpu.memref_slice %arg6[%dma_wait3A_54, %dma_wait3A_55] : memref<80x128xi32, #tpu.memory_space<vmem>> -> memref<1x128xi32, #tpu.memory_space<vmem>>
    %dma_wait3A_57 = tpu.memref_squeeze %dma_wait3A_56 : memref<1x128xi32, #tpu.memory_space<vmem>> -> memref<128xi32, #tpu.memory_space<vmem>>
    %dma_wait3A_58 = arith.constant 0 : i32
    %dma_wait3A_59 = arith.constant 0 : i32
    %dma_wait3A_60 = tpu.memref_slice %arg12[%dma_wait3A_58, %dma_wait3A_59] : memref<10048x128xf32, #tpu.memory_space<vmem_shared>> -> memref<10048x128xf32, #tpu.memory_space<vmem_shared>>
    tpu.wait_indirect_dma semaphore(%arg10 : memref<!tpu.dma_semaphore, #tpu.memory_space<semaphore_mem>>) src(%arg7 : memref<128x128xf32, #tpu.memory_space<vmem>>) dst(%dma_wait3A_60 : memref<10048x128xf32, #tpu.memory_space<vmem_shared>>)
    %dma_wait3A_61 = arith.constant 79 : i32
    %dma_wait3A_62 = arith.constant 0 : i32
    %dma_wait3A_63 = tpu.memref_slice %arg6[%dma_wait3A_61, %dma_wait3A_62] : memref<80x128xi32, #tpu.memory_space<vmem>> -> memref<1x128xi32, #tpu.memory_space<vmem>>
    %dma_wait3A_64 = tpu.memref_squeeze %dma_wait3A_63 : memref<1x128xi32, #tpu.memory_space<vmem>> -> memref<128xi32, #tpu.memory_space<vmem>>
    %dma_wait3A_65 = arith.constant 0 : i32
    %dma_wait3A_66 = arith.constant 0 : i32
    %dma_wait3A_67 = tpu.memref_slice %arg12[%dma_wait3A_65, %dma_wait3A_66] : memref<10048x128xf32, #tpu.memory_space<vmem_shared>> -> memref<10048x128xf32, #tpu.memory_space<vmem_shared>>
    tpu.wait_indirect_dma semaphore(%arg11 : memref<!tpu.dma_semaphore, #tpu.memory_space<semaphore_mem>>) src(%arg7 : memref<128x128xf32, #tpu.memory_space<vmem>>) dst(%dma_wait3A_67 : memref<10048x128xf32, #tpu.memory_space<vmem_shared>>)
    %barrier3A_68 = arith.constant 0 : index
    tpu.barrier barrier_id(%barrier3A_68)
    %mul3A_69 = arith.constant 624 : i32
    %mul3A_70 = arith.muli %arg1, %mul3A_69 : i32
    %mul3A_71 = arith.constant 10000 : i32
    %mul3A_72 = arith.muli %arg0, %mul3A_71 : i32
    %mul3A_73 = arith.constant 624 : i32
    %mul3A_74 = arith.muli %arg1, %mul3A_73 : i32
    %add3A_75 = arith.addi %mul3A_72, %mul3A_74 : i32
    "tpu.region"() ({
      %run_scoped3A = tpu.sem_alloc : memref<!tpu.dma_semaphore, #tpu.memory_space<semaphore_mem>>
      %dma_start3A_81 = arith.constant 0 : i32
      %dma_start3A_82 = tpu.memref_slice %arg5[%add3A_75, %dma_start3A_81] : memref<20000x128xf32, #tpu.memory_space<hbm>> -> memref<624x128xf32, #tpu.memory_space<hbm>>
      %dma_start3A_83 = arith.constant 0 : i32
      %dma_start3A_84 = tpu.memref_slice %arg12[%mul3A_70, %dma_start3A_83] : memref<10048x128xf32, #tpu.memory_space<vmem_shared>> -> memref<624x128xf32, #tpu.memory_space<vmem_shared>>
      tpu.enqueue_dma source(%dma_start3A_84 : memref<624x128xf32, #tpu.memory_space<vmem_shared>>) target(%dma_start3A_82 : memref<624x128xf32, #tpu.memory_space<hbm>>) target_semaphore(%run_scoped3A : memref<!tpu.dma_semaphore, #tpu.memory_space<semaphore_mem>>)
      %dma_wait3A_85 = arith.constant 0 : i32
      %dma_wait3A_86 = tpu.memref_slice %arg5[%add3A_75, %dma_wait3A_85] : memref<20000x128xf32, #tpu.memory_space<hbm>> -> memref<624x128xf32, #tpu.memory_space<hbm>>
      %dma_wait3A_87 = arith.constant 0 : i32
      %dma_wait3A_88 = tpu.memref_slice %arg12[%mul3A_70, %dma_wait3A_87] : memref<10048x128xf32, #tpu.memory_space<vmem_shared>> -> memref<624x128xf32, #tpu.memory_space<vmem_shared>>
      tpu.wait_dma2 semaphore(%run_scoped3A : memref<!tpu.dma_semaphore, #tpu.memory_space<semaphore_mem>>) src(%dma_wait3A_88 : memref<624x128xf32, #tpu.memory_space<vmem_shared>>) dst(%dma_wait3A_86 : memref<624x128xf32, #tpu.memory_space<hbm>>)
      tpu.yield
    }) : () -> ()
    %eq3A_76 = arith.constant 0 : i32
    %eq3A_77 = arith.cmpi eq, %arg1, %eq3A_76 : i32
    %convert_element_type3A_78 = arith.extui %eq3A_77 : i1 to i32
    %cond3A_79 = arith.constant 0 : i32
    %cond3A_80 = arith.cmpi ne, %convert_element_type3A_78, %cond3A_79 : i32
    scf.if %cond3A_80 {
      %mul3A_81 = arith.constant 10000 : i32
      %mul3A_82 = arith.muli %arg0, %mul3A_81 : i32
      %add3A_83 = arith.constant 9984 : i32
      %add3A_84 = arith.addi %mul3A_82, %add3A_83 : i32
      "tpu.region"() ({
        %run_scoped3A = tpu.sem_alloc : memref<!tpu.dma_semaphore, #tpu.memory_space<semaphore_mem>>
        %dma_start3A_85 = arith.constant 0 : i32
        %dma_start3A_86 = tpu.memref_slice %arg5[%add3A_84, %dma_start3A_85] : memref<20000x128xf32, #tpu.memory_space<hbm>> -> memref<16x128xf32, #tpu.memory_space<hbm>>
        %dma_start3A_87 = arith.constant 9984 : i32
        %dma_start3A_88 = arith.constant 0 : i32
        %dma_start3A_89 = tpu.memref_slice %arg12[%dma_start3A_87, %dma_start3A_88] : memref<10048x128xf32, #tpu.memory_space<vmem_shared>> -> memref<16x128xf32, #tpu.memory_space<vmem_shared>>
        tpu.enqueue_dma source(%dma_start3A_89 : memref<16x128xf32, #tpu.memory_space<vmem_shared>>) target(%dma_start3A_86 : memref<16x128xf32, #tpu.memory_space<hbm>>) target_semaphore(%run_scoped3A : memref<!tpu.dma_semaphore, #tpu.memory_space<semaphore_mem>>)
        %dma_wait3A_90 = arith.constant 0 : i32
        %dma_wait3A_91 = tpu.memref_slice %arg5[%add3A_84, %dma_wait3A_90] : memref<20000x128xf32, #tpu.memory_space<hbm>> -> memref<16x128xf32, #tpu.memory_space<hbm>>
        %dma_wait3A_92 = arith.constant 9984 : i32
        %dma_wait3A_93 = arith.constant 0 : i32
        %dma_wait3A_94 = tpu.memref_slice %arg12[%dma_wait3A_92, %dma_wait3A_93] : memref<10048x128xf32, #tpu.memory_space<vmem_shared>> -> memref<16x128xf32, #tpu.memory_space<vmem_shared>>
        tpu.wait_dma2 semaphore(%run_scoped3A : memref<!tpu.dma_semaphore, #tpu.memory_space<semaphore_mem>>) src(%dma_wait3A_94 : memref<16x128xf32, #tpu.memory_space<vmem_shared>>) dst(%dma_wait3A_91 : memref<16x128xf32, #tpu.memory_space<hbm>>)
        tpu.yield
      }) : () -> ()
    } else {
    }
    return
  }
}

#map = affine_map<(d0, d1) -> (0)>
#map1 = affine_map<(d0, d1) -> (0, 0)>
module attributes {stable_mosaic.version = 14 : i64} {
  func.func @_edge_sc(%arg0: i32, %arg1: i32, %arg2: memref<327680xi32, #tpu.memory_space<hbm>>, %arg3: memref<327680xi32, #tpu.memory_space<hbm>>, %arg4: memref<10000x128xf32, #tpu.memory_space<hbm>>, %arg5: memref<10000x128xf32, #tpu.memory_space<hbm>>, %arg6: memref<20000x128xf32, #tpu.memory_space<hbm>>, %arg7: memref<128xi32, #tpu.memory_space<vmem>>, %arg8: memref<128xi32, #tpu.memory_space<vmem>>, %arg9: memref<128xi32, #tpu.memory_space<vmem>>, %arg10: memref<128xi32, #tpu.memory_space<vmem>>, %arg11: memref<128xi32, #tpu.memory_space<vmem>>, %arg12: memref<128xi32, #tpu.memory_space<vmem>>, %arg13: memref<128x128xf32, #tpu.memory_space<vmem>>, %arg14: memref<128x128xf32, #tpu.memory_space<vmem>>, %arg15: memref<128x128xf32, #tpu.memory_space<vmem>>, %arg16: memref<!tpu.dma_semaphore, #tpu.memory_space<semaphore_mem>>, %arg17: memref<!tpu.dma_semaphore, #tpu.memory_space<semaphore_mem>>, %arg18: memref<!tpu.dma_semaphore, #tpu.memory_space<semaphore_mem>>, %arg19: memref<!tpu.dma_semaphore, #tpu.memory_space<semaphore_mem>>, %arg20: memref<!tpu.dma_semaphore, #tpu.memory_space<semaphore_mem>>, %arg21: memref<!tpu.dma_semaphore, #tpu.memory_space<semaphore_mem>>, %arg22: memref<!tpu.dma_semaphore, #tpu.memory_space<semaphore_mem>>, %arg23: memref<!tpu.dma_semaphore, #tpu.memory_space<semaphore_mem>>, %arg24: memref<!tpu.dma_semaphore, #tpu.memory_space<semaphore_mem>>, %arg25: memref<10048x128xf32, #tpu.memory_space<vmem_shared>>) attributes {dimension_semantics = [#tpu.dimension_semantics<core_parallel>, #tpu.dimension_semantics<subcore_parallel>], iteration_bounds = array<i64: 2, 16>, scalar_prefetch = 0 : i64, scratch_operands = 19 : i64, tpu.core_type = #tpu.core_type<sc_vector_subcore>, window_params = [{transform_indices = #map}, {transform_indices = #map}, {transform_indices = #map1}, {transform_indices = #map1}, {transform_indices = #map1}]} {
    %mul3A = arith.constant 16 : i32
    %mul3A_0 = arith.muli %arg0, %mul3A : i32
    %add3A = arith.addi %mul3A_0, %arg1 : i32
    %mul3A_1 = arith.constant 10240 : i32
    %mul3A_2 = arith.muli %add3A, %mul3A_1 : i32
    %mul3A_3 = arith.constant 624 : i32
    %mul3A_4 = arith.muli %arg1, %mul3A_3 : i32
    %mul3A_5 = arith.constant 624 : i32
    %mul3A_6 = arith.muli %arg1, %mul3A_5 : i32
    "tpu.region"() ({
      %run_scoped3A = tpu.sem_alloc : memref<!tpu.dma_semaphore, #tpu.memory_space<semaphore_mem>>
      %dma_start3A_135 = arith.constant 0 : i32
      %dma_start3A_136 = tpu.memref_slice %arg25[%mul3A_6, %dma_start3A_135] : memref<10048x128xf32, #tpu.memory_space<vmem_shared>> -> memref<624x128xf32, #tpu.memory_space<vmem_shared>>
      %dma_start3A_137 = arith.constant 0 : i32
      %dma_start3A_138 = tpu.memref_slice %arg5[%mul3A_4, %dma_start3A_137] : memref<10000x128xf32, #tpu.memory_space<hbm>> -> memref<624x128xf32, #tpu.memory_space<hbm>>
      tpu.enqueue_dma source(%dma_start3A_138 : memref<624x128xf32, #tpu.memory_space<hbm>>) target(%dma_start3A_136 : memref<624x128xf32, #tpu.memory_space<vmem_shared>>) target_semaphore(%run_scoped3A : memref<!tpu.dma_semaphore, #tpu.memory_space<semaphore_mem>>)
      %dma_wait3A_139 = arith.constant 0 : i32
      %dma_wait3A_140 = tpu.memref_slice %arg25[%mul3A_6, %dma_wait3A_139] : memref<10048x128xf32, #tpu.memory_space<vmem_shared>> -> memref<624x128xf32, #tpu.memory_space<vmem_shared>>
      %dma_wait3A_141 = arith.constant 0 : i32
      %dma_wait3A_142 = tpu.memref_slice %arg5[%mul3A_4, %dma_wait3A_141] : memref<10000x128xf32, #tpu.memory_space<hbm>> -> memref<624x128xf32, #tpu.memory_space<hbm>>
      tpu.wait_dma2 semaphore(%run_scoped3A : memref<!tpu.dma_semaphore, #tpu.memory_space<semaphore_mem>>) src(%dma_wait3A_142 : memref<624x128xf32, #tpu.memory_space<hbm>>) dst(%dma_wait3A_140 : memref<624x128xf32, #tpu.memory_space<vmem_shared>>)
      tpu.yield
    }) : () -> ()
    %eq3A = arith.constant 0 : i32
    %eq3A_7 = arith.cmpi eq, %arg1, %eq3A : i32
    %convert_element_type3A = arith.extui %eq3A_7 : i1 to i32
    %cond3A = arith.constant 0 : i32
    %cond3A_8 = arith.cmpi ne, %convert_element_type3A, %cond3A : i32
    scf.if %cond3A_8 {
      "tpu.region"() ({
        %run_scoped3A = tpu.sem_alloc : memref<!tpu.dma_semaphore, #tpu.memory_space<semaphore_mem>>
        %dma_start3A_135 = arith.constant 9984 : i32
        %dma_start3A_136 = arith.constant 0 : i32
        %dma_start3A_137 = tpu.memref_slice %arg25[%dma_start3A_135, %dma_start3A_136] : memref<10048x128xf32, #tpu.memory_space<vmem_shared>> -> memref<16x128xf32, #tpu.memory_space<vmem_shared>>
        %dma_start3A_138 = arith.constant 9984 : i32
        %dma_start3A_139 = arith.constant 0 : i32
        %dma_start3A_140 = tpu.memref_slice %arg5[%dma_start3A_138, %dma_start3A_139] : memref<10000x128xf32, #tpu.memory_space<hbm>> -> memref<16x128xf32, #tpu.memory_space<hbm>>
        tpu.enqueue_dma source(%dma_start3A_140 : memref<16x128xf32, #tpu.memory_space<hbm>>) target(%dma_start3A_137 : memref<16x128xf32, #tpu.memory_space<vmem_shared>>) target_semaphore(%run_scoped3A : memref<!tpu.dma_semaphore, #tpu.memory_space<semaphore_mem>>)
        %dma_wait3A_141 = arith.constant 9984 : i32
        %dma_wait3A_142 = arith.constant 0 : i32
        %dma_wait3A_143 = tpu.memref_slice %arg25[%dma_wait3A_141, %dma_wait3A_142] : memref<10048x128xf32, #tpu.memory_space<vmem_shared>> -> memref<16x128xf32, #tpu.memory_space<vmem_shared>>
        %dma_wait3A_144 = arith.constant 9984 : i32
        %dma_wait3A_145 = arith.constant 0 : i32
        %dma_wait3A_146 = tpu.memref_slice %arg5[%dma_wait3A_144, %dma_wait3A_145] : memref<10000x128xf32, #tpu.memory_space<hbm>> -> memref<16x128xf32, #tpu.memory_space<hbm>>
        tpu.wait_dma2 semaphore(%run_scoped3A : memref<!tpu.dma_semaphore, #tpu.memory_space<semaphore_mem>>) src(%dma_wait3A_146 : memref<16x128xf32, #tpu.memory_space<hbm>>) dst(%dma_wait3A_143 : memref<16x128xf32, #tpu.memory_space<vmem_shared>>)
        tpu.yield
      }) : () -> ()
    } else {
    }
    %barrier3A = arith.constant 0 : index
    tpu.barrier barrier_id(%barrier3A)
    %add3A_9 = arith.constant 0 : i32
    %add3A_10 = arith.addi %mul3A_2, %add3A_9 : i32
    %dma_start3A = tpu.memref_slice %arg2[%add3A_10] : memref<327680xi32, #tpu.memory_space<hbm>> -> memref<128xi32, #tpu.memory_space<hbm>>
    %dma_start3A_11 = tpu.memref_slice %arg2[%add3A_10] : memref<327680xi32, #tpu.memory_space<hbm>> -> memref<128xi32, #tpu.memory_space<hbm>>
    tpu.enqueue_dma source(%dma_start3A_11 : memref<128xi32, #tpu.memory_space<hbm>>) target(%arg7 : memref<128xi32, #tpu.memory_space<vmem>>) target_semaphore(%arg19 : memref<!tpu.dma_semaphore, #tpu.memory_space<semaphore_mem>>)
    %add3A_12 = arith.constant 128 : i32
    %add3A_13 = arith.addi %mul3A_2, %add3A_12 : i32
    %dma_start3A_14 = tpu.memref_slice %arg2[%add3A_13] : memref<327680xi32, #tpu.memory_space<hbm>> -> memref<128xi32, #tpu.memory_space<hbm>>
    %dma_start3A_15 = tpu.memref_slice %arg2[%add3A_13] : memref<327680xi32, #tpu.memory_space<hbm>> -> memref<128xi32, #tpu.memory_space<hbm>>
    tpu.enqueue_dma source(%dma_start3A_15 : memref<128xi32, #tpu.memory_space<hbm>>) target(%arg8 : memref<128xi32, #tpu.memory_space<vmem>>) target_semaphore(%arg20 : memref<!tpu.dma_semaphore, #tpu.memory_space<semaphore_mem>>)
    %add3A_16 = arith.constant 256 : i32
    %add3A_17 = arith.addi %mul3A_2, %add3A_16 : i32
    %dma_start3A_18 = tpu.memref_slice %arg2[%add3A_17] : memref<327680xi32, #tpu.memory_space<hbm>> -> memref<128xi32, #tpu.memory_space<hbm>>
    %dma_start3A_19 = tpu.memref_slice %arg2[%add3A_17] : memref<327680xi32, #tpu.memory_space<hbm>> -> memref<128xi32, #tpu.memory_space<hbm>>
    tpu.enqueue_dma source(%dma_start3A_19 : memref<128xi32, #tpu.memory_space<hbm>>) target(%arg9 : memref<128xi32, #tpu.memory_space<vmem>>) target_semaphore(%arg21 : memref<!tpu.dma_semaphore, #tpu.memory_space<semaphore_mem>>)
    %add3A_20 = arith.constant 0 : i32
    %add3A_21 = arith.addi %mul3A_2, %add3A_20 : i32
    %dma_start3A_22 = tpu.memref_slice %arg3[%add3A_21] : memref<327680xi32, #tpu.memory_space<hbm>> -> memref<128xi32, #tpu.memory_space<hbm>>
    %dma_start3A_23 = tpu.memref_slice %arg3[%add3A_21] : memref<327680xi32, #tpu.memory_space<hbm>> -> memref<128xi32, #tpu.memory_space<hbm>>
    tpu.enqueue_dma source(%dma_start3A_23 : memref<128xi32, #tpu.memory_space<hbm>>) target(%arg10 : memref<128xi32, #tpu.memory_space<vmem>>) target_semaphore(%arg22 : memref<!tpu.dma_semaphore, #tpu.memory_space<semaphore_mem>>)
    %add3A_24 = arith.constant 128 : i32
    %add3A_25 = arith.addi %mul3A_2, %add3A_24 : i32
    %dma_start3A_26 = tpu.memref_slice %arg3[%add3A_25] : memref<327680xi32, #tpu.memory_space<hbm>> -> memref<128xi32, #tpu.memory_space<hbm>>
    %dma_start3A_27 = tpu.memref_slice %arg3[%add3A_25] : memref<327680xi32, #tpu.memory_space<hbm>> -> memref<128xi32, #tpu.memory_space<hbm>>
    tpu.enqueue_dma source(%dma_start3A_27 : memref<128xi32, #tpu.memory_space<hbm>>) target(%arg11 : memref<128xi32, #tpu.memory_space<vmem>>) target_semaphore(%arg23 : memref<!tpu.dma_semaphore, #tpu.memory_space<semaphore_mem>>)
    %add3A_28 = arith.constant 256 : i32
    %add3A_29 = arith.addi %mul3A_2, %add3A_28 : i32
    %dma_start3A_30 = tpu.memref_slice %arg3[%add3A_29] : memref<327680xi32, #tpu.memory_space<hbm>> -> memref<128xi32, #tpu.memory_space<hbm>>
    %dma_start3A_31 = tpu.memref_slice %arg3[%add3A_29] : memref<327680xi32, #tpu.memory_space<hbm>> -> memref<128xi32, #tpu.memory_space<hbm>>
    tpu.enqueue_dma source(%dma_start3A_31 : memref<128xi32, #tpu.memory_space<hbm>>) target(%arg12 : memref<128xi32, #tpu.memory_space<vmem>>) target_semaphore(%arg24 : memref<!tpu.dma_semaphore, #tpu.memory_space<semaphore_mem>>)
    %add3A_32 = arith.constant 0 : i32
    %add3A_33 = arith.addi %mul3A_2, %add3A_32 : i32
    %dma_wait3A = tpu.memref_slice %arg2[%add3A_33] : memref<327680xi32, #tpu.memory_space<hbm>> -> memref<128xi32, #tpu.memory_space<hbm>>
    %dma_wait3A_34 = tpu.memref_slice %arg2[%add3A_33] : memref<327680xi32, #tpu.memory_space<hbm>> -> memref<128xi32, #tpu.memory_space<hbm>>
    tpu.wait_dma2 semaphore(%arg19 : memref<!tpu.dma_semaphore, #tpu.memory_space<semaphore_mem>>) src(%dma_wait3A_34 : memref<128xi32, #tpu.memory_space<hbm>>) dst(%arg7 : memref<128xi32, #tpu.memory_space<vmem>>)
    %dma_start3A_35 = arith.constant 0 : i32
    %dma_start3A_36 = arith.constant 0 : i32
    %dma_start3A_37 = tpu.memref_slice %arg4[%dma_start3A_35, %dma_start3A_36] : memref<10000x128xf32, #tpu.memory_space<hbm>> -> memref<10000x128xf32, #tpu.memory_space<hbm>>
    tpu.enqueue_indirect_dma source(%dma_start3A_37 : memref<10000x128xf32, #tpu.memory_space<hbm>>) target(%arg13 : memref<128x128xf32, #tpu.memory_space<vmem>>) offsets(%arg7 : memref<128xi32, #tpu.memory_space<vmem>>) semaphore(%arg16 : memref<!tpu.dma_semaphore, #tpu.memory_space<semaphore_mem>>)
    %add3A_38 = arith.constant 128 : i32
    %add3A_39 = arith.addi %mul3A_2, %add3A_38 : i32
    %dma_wait3A_40 = tpu.memref_slice %arg2[%add3A_39] : memref<327680xi32, #tpu.memory_space<hbm>> -> memref<128xi32, #tpu.memory_space<hbm>>
    %dma_wait3A_41 = tpu.memref_slice %arg2[%add3A_39] : memref<327680xi32, #tpu.memory_space<hbm>> -> memref<128xi32, #tpu.memory_space<hbm>>
    tpu.wait_dma2 semaphore(%arg20 : memref<!tpu.dma_semaphore, #tpu.memory_space<semaphore_mem>>) src(%dma_wait3A_41 : memref<128xi32, #tpu.memory_space<hbm>>) dst(%arg8 : memref<128xi32, #tpu.memory_space<vmem>>)
    %dma_start3A_42 = arith.constant 0 : i32
    %dma_start3A_43 = arith.constant 0 : i32
    %dma_start3A_44 = tpu.memref_slice %arg4[%dma_start3A_42, %dma_start3A_43] : memref<10000x128xf32, #tpu.memory_space<hbm>> -> memref<10000x128xf32, #tpu.memory_space<hbm>>
    tpu.enqueue_indirect_dma source(%dma_start3A_44 : memref<10000x128xf32, #tpu.memory_space<hbm>>) target(%arg14 : memref<128x128xf32, #tpu.memory_space<vmem>>) offsets(%arg8 : memref<128xi32, #tpu.memory_space<vmem>>) semaphore(%arg17 : memref<!tpu.dma_semaphore, #tpu.memory_space<semaphore_mem>>)
    %scan3A = arith.constant 0 : i32
    %scan3A_45 = arith.constant 0 : i32
    %scan3A_46 = arith.constant 25 : i32
    %scan3A_47 = arith.addi %scan3A_45, %scan3A_46 : i32
    %scan3A_48 = arith.constant 1 : i32
    scf.for %scan3A_135 = %scan3A_45 to %scan3A_47 step %scan3A_48  : i32 {
      %mul3A_136 = arith.constant 3 : i32
      %mul3A_137 = arith.muli %mul3A_136, %scan3A_135 : i32
      %dma_wait3A_138 = arith.constant 0 : i32
      %dma_wait3A_139 = arith.constant 0 : i32
      %dma_wait3A_140 = tpu.memref_slice %arg4[%dma_wait3A_138, %dma_wait3A_139] : memref<10000x128xf32, #tpu.memory_space<hbm>> -> memref<10000x128xf32, #tpu.memory_space<hbm>>
      tpu.wait_indirect_dma semaphore(%arg16 : memref<!tpu.dma_semaphore, #tpu.memory_space<semaphore_mem>>) src(%dma_wait3A_140 : memref<10000x128xf32, #tpu.memory_space<hbm>>) dst(%arg13 : memref<128x128xf32, #tpu.memory_space<vmem>>)
      %add3A_141 = arith.constant 2 : i32
      %add3A_142 = arith.addi %mul3A_137, %add3A_141 : i32
      %mul3A_143 = arith.constant 128 : i32
      %mul3A_144 = arith.muli %add3A_142, %mul3A_143 : i32
      %add3A_145 = arith.addi %mul3A_2, %mul3A_144 : i32
      %dma_wait3A_146 = tpu.memref_slice %arg2[%add3A_145] : memref<327680xi32, #tpu.memory_space<hbm>> -> memref<128xi32, #tpu.memory_space<hbm>>
      %dma_wait3A_147 = tpu.memref_slice %arg2[%add3A_145] : memref<327680xi32, #tpu.memory_space<hbm>> -> memref<128xi32, #tpu.memory_space<hbm>>
      tpu.wait_dma2 semaphore(%arg21 : memref<!tpu.dma_semaphore, #tpu.memory_space<semaphore_mem>>) src(%dma_wait3A_147 : memref<128xi32, #tpu.memory_space<hbm>>) dst(%arg9 : memref<128xi32, #tpu.memory_space<vmem>>)
      %add3A_148 = arith.constant 2 : i32
      %add3A_149 = arith.addi %mul3A_137, %add3A_148 : i32
      %dma_start3A_150 = arith.constant 0 : i32
      %dma_start3A_151 = arith.constant 0 : i32
      %dma_start3A_152 = tpu.memref_slice %arg4[%dma_start3A_150, %dma_start3A_151] : memref<10000x128xf32, #tpu.memory_space<hbm>> -> memref<10000x128xf32, #tpu.memory_space<hbm>>
      tpu.enqueue_indirect_dma source(%dma_start3A_152 : memref<10000x128xf32, #tpu.memory_space<hbm>>) target(%arg15 : memref<128x128xf32, #tpu.memory_space<vmem>>) offsets(%arg9 : memref<128xi32, #tpu.memory_space<vmem>>) semaphore(%arg18 : memref<!tpu.dma_semaphore, #tpu.memory_space<semaphore_mem>>)
      %add3A_153 = arith.constant 3 : i32
      %add3A_154 = arith.addi %mul3A_137, %add3A_153 : i32
      %mul3A_155 = arith.constant 128 : i32
      %mul3A_156 = arith.muli %add3A_154, %mul3A_155 : i32
      %add3A_157 = arith.addi %mul3A_2, %mul3A_156 : i32
      %dma_start3A_158 = tpu.memref_slice %arg2[%add3A_157] : memref<327680xi32, #tpu.memory_space<hbm>> -> memref<128xi32, #tpu.memory_space<hbm>>
      %dma_start3A_159 = tpu.memref_slice %arg2[%add3A_157] : memref<327680xi32, #tpu.memory_space<hbm>> -> memref<128xi32, #tpu.memory_space<hbm>>
      tpu.enqueue_dma source(%dma_start3A_159 : memref<128xi32, #tpu.memory_space<hbm>>) target(%arg7 : memref<128xi32, #tpu.memory_space<vmem>>) target_semaphore(%arg19 : memref<!tpu.dma_semaphore, #tpu.memory_space<semaphore_mem>>)
      %mul3A_160 = arith.constant 128 : i32
      %mul3A_161 = arith.muli %mul3A_137, %mul3A_160 : i32
      %add3A_162 = arith.addi %mul3A_2, %mul3A_161 : i32
      %dma_wait3A_163 = tpu.memref_slice %arg3[%add3A_162] : memref<327680xi32, #tpu.memory_space<hbm>> -> memref<128xi32, #tpu.memory_space<hbm>>
      %dma_wait3A_164 = tpu.memref_slice %arg3[%add3A_162] : memref<327680xi32, #tpu.memory_space<hbm>> -> memref<128xi32, #tpu.memory_space<hbm>>
      tpu.wait_dma2 semaphore(%arg22 : memref<!tpu.dma_semaphore, #tpu.memory_space<semaphore_mem>>) src(%dma_wait3A_164 : memref<128xi32, #tpu.memory_space<hbm>>) dst(%arg10 : memref<128xi32, #tpu.memory_space<vmem>>)
      "tpu.region"() ({
        %run_scoped3A = tpu.sem_alloc : memref<!tpu.dma_semaphore, #tpu.memory_space<semaphore_mem>>
        %dma_start3A_244 = arith.constant 0 : i32
        %dma_start3A_245 = arith.constant 0 : i32
        %dma_start3A_246 = tpu.memref_slice %arg25[%dma_start3A_244, %dma_start3A_245] : memref<10048x128xf32, #tpu.memory_space<vmem_shared>> -> memref<10048x128xf32, #tpu.memory_space<vmem_shared>>
        tpu.enqueue_indirect_dma source(%arg13 : memref<128x128xf32, #tpu.memory_space<vmem>>) target(%dma_start3A_246 : memref<10048x128xf32, #tpu.memory_space<vmem_shared>>) offsets(%arg10 : memref<128xi32, #tpu.memory_space<vmem>>) semaphore(%run_scoped3A : memref<!tpu.dma_semaphore, #tpu.memory_space<semaphore_mem>>) {add = true}
        %dma_wait3A_247 = arith.constant 0 : i32
        %dma_wait3A_248 = arith.constant 0 : i32
        %dma_wait3A_249 = tpu.memref_slice %arg25[%dma_wait3A_247, %dma_wait3A_248] : memref<10048x128xf32, #tpu.memory_space<vmem_shared>> -> memref<10048x128xf32, #tpu.memory_space<vmem_shared>>
        tpu.wait_indirect_dma semaphore(%run_scoped3A : memref<!tpu.dma_semaphore, #tpu.memory_space<semaphore_mem>>) src(%arg13 : memref<128x128xf32, #tpu.memory_space<vmem>>) dst(%dma_wait3A_249 : memref<10048x128xf32, #tpu.memory_space<vmem_shared>>)
        tpu.yield
      }) : () -> ()
      %add3A_165 = arith.constant 3 : i32
      %add3A_166 = arith.addi %mul3A_137, %add3A_165 : i32
      %mul3A_167 = arith.constant 128 : i32
      %mul3A_168 = arith.muli %add3A_166, %mul3A_167 : i32
      %add3A_169 = arith.addi %mul3A_2, %mul3A_168 : i32
      %dma_start3A_170 = tpu.memref_slice %arg3[%add3A_169] : memref<327680xi32, #tpu.memory_space<hbm>> -> memref<128xi32, #tpu.memory_space<hbm>>
      %dma_start3A_171 = tpu.memref_slice %arg3[%add3A_169] : memref<327680xi32, #tpu.memory_space<hbm>> -> memref<128xi32, #tpu.memory_space<hbm>>
      tpu.enqueue_dma source(%dma_start3A_171 : memref<128xi32, #tpu.memory_space<hbm>>) target(%arg10 : memref<128xi32, #tpu.memory_space<vmem>>) target_semaphore(%arg22 : memref<!tpu.dma_semaphore, #tpu.memory_space<semaphore_mem>>)
      %add3A_172 = arith.constant 1 : i32
      %add3A_173 = arith.addi %mul3A_137, %add3A_172 : i32
      %dma_wait3A_174 = arith.constant 0 : i32
      %dma_wait3A_175 = arith.constant 0 : i32
      %dma_wait3A_176 = tpu.memref_slice %arg4[%dma_wait3A_174, %dma_wait3A_175] : memref<10000x128xf32, #tpu.memory_space<hbm>> -> memref<10000x128xf32, #tpu.memory_space<hbm>>
      tpu.wait_indirect_dma semaphore(%arg17 : memref<!tpu.dma_semaphore, #tpu.memory_space<semaphore_mem>>) src(%dma_wait3A_176 : memref<10000x128xf32, #tpu.memory_space<hbm>>) dst(%arg14 : memref<128x128xf32, #tpu.memory_space<vmem>>)
      %add3A_177 = arith.constant 2 : i32
      %add3A_178 = arith.addi %add3A_173, %add3A_177 : i32
      %mul3A_179 = arith.constant 128 : i32
      %mul3A_180 = arith.muli %add3A_178, %mul3A_179 : i32
      %add3A_181 = arith.addi %mul3A_2, %mul3A_180 : i32
      %dma_wait3A_182 = tpu.memref_slice %arg2[%add3A_181] : memref<327680xi32, #tpu.memory_space<hbm>> -> memref<128xi32, #tpu.memory_space<hbm>>
      %dma_wait3A_183 = tpu.memref_slice %arg2[%add3A_181] : memref<327680xi32, #tpu.memory_space<hbm>> -> memref<128xi32, #tpu.memory_space<hbm>>
      tpu.wait_dma2 semaphore(%arg19 : memref<!tpu.dma_semaphore, #tpu.memory_space<semaphore_mem>>) src(%dma_wait3A_183 : memref<128xi32, #tpu.memory_space<hbm>>) dst(%arg7 : memref<128xi32, #tpu.memory_space<vmem>>)
      %add3A_184 = arith.constant 2 : i32
      %add3A_185 = arith.addi %add3A_173, %add3A_184 : i32
      %dma_start3A_186 = arith.constant 0 : i32
      %dma_start3A_187 = arith.constant 0 : i32
      %dma_start3A_188 = tpu.memref_slice %arg4[%dma_start3A_186, %dma_start3A_187] : memref<10000x128xf32, #tpu.memory_space<hbm>> -> memref<10000x128xf32, #tpu.memory_space<hbm>>
      tpu.enqueue_indirect_dma source(%dma_start3A_188 : memref<10000x128xf32, #tpu.memory_space<hbm>>) target(%arg13 : memref<128x128xf32, #tpu.memory_space<vmem>>) offsets(%arg7 : memref<128xi32, #tpu.memory_space<vmem>>) semaphore(%arg16 : memref<!tpu.dma_semaphore, #tpu.memory_space<semaphore_mem>>)
      %add3A_189 = arith.constant 3 : i32
      %add3A_190 = arith.addi %add3A_173, %add3A_189 : i32
      %mul3A_191 = arith.constant 128 : i32
      %mul3A_192 = arith.muli %add3A_190, %mul3A_191 : i32
      %add3A_193 = arith.addi %mul3A_2, %mul3A_192 : i32
      %dma_start3A_194 = tpu.memref_slice %arg2[%add3A_193] : memref<327680xi32, #tpu.memory_space<hbm>> -> memref<128xi32, #tpu.memory_space<hbm>>
      %dma_start3A_195 = tpu.memref_slice %arg2[%add3A_193] : memref<327680xi32, #tpu.memory_space<hbm>> -> memref<128xi32, #tpu.memory_space<hbm>>
      tpu.enqueue_dma source(%dma_start3A_195 : memref<128xi32, #tpu.memory_space<hbm>>) target(%arg8 : memref<128xi32, #tpu.memory_space<vmem>>) target_semaphore(%arg20 : memref<!tpu.dma_semaphore, #tpu.memory_space<semaphore_mem>>)
      %mul3A_196 = arith.constant 128 : i32
      %mul3A_197 = arith.muli %add3A_173, %mul3A_196 : i32
      %add3A_198 = arith.addi %mul3A_2, %mul3A_197 : i32
      %dma_wait3A_199 = tpu.memref_slice %arg3[%add3A_198] : memref<327680xi32, #tpu.memory_space<hbm>> -> memref<128xi32, #tpu.memory_space<hbm>>
      %dma_wait3A_200 = tpu.memref_slice %arg3[%add3A_198] : memref<327680xi32, #tpu.memory_space<hbm>> -> memref<128xi32, #tpu.memory_space<hbm>>
      tpu.wait_dma2 semaphore(%arg23 : memref<!tpu.dma_semaphore, #tpu.memory_space<semaphore_mem>>) src(%dma_wait3A_200 : memref<128xi32, #tpu.memory_space<hbm>>) dst(%arg11 : memref<128xi32, #tpu.memory_space<vmem>>)
      "tpu.region"() ({
        %run_scoped3A = tpu.sem_alloc : memref<!tpu.dma_semaphore, #tpu.memory_space<semaphore_mem>>
        %dma_start3A_244 = arith.constant 0 : i32
        %dma_start3A_245 = arith.constant 0 : i32
        %dma_start3A_246 = tpu.memref_slice %arg25[%dma_start3A_244, %dma_start3A_245] : memref<10048x128xf32, #tpu.memory_space<vmem_shared>> -> memref<10048x128xf32, #tpu.memory_space<vmem_shared>>
        tpu.enqueue_indirect_dma source(%arg14 : memref<128x128xf32, #tpu.memory_space<vmem>>) target(%dma_start3A_246 : memref<10048x128xf32, #tpu.memory_space<vmem_shared>>) offsets(%arg11 : memref<128xi32, #tpu.memory_space<vmem>>) semaphore(%run_scoped3A : memref<!tpu.dma_semaphore, #tpu.memory_space<semaphore_mem>>) {add = true}
        %dma_wait3A_247 = arith.constant 0 : i32
        %dma_wait3A_248 = arith.constant 0 : i32
        %dma_wait3A_249 = tpu.memref_slice %arg25[%dma_wait3A_247, %dma_wait3A_248] : memref<10048x128xf32, #tpu.memory_space<vmem_shared>> -> memref<10048x128xf32, #tpu.memory_space<vmem_shared>>
        tpu.wait_indirect_dma semaphore(%run_scoped3A : memref<!tpu.dma_semaphore, #tpu.memory_space<semaphore_mem>>) src(%arg14 : memref<128x128xf32, #tpu.memory_space<vmem>>) dst(%dma_wait3A_249 : memref<10048x128xf32, #tpu.memory_space<vmem_shared>>)
        tpu.yield
      }) : () -> ()
      %add3A_201 = arith.constant 3 : i32
      %add3A_202 = arith.addi %add3A_173, %add3A_201 : i32
      %mul3A_203 = arith.constant 128 : i32
      %mul3A_204 = arith.muli %add3A_202, %mul3A_203 : i32
      %add3A_205 = arith.addi %mul3A_2, %mul3A_204 : i32
      %dma_start3A_206 = tpu.memref_slice %arg3[%add3A_205] : memref<327680xi32, #tpu.memory_space<hbm>> -> memref<128xi32, #tpu.memory_space<hbm>>
      %dma_start3A_207 = tpu.memref_slice %arg3[%add3A_205] : memref<327680xi32, #tpu.memory_space<hbm>> -> memref<128xi32, #tpu.memory_space<hbm>>
      tpu.enqueue_dma source(%dma_start3A_207 : memref<128xi32, #tpu.memory_space<hbm>>) target(%arg11 : memref<128xi32, #tpu.memory_space<vmem>>) target_semaphore(%arg23 : memref<!tpu.dma_semaphore, #tpu.memory_space<semaphore_mem>>)
      %add3A_208 = arith.constant 2 : i32
      %add3A_209 = arith.addi %mul3A_137, %add3A_208 : i32
      %dma_wait3A_210 = arith.constant 0 : i32
      %dma_wait3A_211 = arith.constant 0 : i32
      %dma_wait3A_212 = tpu.memref_slice %arg4[%dma_wait3A_210, %dma_wait3A_211] : memref<10000x128xf32, #tpu.memory_space<hbm>> -> memref<10000x128xf32, #tpu.memory_space<hbm>>
      tpu.wait_indirect_dma semaphore(%arg18 : memref<!tpu.dma_semaphore, #tpu.memory_space<semaphore_mem>>) src(%dma_wait3A_212 : memref<10000x128xf32, #tpu.memory_space<hbm>>) dst(%arg15 : memref<128x128xf32, #tpu.memory_space<vmem>>)
      %add3A_213 = arith.constant 2 : i32
      %add3A_214 = arith.addi %add3A_209, %add3A_213 : i32
      %mul3A_215 = arith.constant 128 : i32
      %mul3A_216 = arith.muli %add3A_214, %mul3A_215 : i32
      %add3A_217 = arith.addi %mul3A_2, %mul3A_216 : i32
      %dma_wait3A_218 = tpu.memref_slice %arg2[%add3A_217] : memref<327680xi32, #tpu.memory_space<hbm>> -> memref<128xi32, #tpu.memory_space<hbm>>
      %dma_wait3A_219 = tpu.memref_slice %arg2[%add3A_217] : memref<327680xi32, #tpu.memory_space<hbm>> -> memref<128xi32, #tpu.memory_space<hbm>>
      tpu.wait_dma2 semaphore(%arg20 : memref<!tpu.dma_semaphore, #tpu.memory_space<semaphore_mem>>) src(%dma_wait3A_219 : memref<128xi32, #tpu.memory_space<hbm>>) dst(%arg8 : memref<128xi32, #tpu.memory_space<vmem>>)
      %add3A_220 = arith.constant 2 : i32
      %add3A_221 = arith.addi %add3A_209, %add3A_220 : i32
      %dma_start3A_222 = arith.constant 0 : i32
      %dma_start3A_223 = arith.constant 0 : i32
      %dma_start3A_224 = tpu.memref_slice %arg4[%dma_start3A_222, %dma_start3A_223] : memref<10000x128xf32, #tpu.memory_space<hbm>> -> memref<10000x128xf32, #tpu.memory_space<hbm>>
      tpu.enqueue_indirect_dma source(%dma_start3A_224 : memref<10000x128xf32, #tpu.memory_space<hbm>>) target(%arg14 : memref<128x128xf32, #tpu.memory_space<vmem>>) offsets(%arg8 : memref<128xi32, #tpu.memory_space<vmem>>) semaphore(%arg17 : memref<!tpu.dma_semaphore, #tpu.memory_space<semaphore_mem>>)
      %add3A_225 = arith.constant 3 : i32
      %add3A_226 = arith.addi %add3A_209, %add3A_225 : i32
      %mul3A_227 = arith.constant 128 : i32
      %mul3A_228 = arith.muli %add3A_226, %mul3A_227 : i32
      %add3A_229 = arith.addi %mul3A_2, %mul3A_228 : i32
      %dma_start3A_230 = tpu.memref_slice %arg2[%add3A_229] : memref<327680xi32, #tpu.memory_space<hbm>> -> memref<128xi32, #tpu.memory_space<hbm>>
      %dma_start3A_231 = tpu.memref_slice %arg2[%add3A_229] : memref<327680xi32, #tpu.memory_space<hbm>> -> memref<128xi32, #tpu.memory_space<hbm>>
      tpu.enqueue_dma source(%dma_start3A_231 : memref<128xi32, #tpu.memory_space<hbm>>) target(%arg9 : memref<128xi32, #tpu.memory_space<vmem>>) target_semaphore(%arg21 : memref<!tpu.dma_semaphore, #tpu.memory_space<semaphore_mem>>)
      %mul3A_232 = arith.constant 128 : i32
      %mul3A_233 = arith.muli %add3A_209, %mul3A_232 : i32
      %add3A_234 = arith.addi %mul3A_2, %mul3A_233 : i32
      %dma_wait3A_235 = tpu.memref_slice %arg3[%add3A_234] : memref<327680xi32, #tpu.memory_space<hbm>> -> memref<128xi32, #tpu.memory_space<hbm>>
      %dma_wait3A_236 = tpu.memref_slice %arg3[%add3A_234] : memref<327680xi32, #tpu.memory_space<hbm>> -> memref<128xi32, #tpu.memory_space<hbm>>
      tpu.wait_dma2 semaphore(%arg24 : memref<!tpu.dma_semaphore, #tpu.memory_space<semaphore_mem>>) src(%dma_wait3A_236 : memref<128xi32, #tpu.memory_space<hbm>>) dst(%arg12 : memref<128xi32, #tpu.memory_space<vmem>>)
      "tpu.region"() ({
        %run_scoped3A = tpu.sem_alloc : memref<!tpu.dma_semaphore, #tpu.memory_space<semaphore_mem>>
        %dma_start3A_244 = arith.constant 0 : i32
        %dma_start3A_245 = arith.constant 0 : i32
        %dma_start3A_246 = tpu.memref_slice %arg25[%dma_start3A_244, %dma_start3A_245] : memref<10048x128xf32, #tpu.memory_space<vmem_shared>> -> memref<10048x128xf32, #tpu.memory_space<vmem_shared>>
        tpu.enqueue_indirect_dma source(%arg15 : memref<128x128xf32, #tpu.memory_space<vmem>>) target(%dma_start3A_246 : memref<10048x128xf32, #tpu.memory_space<vmem_shared>>) offsets(%arg12 : memref<128xi32, #tpu.memory_space<vmem>>) semaphore(%run_scoped3A : memref<!tpu.dma_semaphore, #tpu.memory_space<semaphore_mem>>) {add = true}
        %dma_wait3A_247 = arith.constant 0 : i32
        %dma_wait3A_248 = arith.constant 0 : i32
        %dma_wait3A_249 = tpu.memref_slice %arg25[%dma_wait3A_247, %dma_wait3A_248] : memref<10048x128xf32, #tpu.memory_space<vmem_shared>> -> memref<10048x128xf32, #tpu.memory_space<vmem_shared>>
        tpu.wait_indirect_dma semaphore(%run_scoped3A : memref<!tpu.dma_semaphore, #tpu.memory_space<semaphore_mem>>) src(%arg15 : memref<128x128xf32, #tpu.memory_space<vmem>>) dst(%dma_wait3A_249 : memref<10048x128xf32, #tpu.memory_space<vmem_shared>>)
        tpu.yield
      }) : () -> ()
      %add3A_237 = arith.constant 3 : i32
      %add3A_238 = arith.addi %add3A_209, %add3A_237 : i32
      %mul3A_239 = arith.constant 128 : i32
      %mul3A_240 = arith.muli %add3A_238, %mul3A_239 : i32
      %add3A_241 = arith.addi %mul3A_2, %mul3A_240 : i32
      %dma_start3A_242 = tpu.memref_slice %arg3[%add3A_241] : memref<327680xi32, #tpu.memory_space<hbm>> -> memref<128xi32, #tpu.memory_space<hbm>>
      %dma_start3A_243 = tpu.memref_slice %arg3[%add3A_241] : memref<327680xi32, #tpu.memory_space<hbm>> -> memref<128xi32, #tpu.memory_space<hbm>>
      tpu.enqueue_dma source(%dma_start3A_243 : memref<128xi32, #tpu.memory_space<hbm>>) target(%arg12 : memref<128xi32, #tpu.memory_space<vmem>>) target_semaphore(%arg24 : memref<!tpu.dma_semaphore, #tpu.memory_space<semaphore_mem>>)
    }
    %scan3A_49 = arith.constant 25 : i32
    %dma_wait3A_50 = arith.constant 0 : i32
    %dma_wait3A_51 = arith.constant 0 : i32
    %dma_wait3A_52 = tpu.memref_slice %arg4[%dma_wait3A_50, %dma_wait3A_51] : memref<10000x128xf32, #tpu.memory_space<hbm>> -> memref<10000x128xf32, #tpu.memory_space<hbm>>
    tpu.wait_indirect_dma semaphore(%arg16 : memref<!tpu.dma_semaphore, #tpu.memory_space<semaphore_mem>>) src(%dma_wait3A_52 : memref<10000x128xf32, #tpu.memory_space<hbm>>) dst(%arg13 : memref<128x128xf32, #tpu.memory_space<vmem>>)
    %add3A_53 = arith.constant 9856 : i32
    %add3A_54 = arith.addi %mul3A_2, %add3A_53 : i32
    %dma_wait3A_55 = tpu.memref_slice %arg2[%add3A_54] : memref<327680xi32, #tpu.memory_space<hbm>> -> memref<128xi32, #tpu.memory_space<hbm>>
    %dma_wait3A_56 = tpu.memref_slice %arg2[%add3A_54] : memref<327680xi32, #tpu.memory_space<hbm>> -> memref<128xi32, #tpu.memory_space<hbm>>
    tpu.wait_dma2 semaphore(%arg21 : memref<!tpu.dma_semaphore, #tpu.memory_space<semaphore_mem>>) src(%dma_wait3A_56 : memref<128xi32, #tpu.memory_space<hbm>>) dst(%arg9 : memref<128xi32, #tpu.memory_space<vmem>>)
    %dma_start3A_57 = arith.constant 0 : i32
    %dma_start3A_58 = arith.constant 0 : i32
    %dma_start3A_59 = tpu.memref_slice %arg4[%dma_start3A_57, %dma_start3A_58] : memref<10000x128xf32, #tpu.memory_space<hbm>> -> memref<10000x128xf32, #tpu.memory_space<hbm>>
    tpu.enqueue_indirect_dma source(%dma_start3A_59 : memref<10000x128xf32, #tpu.memory_space<hbm>>) target(%arg15 : memref<128x128xf32, #tpu.memory_space<vmem>>) offsets(%arg9 : memref<128xi32, #tpu.memory_space<vmem>>) semaphore(%arg18 : memref<!tpu.dma_semaphore, #tpu.memory_space<semaphore_mem>>)
    %add3A_60 = arith.constant 9984 : i32
    %add3A_61 = arith.addi %mul3A_2, %add3A_60 : i32
    %dma_start3A_62 = tpu.memref_slice %arg2[%add3A_61] : memref<327680xi32, #tpu.memory_space<hbm>> -> memref<128xi32, #tpu.memory_space<hbm>>
    %dma_start3A_63 = tpu.memref_slice %arg2[%add3A_61] : memref<327680xi32, #tpu.memory_space<hbm>> -> memref<128xi32, #tpu.memory_space<hbm>>
    tpu.enqueue_dma source(%dma_start3A_63 : memref<128xi32, #tpu.memory_space<hbm>>) target(%arg7 : memref<128xi32, #tpu.memory_space<vmem>>) target_semaphore(%arg19 : memref<!tpu.dma_semaphore, #tpu.memory_space<semaphore_mem>>)
    %add3A_64 = arith.constant 9600 : i32
    %add3A_65 = arith.addi %mul3A_2, %add3A_64 : i32
    %dma_wait3A_66 = tpu.memref_slice %arg3[%add3A_65] : memref<327680xi32, #tpu.memory_space<hbm>> -> memref<128xi32, #tpu.memory_space<hbm>>
    %dma_wait3A_67 = tpu.memref_slice %arg3[%add3A_65] : memref<327680xi32, #tpu.memory_space<hbm>> -> memref<128xi32, #tpu.memory_space<hbm>>
    tpu.wait_dma2 semaphore(%arg22 : memref<!tpu.dma_semaphore, #tpu.memory_space<semaphore_mem>>) src(%dma_wait3A_67 : memref<128xi32, #tpu.memory_space<hbm>>) dst(%arg10 : memref<128xi32, #tpu.memory_space<vmem>>)
    "tpu.region"() ({
      %run_scoped3A = tpu.sem_alloc : memref<!tpu.dma_semaphore, #tpu.memory_space<semaphore_mem>>
      %dma_start3A_135 = arith.constant 0 : i32
      %dma_start3A_136 = arith.constant 0 : i32
      %dma_start3A_137 = tpu.memref_slice %arg25[%dma_start3A_135, %dma_start3A_136] : memref<10048x128xf32, #tpu.memory_space<vmem_shared>> -> memref<10048x128xf32, #tpu.memory_space<vmem_shared>>
      tpu.enqueue_indirect_dma source(%arg13 : memref<128x128xf32, #tpu.memory_space<vmem>>) target(%dma_start3A_137 : memref<10048x128xf32, #tpu.memory_space<vmem_shared>>) offsets(%arg10 : memref<128xi32, #tpu.memory_space<vmem>>) semaphore(%run_scoped3A : memref<!tpu.dma_semaphore, #tpu.memory_space<semaphore_mem>>) {add = true}
      %dma_wait3A_138 = arith.constant 0 : i32
      %dma_wait3A_139 = arith.constant 0 : i32
      %dma_wait3A_140 = tpu.memref_slice %arg25[%dma_wait3A_138, %dma_wait3A_139] : memref<10048x128xf32, #tpu.memory_space<vmem_shared>> -> memref<10048x128xf32, #tpu.memory_space<vmem_shared>>
      tpu.wait_indirect_dma semaphore(%run_scoped3A : memref<!tpu.dma_semaphore, #tpu.memory_space<semaphore_mem>>) src(%arg13 : memref<128x128xf32, #tpu.memory_space<vmem>>) dst(%dma_wait3A_140 : memref<10048x128xf32, #tpu.memory_space<vmem_shared>>)
      tpu.yield
    }) : () -> ()
    %add3A_68 = arith.constant 9984 : i32
    %add3A_69 = arith.addi %mul3A_2, %add3A_68 : i32
    %dma_start3A_70 = tpu.memref_slice %arg3[%add3A_69] : memref<327680xi32, #tpu.memory_space<hbm>> -> memref<128xi32, #tpu.memory_space<hbm>>
    %dma_start3A_71 = tpu.memref_slice %arg3[%add3A_69] : memref<327680xi32, #tpu.memory_space<hbm>> -> memref<128xi32, #tpu.memory_space<hbm>>
    tpu.enqueue_dma source(%dma_start3A_71 : memref<128xi32, #tpu.memory_space<hbm>>) target(%arg10 : memref<128xi32, #tpu.memory_space<vmem>>) target_semaphore(%arg22 : memref<!tpu.dma_semaphore, #tpu.memory_space<semaphore_mem>>)
    %dma_wait3A_72 = arith.constant 0 : i32
    %dma_wait3A_73 = arith.constant 0 : i32
    %dma_wait3A_74 = tpu.memref_slice %arg4[%dma_wait3A_72, %dma_wait3A_73] : memref<10000x128xf32, #tpu.memory_space<hbm>> -> memref<10000x128xf32, #tpu.memory_space<hbm>>
    tpu.wait_indirect_dma semaphore(%arg17 : memref<!tpu.dma_semaphore, #tpu.memory_space<semaphore_mem>>) src(%dma_wait3A_74 : memref<10000x128xf32, #tpu.memory_space<hbm>>) dst(%arg14 : memref<128x128xf32, #tpu.memory_space<vmem>>)
    %add3A_75 = arith.constant 9984 : i32
    %add3A_76 = arith.addi %mul3A_2, %add3A_75 : i32
    %dma_wait3A_77 = tpu.memref_slice %arg2[%add3A_76] : memref<327680xi32, #tpu.memory_space<hbm>> -> memref<128xi32, #tpu.memory_space<hbm>>
    %dma_wait3A_78 = tpu.memref_slice %arg2[%add3A_76] : memref<327680xi32, #tpu.memory_space<hbm>> -> memref<128xi32, #tpu.memory_space<hbm>>
    tpu.wait_dma2 semaphore(%arg19 : memref<!tpu.dma_semaphore, #tpu.memory_space<semaphore_mem>>) src(%dma_wait3A_78 : memref<128xi32, #tpu.memory_space<hbm>>) dst(%arg7 : memref<128xi32, #tpu.memory_space<vmem>>)
    %dma_start3A_79 = arith.constant 0 : i32
    %dma_start3A_80 = arith.constant 0 : i32
    %dma_start3A_81 = tpu.memref_slice %arg4[%dma_start3A_79, %dma_start3A_80] : memref<10000x128xf32, #tpu.memory_space<hbm>> -> memref<10000x128xf32, #tpu.memory_space<hbm>>
    tpu.enqueue_indirect_dma source(%dma_start3A_81 : memref<10000x128xf32, #tpu.memory_space<hbm>>) target(%arg13 : memref<128x128xf32, #tpu.memory_space<vmem>>) offsets(%arg7 : memref<128xi32, #tpu.memory_space<vmem>>) semaphore(%arg16 : memref<!tpu.dma_semaphore, #tpu.memory_space<semaphore_mem>>)
    %add3A_82 = arith.constant 10112 : i32
    %add3A_83 = arith.addi %mul3A_2, %add3A_82 : i32
    %dma_start3A_84 = tpu.memref_slice %arg2[%add3A_83] : memref<327680xi32, #tpu.memory_space<hbm>> -> memref<128xi32, #tpu.memory_space<hbm>>
    %dma_start3A_85 = tpu.memref_slice %arg2[%add3A_83] : memref<327680xi32, #tpu.memory_space<hbm>> -> memref<128xi32, #tpu.memory_space<hbm>>
    tpu.enqueue_dma source(%dma_start3A_85 : memref<128xi32, #tpu.memory_space<hbm>>) target(%arg8 : memref<128xi32, #tpu.memory_space<vmem>>) target_semaphore(%arg20 : memref<!tpu.dma_semaphore, #tpu.memory_space<semaphore_mem>>)
    %add3A_86 = arith.constant 9728 : i32
    %add3A_87 = arith.addi %mul3A_2, %add3A_86 : i32
    %dma_wait3A_88 = tpu.memref_slice %arg3[%add3A_87] : memref<327680xi32, #tpu.memory_space<hbm>> -> memref<128xi32, #tpu.memory_space<hbm>>
    %dma_wait3A_89 = tpu.memref_slice %arg3[%add3A_87] : memref<327680xi32, #tpu.memory_space<hbm>> -> memref<128xi32, #tpu.memory_space<hbm>>
    tpu.wait_dma2 semaphore(%arg23 : memref<!tpu.dma_semaphore, #tpu.memory_space<semaphore_mem>>) src(%dma_wait3A_89 : memref<128xi32, #tpu.memory_space<hbm>>) dst(%arg11 : memref<128xi32, #tpu.memory_space<vmem>>)
    "tpu.region"() ({
      %run_scoped3A = tpu.sem_alloc : memref<!tpu.dma_semaphore, #tpu.memory_space<semaphore_mem>>
      %dma_start3A_135 = arith.constant 0 : i32
      %dma_start3A_136 = arith.constant 0 : i32
      %dma_start3A_137 = tpu.memref_slice %arg25[%dma_start3A_135, %dma_start3A_136] : memref<10048x128xf32, #tpu.memory_space<vmem_shared>> -> memref<10048x128xf32, #tpu.memory_space<vmem_shared>>
      tpu.enqueue_indirect_dma source(%arg14 : memref<128x128xf32, #tpu.memory_space<vmem>>) target(%dma_start3A_137 : memref<10048x128xf32, #tpu.memory_space<vmem_shared>>) offsets(%arg11 : memref<128xi32, #tpu.memory_space<vmem>>) semaphore(%run_scoped3A : memref<!tpu.dma_semaphore, #tpu.memory_space<semaphore_mem>>) {add = true}
      %dma_wait3A_138 = arith.constant 0 : i32
      %dma_wait3A_139 = arith.constant 0 : i32
      %dma_wait3A_140 = tpu.memref_slice %arg25[%dma_wait3A_138, %dma_wait3A_139] : memref<10048x128xf32, #tpu.memory_space<vmem_shared>> -> memref<10048x128xf32, #tpu.memory_space<vmem_shared>>
      tpu.wait_indirect_dma semaphore(%run_scoped3A : memref<!tpu.dma_semaphore, #tpu.memory_space<semaphore_mem>>) src(%arg14 : memref<128x128xf32, #tpu.memory_space<vmem>>) dst(%dma_wait3A_140 : memref<10048x128xf32, #tpu.memory_space<vmem_shared>>)
      tpu.yield
    }) : () -> ()
    %add3A_90 = arith.constant 10112 : i32
    %add3A_91 = arith.addi %mul3A_2, %add3A_90 : i32
    %dma_start3A_92 = tpu.memref_slice %arg3[%add3A_91] : memref<327680xi32, #tpu.memory_space<hbm>> -> memref<128xi32, #tpu.memory_space<hbm>>
    %dma_start3A_93 = tpu.memref_slice %arg3[%add3A_91] : memref<327680xi32, #tpu.memory_space<hbm>> -> memref<128xi32, #tpu.memory_space<hbm>>
    tpu.enqueue_dma source(%dma_start3A_93 : memref<128xi32, #tpu.memory_space<hbm>>) target(%arg11 : memref<128xi32, #tpu.memory_space<vmem>>) target_semaphore(%arg23 : memref<!tpu.dma_semaphore, #tpu.memory_space<semaphore_mem>>)
    %dma_wait3A_94 = arith.constant 0 : i32
    %dma_wait3A_95 = arith.constant 0 : i32
    %dma_wait3A_96 = tpu.memref_slice %arg4[%dma_wait3A_94, %dma_wait3A_95] : memref<10000x128xf32, #tpu.memory_space<hbm>> -> memref<10000x128xf32, #tpu.memory_space<hbm>>
    tpu.wait_indirect_dma semaphore(%arg18 : memref<!tpu.dma_semaphore, #tpu.memory_space<semaphore_mem>>) src(%dma_wait3A_96 : memref<10000x128xf32, #tpu.memory_space<hbm>>) dst(%arg15 : memref<128x128xf32, #tpu.memory_space<vmem>>)
    %add3A_97 = arith.constant 10112 : i32
    %add3A_98 = arith.addi %mul3A_2, %add3A_97 : i32
    %dma_wait3A_99 = tpu.memref_slice %arg2[%add3A_98] : memref<327680xi32, #tpu.memory_space<hbm>> -> memref<128xi32, #tpu.memory_space<hbm>>
    %dma_wait3A_100 = tpu.memref_slice %arg2[%add3A_98] : memref<327680xi32, #tpu.memory_space<hbm>> -> memref<128xi32, #tpu.memory_space<hbm>>
    tpu.wait_dma2 semaphore(%arg20 : memref<!tpu.dma_semaphore, #tpu.memory_space<semaphore_mem>>) src(%dma_wait3A_100 : memref<128xi32, #tpu.memory_space<hbm>>) dst(%arg8 : memref<128xi32, #tpu.memory_space<vmem>>)
    %dma_start3A_101 = arith.constant 0 : i32
    %dma_start3A_102 = arith.constant 0 : i32
    %dma_start3A_103 = tpu.memref_slice %arg4[%dma_start3A_101, %dma_start3A_102] : memref<10000x128xf32, #tpu.memory_space<hbm>> -> memref<10000x128xf32, #tpu.memory_space<hbm>>
    tpu.enqueue_indirect_dma source(%dma_start3A_103 : memref<10000x128xf32, #tpu.memory_space<hbm>>) target(%arg14 : memref<128x128xf32, #tpu.memory_space<vmem>>) offsets(%arg8 : memref<128xi32, #tpu.memory_space<vmem>>) semaphore(%arg17 : memref<!tpu.dma_semaphore, #tpu.memory_space<semaphore_mem>>)
    %add3A_104 = arith.constant 9856 : i32
    %add3A_105 = arith.addi %mul3A_2, %add3A_104 : i32
    %dma_wait3A_106 = tpu.memref_slice %arg3[%add3A_105] : memref<327680xi32, #tpu.memory_space<hbm>> -> memref<128xi32, #tpu.memory_space<hbm>>
    %dma_wait3A_107 = tpu.memref_slice %arg3[%add3A_105] : memref<327680xi32, #tpu.memory_space<hbm>> -> memref<128xi32, #tpu.memory_space<hbm>>
    tpu.wait_dma2 semaphore(%arg24 : memref<!tpu.dma_semaphore, #tpu.memory_space<semaphore_mem>>) src(%dma_wait3A_107 : memref<128xi32, #tpu.memory_space<hbm>>) dst(%arg12 : memref<128xi32, #tpu.memory_space<vmem>>)
    "tpu.region"() ({
      %run_scoped3A = tpu.sem_alloc : memref<!tpu.dma_semaphore, #tpu.memory_space<semaphore_mem>>
      %dma_start3A_135 = arith.constant 0 : i32
      %dma_start3A_136 = arith.constant 0 : i32
      %dma_start3A_137 = tpu.memref_slice %arg25[%dma_start3A_135, %dma_start3A_136] : memref<10048x128xf32, #tpu.memory_space<vmem_shared>> -> memref<10048x128xf32, #tpu.memory_space<vmem_shared>>
      tpu.enqueue_indirect_dma source(%arg15 : memref<128x128xf32, #tpu.memory_space<vmem>>) target(%dma_start3A_137 : memref<10048x128xf32, #tpu.memory_space<vmem_shared>>) offsets(%arg12 : memref<128xi32, #tpu.memory_space<vmem>>) semaphore(%run_scoped3A : memref<!tpu.dma_semaphore, #tpu.memory_space<semaphore_mem>>) {add = true}
      %dma_wait3A_138 = arith.constant 0 : i32
      %dma_wait3A_139 = arith.constant 0 : i32
      %dma_wait3A_140 = tpu.memref_slice %arg25[%dma_wait3A_138, %dma_wait3A_139] : memref<10048x128xf32, #tpu.memory_space<vmem_shared>> -> memref<10048x128xf32, #tpu.memory_space<vmem_shared>>
      tpu.wait_indirect_dma semaphore(%run_scoped3A : memref<!tpu.dma_semaphore, #tpu.memory_space<semaphore_mem>>) src(%arg15 : memref<128x128xf32, #tpu.memory_space<vmem>>) dst(%dma_wait3A_140 : memref<10048x128xf32, #tpu.memory_space<vmem_shared>>)
      tpu.yield
    }) : () -> ()
    %dma_wait3A_108 = arith.constant 0 : i32
    %dma_wait3A_109 = arith.constant 0 : i32
    %dma_wait3A_110 = tpu.memref_slice %arg4[%dma_wait3A_108, %dma_wait3A_109] : memref<10000x128xf32, #tpu.memory_space<hbm>> -> memref<10000x128xf32, #tpu.memory_space<hbm>>
    tpu.wait_indirect_dma semaphore(%arg16 : memref<!tpu.dma_semaphore, #tpu.memory_space<semaphore_mem>>) src(%dma_wait3A_110 : memref<10000x128xf32, #tpu.memory_space<hbm>>) dst(%arg13 : memref<128x128xf32, #tpu.memory_space<vmem>>)
    %add3A_111 = arith.constant 9984 : i32
    %add3A_112 = arith.addi %mul3A_2, %add3A_111 : i32
    %dma_wait3A_113 = tpu.memref_slice %arg3[%add3A_112] : memref<327680xi32, #tpu.memory_space<hbm>> -> memref<128xi32, #tpu.memory_space<hbm>>
    %dma_wait3A_114 = tpu.memref_slice %arg3[%add3A_112] : memref<327680xi32, #tpu.memory_space<hbm>> -> memref<128xi32, #tpu.memory_space<hbm>>
    tpu.wait_dma2 semaphore(%arg22 : memref<!tpu.dma_semaphore, #tpu.memory_space<semaphore_mem>>) src(%dma_wait3A_114 : memref<128xi32, #tpu.memory_space<hbm>>) dst(%arg10 : memref<128xi32, #tpu.memory_space<vmem>>)
    "tpu.region"() ({
      %run_scoped3A = tpu.sem_alloc : memref<!tpu.dma_semaphore, #tpu.memory_space<semaphore_mem>>
      %dma_start3A_135 = arith.constant 0 : i32
      %dma_start3A_136 = arith.constant 0 : i32
      %dma_start3A_137 = tpu.memref_slice %arg25[%dma_start3A_135, %dma_start3A_136] : memref<10048x128xf32, #tpu.memory_space<vmem_shared>> -> memref<10048x128xf32, #tpu.memory_space<vmem_shared>>
      tpu.enqueue_indirect_dma source(%arg13 : memref<128x128xf32, #tpu.memory_space<vmem>>) target(%dma_start3A_137 : memref<10048x128xf32, #tpu.memory_space<vmem_shared>>) offsets(%arg10 : memref<128xi32, #tpu.memory_space<vmem>>) semaphore(%run_scoped3A : memref<!tpu.dma_semaphore, #tpu.memory_space<semaphore_mem>>) {add = true}
      %dma_wait3A_138 = arith.constant 0 : i32
      %dma_wait3A_139 = arith.constant 0 : i32
      %dma_wait3A_140 = tpu.memref_slice %arg25[%dma_wait3A_138, %dma_wait3A_139] : memref<10048x128xf32, #tpu.memory_space<vmem_shared>> -> memref<10048x128xf32, #tpu.memory_space<vmem_shared>>
      tpu.wait_indirect_dma semaphore(%run_scoped3A : memref<!tpu.dma_semaphore, #tpu.memory_space<semaphore_mem>>) src(%arg13 : memref<128x128xf32, #tpu.memory_space<vmem>>) dst(%dma_wait3A_140 : memref<10048x128xf32, #tpu.memory_space<vmem_shared>>)
      tpu.yield
    }) : () -> ()
    %dma_wait3A_115 = arith.constant 0 : i32
    %dma_wait3A_116 = arith.constant 0 : i32
    %dma_wait3A_117 = tpu.memref_slice %arg4[%dma_wait3A_115, %dma_wait3A_116] : memref<10000x128xf32, #tpu.memory_space<hbm>> -> memref<10000x128xf32, #tpu.memory_space<hbm>>
    tpu.wait_indirect_dma semaphore(%arg17 : memref<!tpu.dma_semaphore, #tpu.memory_space<semaphore_mem>>) src(%dma_wait3A_117 : memref<10000x128xf32, #tpu.memory_space<hbm>>) dst(%arg14 : memref<128x128xf32, #tpu.memory_space<vmem>>)
    %add3A_118 = arith.constant 10112 : i32
    %add3A_119 = arith.addi %mul3A_2, %add3A_118 : i32
    %dma_wait3A_120 = tpu.memref_slice %arg3[%add3A_119] : memref<327680xi32, #tpu.memory_space<hbm>> -> memref<128xi32, #tpu.memory_space<hbm>>
    %dma_wait3A_121 = tpu.memref_slice %arg3[%add3A_119] : memref<327680xi32, #tpu.memory_space<hbm>> -> memref<128xi32, #tpu.memory_space<hbm>>
    tpu.wait_dma2 semaphore(%arg23 : memref<!tpu.dma_semaphore, #tpu.memory_space<semaphore_mem>>) src(%dma_wait3A_121 : memref<128xi32, #tpu.memory_space<hbm>>) dst(%arg11 : memref<128xi32, #tpu.memory_space<vmem>>)
    "tpu.region"() ({
      %run_scoped3A = tpu.sem_alloc : memref<!tpu.dma_semaphore, #tpu.memory_space<semaphore_mem>>
      %dma_start3A_135 = arith.constant 0 : i32
      %dma_start3A_136 = arith.constant 0 : i32
      %dma_start3A_137 = tpu.memref_slice %arg25[%dma_start3A_135, %dma_start3A_136] : memref<10048x128xf32, #tpu.memory_space<vmem_shared>> -> memref<10048x128xf32, #tpu.memory_space<vmem_shared>>
      tpu.enqueue_indirect_dma source(%arg14 : memref<128x128xf32, #tpu.memory_space<vmem>>) target(%dma_start3A_137 : memref<10048x128xf32, #tpu.memory_space<vmem_shared>>) offsets(%arg11 : memref<128xi32, #tpu.memory_space<vmem>>) semaphore(%run_scoped3A : memref<!tpu.dma_semaphore, #tpu.memory_space<semaphore_mem>>) {add = true}
      %dma_wait3A_138 = arith.constant 0 : i32
      %dma_wait3A_139 = arith.constant 0 : i32
      %dma_wait3A_140 = tpu.memref_slice %arg25[%dma_wait3A_138, %dma_wait3A_139] : memref<10048x128xf32, #tpu.memory_space<vmem_shared>> -> memref<10048x128xf32, #tpu.memory_space<vmem_shared>>
      tpu.wait_indirect_dma semaphore(%run_scoped3A : memref<!tpu.dma_semaphore, #tpu.memory_space<semaphore_mem>>) src(%arg14 : memref<128x128xf32, #tpu.memory_space<vmem>>) dst(%dma_wait3A_140 : memref<10048x128xf32, #tpu.memory_space<vmem_shared>>)
      tpu.yield
    }) : () -> ()
    %barrier3A_122 = arith.constant 0 : index
    tpu.barrier barrier_id(%barrier3A_122)
    %mul3A_123 = arith.constant 624 : i32
    %mul3A_124 = arith.muli %arg1, %mul3A_123 : i32
    %mul3A_125 = arith.constant 10000 : i32
    %mul3A_126 = arith.muli %arg0, %mul3A_125 : i32
    %mul3A_127 = arith.constant 624 : i32
    %mul3A_128 = arith.muli %arg1, %mul3A_127 : i32
    %add3A_129 = arith.addi %mul3A_126, %mul3A_128 : i32
    "tpu.region"() ({
      %run_scoped3A = tpu.sem_alloc : memref<!tpu.dma_semaphore, #tpu.memory_space<semaphore_mem>>
      %dma_start3A_135 = arith.constant 0 : i32
      %dma_start3A_136 = tpu.memref_slice %arg6[%add3A_129, %dma_start3A_135] : memref<20000x128xf32, #tpu.memory_space<hbm>> -> memref<624x128xf32, #tpu.memory_space<hbm>>
      %dma_start3A_137 = arith.constant 0 : i32
      %dma_start3A_138 = tpu.memref_slice %arg25[%mul3A_124, %dma_start3A_137] : memref<10048x128xf32, #tpu.memory_space<vmem_shared>> -> memref<624x128xf32, #tpu.memory_space<vmem_shared>>
      tpu.enqueue_dma source(%dma_start3A_138 : memref<624x128xf32, #tpu.memory_space<vmem_shared>>) target(%dma_start3A_136 : memref<624x128xf32, #tpu.memory_space<hbm>>) target_semaphore(%run_scoped3A : memref<!tpu.dma_semaphore, #tpu.memory_space<semaphore_mem>>)
      %dma_wait3A_139 = arith.constant 0 : i32
      %dma_wait3A_140 = tpu.memref_slice %arg6[%add3A_129, %dma_wait3A_139] : memref<20000x128xf32, #tpu.memory_space<hbm>> -> memref<624x128xf32, #tpu.memory_space<hbm>>
      %dma_wait3A_141 = arith.constant 0 : i32
      %dma_wait3A_142 = tpu.memref_slice %arg25[%mul3A_124, %dma_wait3A_141] : memref<10048x128xf32, #tpu.memory_space<vmem_shared>> -> memref<624x128xf32, #tpu.memory_space<vmem_shared>>
      tpu.wait_dma2 semaphore(%run_scoped3A : memref<!tpu.dma_semaphore, #tpu.memory_space<semaphore_mem>>) src(%dma_wait3A_142 : memref<624x128xf32, #tpu.memory_space<vmem_shared>>) dst(%dma_wait3A_140 : memref<624x128xf32, #tpu.memory_space<hbm>>)
      tpu.yield
    }) : () -> ()
    %eq3A_130 = arith.constant 0 : i32
    %eq3A_131 = arith.cmpi eq, %arg1, %eq3A_130 : i32
    %convert_element_type3A_132 = arith.extui %eq3A_131 : i1 to i32
    %cond3A_133 = arith.constant 0 : i32
    %cond3A_134 = arith.cmpi ne, %convert_element_type3A_132, %cond3A_133 : i32
    scf.if %cond3A_134 {
      %mul3A_135 = arith.constant 10000 : i32
      %mul3A_136 = arith.muli %arg0, %mul3A_135 : i32
      %add3A_137 = arith.constant 9984 : i32
      %add3A_138 = arith.addi %mul3A_136, %add3A_137 : i32
      "tpu.region"() ({
        %run_scoped3A = tpu.sem_alloc : memref<!tpu.dma_semaphore, #tpu.memory_space<semaphore_mem>>
        %dma_start3A_139 = arith.constant 0 : i32
        %dma_start3A_140 = tpu.memref_slice %arg6[%add3A_138, %dma_start3A_139] : memref<20000x128xf32, #tpu.memory_space<hbm>> -> memref<16x128xf32, #tpu.memory_space<hbm>>
        %dma_start3A_141 = arith.constant 9984 : i32
        %dma_start3A_142 = arith.constant 0 : i32
        %dma_start3A_143 = tpu.memref_slice %arg25[%dma_start3A_141, %dma_start3A_142] : memref<10048x128xf32, #tpu.memory_space<vmem_shared>> -> memref<16x128xf32, #tpu.memory_space<vmem_shared>>
        tpu.enqueue_dma source(%dma_start3A_143 : memref<16x128xf32, #tpu.memory_space<vmem_shared>>) target(%dma_start3A_140 : memref<16x128xf32, #tpu.memory_space<hbm>>) target_semaphore(%run_scoped3A : memref<!tpu.dma_semaphore, #tpu.memory_space<semaphore_mem>>)
        %dma_wait3A_144 = arith.constant 0 : i32
        %dma_wait3A_145 = tpu.memref_slice %arg6[%add3A_138, %dma_wait3A_144] : memref<20000x128xf32, #tpu.memory_space<hbm>> -> memref<16x128xf32, #tpu.memory_space<hbm>>
        %dma_wait3A_146 = arith.constant 9984 : i32
        %dma_wait3A_147 = arith.constant 0 : i32
        %dma_wait3A_148 = tpu.memref_slice %arg25[%dma_wait3A_146, %dma_wait3A_147] : memref<10048x128xf32, #tpu.memory_space<vmem_shared>> -> memref<16x128xf32, #tpu.memory_space<vmem_shared>>
        tpu.wait_dma2 semaphore(%run_scoped3A : memref<!tpu.dma_semaphore, #tpu.memory_space<semaphore_mem>>) src(%dma_wait3A_148 : memref<16x128xf32, #tpu.memory_space<vmem_shared>>) dst(%dma_wait3A_145 : memref<16x128xf32, #tpu.memory_space<hbm>>)
        tpu.yield
      }) : () -> ()
    } else {
    }
    return
  }
}

#map = affine_map<(d0, d1) -> (0)>
#map1 = affine_map<(d0, d1) -> (0, 0)>
module attributes {stable_mosaic.version = 14 : i64} {
  func.func @_edge_sc(%arg0: i32, %arg1: i32, %arg2: memref<327680xi32, #tpu.memory_space<hbm>>, %arg3: memref<327680xi32, #tpu.memory_space<hbm>>, %arg4: memref<10000x128xf32, #tpu.memory_space<hbm>>, %arg5: memref<10000x128xf32, #tpu.memory_space<hbm>>, %arg6: memref<20000x128xf32, #tpu.memory_space<hbm>>, %arg7: memref<128xi32, #tpu.memory_space<vmem>>, %arg8: memref<128xi32, #tpu.memory_space<vmem>>, %arg9: memref<128xi32, #tpu.memory_space<vmem>>, %arg10: memref<128xi32, #tpu.memory_space<vmem>>, %arg11: memref<128xi32, #tpu.memory_space<vmem>>, %arg12: memref<128xi32, #tpu.memory_space<vmem>>, %arg13: memref<128x128xf32, #tpu.memory_space<vmem>>, %arg14: memref<128x128xf32, #tpu.memory_space<vmem>>, %arg15: memref<128x128xf32, #tpu.memory_space<vmem>>, %arg16: memref<!tpu.dma_semaphore, #tpu.memory_space<semaphore_mem>>, %arg17: memref<!tpu.dma_semaphore, #tpu.memory_space<semaphore_mem>>, %arg18: memref<!tpu.dma_semaphore, #tpu.memory_space<semaphore_mem>>, %arg19: memref<!tpu.dma_semaphore, #tpu.memory_space<semaphore_mem>>, %arg20: memref<!tpu.dma_semaphore, #tpu.memory_space<semaphore_mem>>, %arg21: memref<!tpu.dma_semaphore, #tpu.memory_space<semaphore_mem>>, %arg22: memref<!tpu.dma_semaphore, #tpu.memory_space<semaphore_mem>>, %arg23: memref<!tpu.dma_semaphore, #tpu.memory_space<semaphore_mem>>, %arg24: memref<!tpu.dma_semaphore, #tpu.memory_space<semaphore_mem>>, %arg25: memref<10048x128xf32, #tpu.memory_space<vmem_shared>>) attributes {dimension_semantics = [#tpu.dimension_semantics<core_parallel>, #tpu.dimension_semantics<subcore_parallel>], iteration_bounds = array<i64: 2, 16>, scalar_prefetch = 0 : i64, scratch_operands = 19 : i64, tpu.core_type = #tpu.core_type<sc_vector_subcore>, window_params = [{transform_indices = #map}, {transform_indices = #map}, {transform_indices = #map1}, {transform_indices = #map1}, {transform_indices = #map1}]} {
    %mul3A = arith.constant 16 : i32
    %mul3A_0 = arith.muli %arg0, %mul3A : i32
    %add3A = arith.addi %mul3A_0, %arg1 : i32
    %mul3A_1 = arith.constant 10240 : i32
    %mul3A_2 = arith.muli %add3A, %mul3A_1 : i32
    %mul3A_3 = arith.constant 624 : i32
    %mul3A_4 = arith.muli %arg1, %mul3A_3 : i32
    %mul3A_5 = arith.constant 624 : i32
    %mul3A_6 = arith.muli %arg1, %mul3A_5 : i32
    "tpu.region"() ({
      %run_scoped3A = tpu.sem_alloc : memref<!tpu.dma_semaphore, #tpu.memory_space<semaphore_mem>>
      %dma_start3A_135 = arith.constant 0 : i32
      %dma_start3A_136 = tpu.memref_slice %arg25[%mul3A_6, %dma_start3A_135] : memref<10048x128xf32, #tpu.memory_space<vmem_shared>> -> memref<624x128xf32, #tpu.memory_space<vmem_shared>>
      %dma_start3A_137 = arith.constant 0 : i32
      %dma_start3A_138 = tpu.memref_slice %arg5[%mul3A_4, %dma_start3A_137] : memref<10000x128xf32, #tpu.memory_space<hbm>> -> memref<624x128xf32, #tpu.memory_space<hbm>>
      tpu.enqueue_dma source(%dma_start3A_138 : memref<624x128xf32, #tpu.memory_space<hbm>>) target(%dma_start3A_136 : memref<624x128xf32, #tpu.memory_space<vmem_shared>>) target_semaphore(%run_scoped3A : memref<!tpu.dma_semaphore, #tpu.memory_space<semaphore_mem>>)
      %dma_wait3A_139 = arith.constant 0 : i32
      %dma_wait3A_140 = tpu.memref_slice %arg25[%mul3A_6, %dma_wait3A_139] : memref<10048x128xf32, #tpu.memory_space<vmem_shared>> -> memref<624x128xf32, #tpu.memory_space<vmem_shared>>
      %dma_wait3A_141 = arith.constant 0 : i32
      %dma_wait3A_142 = tpu.memref_slice %arg5[%mul3A_4, %dma_wait3A_141] : memref<10000x128xf32, #tpu.memory_space<hbm>> -> memref<624x128xf32, #tpu.memory_space<hbm>>
      tpu.wait_dma2 semaphore(%run_scoped3A : memref<!tpu.dma_semaphore, #tpu.memory_space<semaphore_mem>>) src(%dma_wait3A_142 : memref<624x128xf32, #tpu.memory_space<hbm>>) dst(%dma_wait3A_140 : memref<624x128xf32, #tpu.memory_space<vmem_shared>>)
      tpu.yield
    }) : () -> ()
    %eq3A = arith.constant 0 : i32
    %eq3A_7 = arith.cmpi eq, %arg1, %eq3A : i32
    %convert_element_type3A = arith.extui %eq3A_7 : i1 to i32
    %cond3A = arith.constant 0 : i32
    %cond3A_8 = arith.cmpi ne, %convert_element_type3A, %cond3A : i32
    scf.if %cond3A_8 {
      "tpu.region"() ({
        %run_scoped3A = tpu.sem_alloc : memref<!tpu.dma_semaphore, #tpu.memory_space<semaphore_mem>>
        %dma_start3A_135 = arith.constant 9984 : i32
        %dma_start3A_136 = arith.constant 0 : i32
        %dma_start3A_137 = tpu.memref_slice %arg25[%dma_start3A_135, %dma_start3A_136] : memref<10048x128xf32, #tpu.memory_space<vmem_shared>> -> memref<16x128xf32, #tpu.memory_space<vmem_shared>>
        %dma_start3A_138 = arith.constant 9984 : i32
        %dma_start3A_139 = arith.constant 0 : i32
        %dma_start3A_140 = tpu.memref_slice %arg5[%dma_start3A_138, %dma_start3A_139] : memref<10000x128xf32, #tpu.memory_space<hbm>> -> memref<16x128xf32, #tpu.memory_space<hbm>>
        tpu.enqueue_dma source(%dma_start3A_140 : memref<16x128xf32, #tpu.memory_space<hbm>>) target(%dma_start3A_137 : memref<16x128xf32, #tpu.memory_space<vmem_shared>>) target_semaphore(%run_scoped3A : memref<!tpu.dma_semaphore, #tpu.memory_space<semaphore_mem>>)
        %dma_wait3A_141 = arith.constant 9984 : i32
        %dma_wait3A_142 = arith.constant 0 : i32
        %dma_wait3A_143 = tpu.memref_slice %arg25[%dma_wait3A_141, %dma_wait3A_142] : memref<10048x128xf32, #tpu.memory_space<vmem_shared>> -> memref<16x128xf32, #tpu.memory_space<vmem_shared>>
        %dma_wait3A_144 = arith.constant 9984 : i32
        %dma_wait3A_145 = arith.constant 0 : i32
        %dma_wait3A_146 = tpu.memref_slice %arg5[%dma_wait3A_144, %dma_wait3A_145] : memref<10000x128xf32, #tpu.memory_space<hbm>> -> memref<16x128xf32, #tpu.memory_space<hbm>>
        tpu.wait_dma2 semaphore(%run_scoped3A : memref<!tpu.dma_semaphore, #tpu.memory_space<semaphore_mem>>) src(%dma_wait3A_146 : memref<16x128xf32, #tpu.memory_space<hbm>>) dst(%dma_wait3A_143 : memref<16x128xf32, #tpu.memory_space<vmem_shared>>)
        tpu.yield
      }) : () -> ()
    } else {
    }
    %barrier3A = arith.constant 0 : index
    tpu.barrier barrier_id(%barrier3A)
    %add3A_9 = arith.constant 0 : i32
    %add3A_10 = arith.addi %mul3A_2, %add3A_9 : i32
    %dma_start3A = tpu.memref_slice %arg2[%add3A_10] : memref<327680xi32, #tpu.memory_space<hbm>> -> memref<128xi32, #tpu.memory_space<hbm>>
    %dma_start3A_11 = tpu.memref_slice %arg2[%add3A_10] : memref<327680xi32, #tpu.memory_space<hbm>> -> memref<128xi32, #tpu.memory_space<hbm>>
    tpu.enqueue_dma source(%dma_start3A_11 : memref<128xi32, #tpu.memory_space<hbm>>) target(%arg7 : memref<128xi32, #tpu.memory_space<vmem>>) target_semaphore(%arg19 : memref<!tpu.dma_semaphore, #tpu.memory_space<semaphore_mem>>)
    %add3A_12 = arith.constant 128 : i32
    %add3A_13 = arith.addi %mul3A_2, %add3A_12 : i32
    %dma_start3A_14 = tpu.memref_slice %arg2[%add3A_13] : memref<327680xi32, #tpu.memory_space<hbm>> -> memref<128xi32, #tpu.memory_space<hbm>>
    %dma_start3A_15 = tpu.memref_slice %arg2[%add3A_13] : memref<327680xi32, #tpu.memory_space<hbm>> -> memref<128xi32, #tpu.memory_space<hbm>>
    tpu.enqueue_dma source(%dma_start3A_15 : memref<128xi32, #tpu.memory_space<hbm>>) target(%arg8 : memref<128xi32, #tpu.memory_space<vmem>>) target_semaphore(%arg20 : memref<!tpu.dma_semaphore, #tpu.memory_space<semaphore_mem>>)
    %add3A_16 = arith.constant 256 : i32
    %add3A_17 = arith.addi %mul3A_2, %add3A_16 : i32
    %dma_start3A_18 = tpu.memref_slice %arg2[%add3A_17] : memref<327680xi32, #tpu.memory_space<hbm>> -> memref<128xi32, #tpu.memory_space<hbm>>
    %dma_start3A_19 = tpu.memref_slice %arg2[%add3A_17] : memref<327680xi32, #tpu.memory_space<hbm>> -> memref<128xi32, #tpu.memory_space<hbm>>
    tpu.enqueue_dma source(%dma_start3A_19 : memref<128xi32, #tpu.memory_space<hbm>>) target(%arg9 : memref<128xi32, #tpu.memory_space<vmem>>) target_semaphore(%arg21 : memref<!tpu.dma_semaphore, #tpu.memory_space<semaphore_mem>>)
    %add3A_20 = arith.constant 0 : i32
    %add3A_21 = arith.addi %mul3A_2, %add3A_20 : i32
    %dma_start3A_22 = tpu.memref_slice %arg3[%add3A_21] : memref<327680xi32, #tpu.memory_space<hbm>> -> memref<128xi32, #tpu.memory_space<hbm>>
    %dma_start3A_23 = tpu.memref_slice %arg3[%add3A_21] : memref<327680xi32, #tpu.memory_space<hbm>> -> memref<128xi32, #tpu.memory_space<hbm>>
    tpu.enqueue_dma source(%dma_start3A_23 : memref<128xi32, #tpu.memory_space<hbm>>) target(%arg10 : memref<128xi32, #tpu.memory_space<vmem>>) target_semaphore(%arg22 : memref<!tpu.dma_semaphore, #tpu.memory_space<semaphore_mem>>)
    %add3A_24 = arith.constant 128 : i32
    %add3A_25 = arith.addi %mul3A_2, %add3A_24 : i32
    %dma_start3A_26 = tpu.memref_slice %arg3[%add3A_25] : memref<327680xi32, #tpu.memory_space<hbm>> -> memref<128xi32, #tpu.memory_space<hbm>>
    %dma_start3A_27 = tpu.memref_slice %arg3[%add3A_25] : memref<327680xi32, #tpu.memory_space<hbm>> -> memref<128xi32, #tpu.memory_space<hbm>>
    tpu.enqueue_dma source(%dma_start3A_27 : memref<128xi32, #tpu.memory_space<hbm>>) target(%arg11 : memref<128xi32, #tpu.memory_space<vmem>>) target_semaphore(%arg23 : memref<!tpu.dma_semaphore, #tpu.memory_space<semaphore_mem>>)
    %add3A_28 = arith.constant 256 : i32
    %add3A_29 = arith.addi %mul3A_2, %add3A_28 : i32
    %dma_start3A_30 = tpu.memref_slice %arg3[%add3A_29] : memref<327680xi32, #tpu.memory_space<hbm>> -> memref<128xi32, #tpu.memory_space<hbm>>
    %dma_start3A_31 = tpu.memref_slice %arg3[%add3A_29] : memref<327680xi32, #tpu.memory_space<hbm>> -> memref<128xi32, #tpu.memory_space<hbm>>
    tpu.enqueue_dma source(%dma_start3A_31 : memref<128xi32, #tpu.memory_space<hbm>>) target(%arg12 : memref<128xi32, #tpu.memory_space<vmem>>) target_semaphore(%arg24 : memref<!tpu.dma_semaphore, #tpu.memory_space<semaphore_mem>>)
    %add3A_32 = arith.constant 0 : i32
    %add3A_33 = arith.addi %mul3A_2, %add3A_32 : i32
    %dma_wait3A = tpu.memref_slice %arg2[%add3A_33] : memref<327680xi32, #tpu.memory_space<hbm>> -> memref<128xi32, #tpu.memory_space<hbm>>
    %dma_wait3A_34 = tpu.memref_slice %arg2[%add3A_33] : memref<327680xi32, #tpu.memory_space<hbm>> -> memref<128xi32, #tpu.memory_space<hbm>>
    tpu.wait_dma2 semaphore(%arg19 : memref<!tpu.dma_semaphore, #tpu.memory_space<semaphore_mem>>) src(%dma_wait3A_34 : memref<128xi32, #tpu.memory_space<hbm>>) dst(%arg7 : memref<128xi32, #tpu.memory_space<vmem>>)
    %dma_start3A_35 = arith.constant 0 : i32
    %dma_start3A_36 = arith.constant 0 : i32
    %dma_start3A_37 = tpu.memref_slice %arg4[%dma_start3A_35, %dma_start3A_36] : memref<10000x128xf32, #tpu.memory_space<hbm>> -> memref<10000x128xf32, #tpu.memory_space<hbm>>
    tpu.enqueue_indirect_dma source(%dma_start3A_37 : memref<10000x128xf32, #tpu.memory_space<hbm>>) target(%arg13 : memref<128x128xf32, #tpu.memory_space<vmem>>) offsets(%arg7 : memref<128xi32, #tpu.memory_space<vmem>>) semaphore(%arg16 : memref<!tpu.dma_semaphore, #tpu.memory_space<semaphore_mem>>)
    %add3A_38 = arith.constant 128 : i32
    %add3A_39 = arith.addi %mul3A_2, %add3A_38 : i32
    %dma_wait3A_40 = tpu.memref_slice %arg2[%add3A_39] : memref<327680xi32, #tpu.memory_space<hbm>> -> memref<128xi32, #tpu.memory_space<hbm>>
    %dma_wait3A_41 = tpu.memref_slice %arg2[%add3A_39] : memref<327680xi32, #tpu.memory_space<hbm>> -> memref<128xi32, #tpu.memory_space<hbm>>
    tpu.wait_dma2 semaphore(%arg20 : memref<!tpu.dma_semaphore, #tpu.memory_space<semaphore_mem>>) src(%dma_wait3A_41 : memref<128xi32, #tpu.memory_space<hbm>>) dst(%arg8 : memref<128xi32, #tpu.memory_space<vmem>>)
    %dma_start3A_42 = arith.constant 0 : i32
    %dma_start3A_43 = arith.constant 0 : i32
    %dma_start3A_44 = tpu.memref_slice %arg4[%dma_start3A_42, %dma_start3A_43] : memref<10000x128xf32, #tpu.memory_space<hbm>> -> memref<10000x128xf32, #tpu.memory_space<hbm>>
    tpu.enqueue_indirect_dma source(%dma_start3A_44 : memref<10000x128xf32, #tpu.memory_space<hbm>>) target(%arg14 : memref<128x128xf32, #tpu.memory_space<vmem>>) offsets(%arg8 : memref<128xi32, #tpu.memory_space<vmem>>) semaphore(%arg17 : memref<!tpu.dma_semaphore, #tpu.memory_space<semaphore_mem>>)
    %scan3A = arith.constant 0 : i32
    %scan3A_45 = arith.constant 0 : i32
    %scan3A_46 = arith.constant 25 : i32
    %scan3A_47 = arith.addi %scan3A_45, %scan3A_46 : i32
    %scan3A_48 = arith.constant 1 : i32
    scf.for %scan3A_135 = %scan3A_45 to %scan3A_47 step %scan3A_48  : i32 {
      %mul3A_136 = arith.constant 3 : i32
      %mul3A_137 = arith.muli %mul3A_136, %scan3A_135 : i32
      %dma_wait3A_138 = arith.constant 0 : i32
      %dma_wait3A_139 = arith.constant 0 : i32
      %dma_wait3A_140 = tpu.memref_slice %arg4[%dma_wait3A_138, %dma_wait3A_139] : memref<10000x128xf32, #tpu.memory_space<hbm>> -> memref<10000x128xf32, #tpu.memory_space<hbm>>
      tpu.wait_indirect_dma semaphore(%arg16 : memref<!tpu.dma_semaphore, #tpu.memory_space<semaphore_mem>>) src(%dma_wait3A_140 : memref<10000x128xf32, #tpu.memory_space<hbm>>) dst(%arg13 : memref<128x128xf32, #tpu.memory_space<vmem>>)
      %add3A_141 = arith.constant 2 : i32
      %add3A_142 = arith.addi %mul3A_137, %add3A_141 : i32
      %mul3A_143 = arith.constant 128 : i32
      %mul3A_144 = arith.muli %add3A_142, %mul3A_143 : i32
      %add3A_145 = arith.addi %mul3A_2, %mul3A_144 : i32
      %dma_wait3A_146 = tpu.memref_slice %arg2[%add3A_145] : memref<327680xi32, #tpu.memory_space<hbm>> -> memref<128xi32, #tpu.memory_space<hbm>>
      %dma_wait3A_147 = tpu.memref_slice %arg2[%add3A_145] : memref<327680xi32, #tpu.memory_space<hbm>> -> memref<128xi32, #tpu.memory_space<hbm>>
      tpu.wait_dma2 semaphore(%arg21 : memref<!tpu.dma_semaphore, #tpu.memory_space<semaphore_mem>>) src(%dma_wait3A_147 : memref<128xi32, #tpu.memory_space<hbm>>) dst(%arg9 : memref<128xi32, #tpu.memory_space<vmem>>)
      %add3A_148 = arith.constant 2 : i32
      %add3A_149 = arith.addi %mul3A_137, %add3A_148 : i32
      %dma_start3A_150 = arith.constant 0 : i32
      %dma_start3A_151 = arith.constant 0 : i32
      %dma_start3A_152 = tpu.memref_slice %arg4[%dma_start3A_150, %dma_start3A_151] : memref<10000x128xf32, #tpu.memory_space<hbm>> -> memref<10000x128xf32, #tpu.memory_space<hbm>>
      tpu.enqueue_indirect_dma source(%dma_start3A_152 : memref<10000x128xf32, #tpu.memory_space<hbm>>) target(%arg15 : memref<128x128xf32, #tpu.memory_space<vmem>>) offsets(%arg9 : memref<128xi32, #tpu.memory_space<vmem>>) semaphore(%arg18 : memref<!tpu.dma_semaphore, #tpu.memory_space<semaphore_mem>>)
      %add3A_153 = arith.constant 3 : i32
      %add3A_154 = arith.addi %mul3A_137, %add3A_153 : i32
      %mul3A_155 = arith.constant 128 : i32
      %mul3A_156 = arith.muli %add3A_154, %mul3A_155 : i32
      %add3A_157 = arith.addi %mul3A_2, %mul3A_156 : i32
      %dma_start3A_158 = tpu.memref_slice %arg2[%add3A_157] : memref<327680xi32, #tpu.memory_space<hbm>> -> memref<128xi32, #tpu.memory_space<hbm>>
      %dma_start3A_159 = tpu.memref_slice %arg2[%add3A_157] : memref<327680xi32, #tpu.memory_space<hbm>> -> memref<128xi32, #tpu.memory_space<hbm>>
      tpu.enqueue_dma source(%dma_start3A_159 : memref<128xi32, #tpu.memory_space<hbm>>) target(%arg7 : memref<128xi32, #tpu.memory_space<vmem>>) target_semaphore(%arg19 : memref<!tpu.dma_semaphore, #tpu.memory_space<semaphore_mem>>)
      %mul3A_160 = arith.constant 128 : i32
      %mul3A_161 = arith.muli %mul3A_137, %mul3A_160 : i32
      %add3A_162 = arith.addi %mul3A_2, %mul3A_161 : i32
      %dma_wait3A_163 = tpu.memref_slice %arg3[%add3A_162] : memref<327680xi32, #tpu.memory_space<hbm>> -> memref<128xi32, #tpu.memory_space<hbm>>
      %dma_wait3A_164 = tpu.memref_slice %arg3[%add3A_162] : memref<327680xi32, #tpu.memory_space<hbm>> -> memref<128xi32, #tpu.memory_space<hbm>>
      tpu.wait_dma2 semaphore(%arg22 : memref<!tpu.dma_semaphore, #tpu.memory_space<semaphore_mem>>) src(%dma_wait3A_164 : memref<128xi32, #tpu.memory_space<hbm>>) dst(%arg10 : memref<128xi32, #tpu.memory_space<vmem>>)
      "tpu.region"() ({
        %run_scoped3A = tpu.sem_alloc : memref<!tpu.dma_semaphore, #tpu.memory_space<semaphore_mem>>
        %dma_start3A_244 = arith.constant 0 : i32
        %dma_start3A_245 = arith.constant 0 : i32
        %dma_start3A_246 = tpu.memref_slice %arg25[%dma_start3A_244, %dma_start3A_245] : memref<10048x128xf32, #tpu.memory_space<vmem_shared>> -> memref<10048x128xf32, #tpu.memory_space<vmem_shared>>
        tpu.enqueue_indirect_dma source(%arg13 : memref<128x128xf32, #tpu.memory_space<vmem>>) target(%dma_start3A_246 : memref<10048x128xf32, #tpu.memory_space<vmem_shared>>) offsets(%arg10 : memref<128xi32, #tpu.memory_space<vmem>>) semaphore(%run_scoped3A : memref<!tpu.dma_semaphore, #tpu.memory_space<semaphore_mem>>) {add = true}
        %dma_wait3A_247 = arith.constant 0 : i32
        %dma_wait3A_248 = arith.constant 0 : i32
        %dma_wait3A_249 = tpu.memref_slice %arg25[%dma_wait3A_247, %dma_wait3A_248] : memref<10048x128xf32, #tpu.memory_space<vmem_shared>> -> memref<10048x128xf32, #tpu.memory_space<vmem_shared>>
        tpu.wait_indirect_dma semaphore(%run_scoped3A : memref<!tpu.dma_semaphore, #tpu.memory_space<semaphore_mem>>) src(%arg13 : memref<128x128xf32, #tpu.memory_space<vmem>>) dst(%dma_wait3A_249 : memref<10048x128xf32, #tpu.memory_space<vmem_shared>>)
        tpu.yield
      }) : () -> ()
      %add3A_165 = arith.constant 3 : i32
      %add3A_166 = arith.addi %mul3A_137, %add3A_165 : i32
      %mul3A_167 = arith.constant 128 : i32
      %mul3A_168 = arith.muli %add3A_166, %mul3A_167 : i32
      %add3A_169 = arith.addi %mul3A_2, %mul3A_168 : i32
      %dma_start3A_170 = tpu.memref_slice %arg3[%add3A_169] : memref<327680xi32, #tpu.memory_space<hbm>> -> memref<128xi32, #tpu.memory_space<hbm>>
      %dma_start3A_171 = tpu.memref_slice %arg3[%add3A_169] : memref<327680xi32, #tpu.memory_space<hbm>> -> memref<128xi32, #tpu.memory_space<hbm>>
      tpu.enqueue_dma source(%dma_start3A_171 : memref<128xi32, #tpu.memory_space<hbm>>) target(%arg10 : memref<128xi32, #tpu.memory_space<vmem>>) target_semaphore(%arg22 : memref<!tpu.dma_semaphore, #tpu.memory_space<semaphore_mem>>)
      %add3A_172 = arith.constant 1 : i32
      %add3A_173 = arith.addi %mul3A_137, %add3A_172 : i32
      %dma_wait3A_174 = arith.constant 0 : i32
      %dma_wait3A_175 = arith.constant 0 : i32
      %dma_wait3A_176 = tpu.memref_slice %arg4[%dma_wait3A_174, %dma_wait3A_175] : memref<10000x128xf32, #tpu.memory_space<hbm>> -> memref<10000x128xf32, #tpu.memory_space<hbm>>
      tpu.wait_indirect_dma semaphore(%arg17 : memref<!tpu.dma_semaphore, #tpu.memory_space<semaphore_mem>>) src(%dma_wait3A_176 : memref<10000x128xf32, #tpu.memory_space<hbm>>) dst(%arg14 : memref<128x128xf32, #tpu.memory_space<vmem>>)
      %add3A_177 = arith.constant 2 : i32
      %add3A_178 = arith.addi %add3A_173, %add3A_177 : i32
      %mul3A_179 = arith.constant 128 : i32
      %mul3A_180 = arith.muli %add3A_178, %mul3A_179 : i32
      %add3A_181 = arith.addi %mul3A_2, %mul3A_180 : i32
      %dma_wait3A_182 = tpu.memref_slice %arg2[%add3A_181] : memref<327680xi32, #tpu.memory_space<hbm>> -> memref<128xi32, #tpu.memory_space<hbm>>
      %dma_wait3A_183 = tpu.memref_slice %arg2[%add3A_181] : memref<327680xi32, #tpu.memory_space<hbm>> -> memref<128xi32, #tpu.memory_space<hbm>>
      tpu.wait_dma2 semaphore(%arg19 : memref<!tpu.dma_semaphore, #tpu.memory_space<semaphore_mem>>) src(%dma_wait3A_183 : memref<128xi32, #tpu.memory_space<hbm>>) dst(%arg7 : memref<128xi32, #tpu.memory_space<vmem>>)
      %add3A_184 = arith.constant 2 : i32
      %add3A_185 = arith.addi %add3A_173, %add3A_184 : i32
      %dma_start3A_186 = arith.constant 0 : i32
      %dma_start3A_187 = arith.constant 0 : i32
      %dma_start3A_188 = tpu.memref_slice %arg4[%dma_start3A_186, %dma_start3A_187] : memref<10000x128xf32, #tpu.memory_space<hbm>> -> memref<10000x128xf32, #tpu.memory_space<hbm>>
      tpu.enqueue_indirect_dma source(%dma_start3A_188 : memref<10000x128xf32, #tpu.memory_space<hbm>>) target(%arg13 : memref<128x128xf32, #tpu.memory_space<vmem>>) offsets(%arg7 : memref<128xi32, #tpu.memory_space<vmem>>) semaphore(%arg16 : memref<!tpu.dma_semaphore, #tpu.memory_space<semaphore_mem>>)
      %add3A_189 = arith.constant 3 : i32
      %add3A_190 = arith.addi %add3A_173, %add3A_189 : i32
      %mul3A_191 = arith.constant 128 : i32
      %mul3A_192 = arith.muli %add3A_190, %mul3A_191 : i32
      %add3A_193 = arith.addi %mul3A_2, %mul3A_192 : i32
      %dma_start3A_194 = tpu.memref_slice %arg2[%add3A_193] : memref<327680xi32, #tpu.memory_space<hbm>> -> memref<128xi32, #tpu.memory_space<hbm>>
      %dma_start3A_195 = tpu.memref_slice %arg2[%add3A_193] : memref<327680xi32, #tpu.memory_space<hbm>> -> memref<128xi32, #tpu.memory_space<hbm>>
      tpu.enqueue_dma source(%dma_start3A_195 : memref<128xi32, #tpu.memory_space<hbm>>) target(%arg8 : memref<128xi32, #tpu.memory_space<vmem>>) target_semaphore(%arg20 : memref<!tpu.dma_semaphore, #tpu.memory_space<semaphore_mem>>)
      %mul3A_196 = arith.constant 128 : i32
      %mul3A_197 = arith.muli %add3A_173, %mul3A_196 : i32
      %add3A_198 = arith.addi %mul3A_2, %mul3A_197 : i32
      %dma_wait3A_199 = tpu.memref_slice %arg3[%add3A_198] : memref<327680xi32, #tpu.memory_space<hbm>> -> memref<128xi32, #tpu.memory_space<hbm>>
      %dma_wait3A_200 = tpu.memref_slice %arg3[%add3A_198] : memref<327680xi32, #tpu.memory_space<hbm>> -> memref<128xi32, #tpu.memory_space<hbm>>
      tpu.wait_dma2 semaphore(%arg23 : memref<!tpu.dma_semaphore, #tpu.memory_space<semaphore_mem>>) src(%dma_wait3A_200 : memref<128xi32, #tpu.memory_space<hbm>>) dst(%arg11 : memref<128xi32, #tpu.memory_space<vmem>>)
      "tpu.region"() ({
        %run_scoped3A = tpu.sem_alloc : memref<!tpu.dma_semaphore, #tpu.memory_space<semaphore_mem>>
        %dma_start3A_244 = arith.constant 0 : i32
        %dma_start3A_245 = arith.constant 0 : i32
        %dma_start3A_246 = tpu.memref_slice %arg25[%dma_start3A_244, %dma_start3A_245] : memref<10048x128xf32, #tpu.memory_space<vmem_shared>> -> memref<10048x128xf32, #tpu.memory_space<vmem_shared>>
        tpu.enqueue_indirect_dma source(%arg14 : memref<128x128xf32, #tpu.memory_space<vmem>>) target(%dma_start3A_246 : memref<10048x128xf32, #tpu.memory_space<vmem_shared>>) offsets(%arg11 : memref<128xi32, #tpu.memory_space<vmem>>) semaphore(%run_scoped3A : memref<!tpu.dma_semaphore, #tpu.memory_space<semaphore_mem>>) {add = true}
        %dma_wait3A_247 = arith.constant 0 : i32
        %dma_wait3A_248 = arith.constant 0 : i32
        %dma_wait3A_249 = tpu.memref_slice %arg25[%dma_wait3A_247, %dma_wait3A_248] : memref<10048x128xf32, #tpu.memory_space<vmem_shared>> -> memref<10048x128xf32, #tpu.memory_space<vmem_shared>>
        tpu.wait_indirect_dma semaphore(%run_scoped3A : memref<!tpu.dma_semaphore, #tpu.memory_space<semaphore_mem>>) src(%arg14 : memref<128x128xf32, #tpu.memory_space<vmem>>) dst(%dma_wait3A_249 : memref<10048x128xf32, #tpu.memory_space<vmem_shared>>)
        tpu.yield
      }) : () -> ()
      %add3A_201 = arith.constant 3 : i32
      %add3A_202 = arith.addi %add3A_173, %add3A_201 : i32
      %mul3A_203 = arith.constant 128 : i32
      %mul3A_204 = arith.muli %add3A_202, %mul3A_203 : i32
      %add3A_205 = arith.addi %mul3A_2, %mul3A_204 : i32
      %dma_start3A_206 = tpu.memref_slice %arg3[%add3A_205] : memref<327680xi32, #tpu.memory_space<hbm>> -> memref<128xi32, #tpu.memory_space<hbm>>
      %dma_start3A_207 = tpu.memref_slice %arg3[%add3A_205] : memref<327680xi32, #tpu.memory_space<hbm>> -> memref<128xi32, #tpu.memory_space<hbm>>
      tpu.enqueue_dma source(%dma_start3A_207 : memref<128xi32, #tpu.memory_space<hbm>>) target(%arg11 : memref<128xi32, #tpu.memory_space<vmem>>) target_semaphore(%arg23 : memref<!tpu.dma_semaphore, #tpu.memory_space<semaphore_mem>>)
      %add3A_208 = arith.constant 2 : i32
      %add3A_209 = arith.addi %mul3A_137, %add3A_208 : i32
      %dma_wait3A_210 = arith.constant 0 : i32
      %dma_wait3A_211 = arith.constant 0 : i32
      %dma_wait3A_212 = tpu.memref_slice %arg4[%dma_wait3A_210, %dma_wait3A_211] : memref<10000x128xf32, #tpu.memory_space<hbm>> -> memref<10000x128xf32, #tpu.memory_space<hbm>>
      tpu.wait_indirect_dma semaphore(%arg18 : memref<!tpu.dma_semaphore, #tpu.memory_space<semaphore_mem>>) src(%dma_wait3A_212 : memref<10000x128xf32, #tpu.memory_space<hbm>>) dst(%arg15 : memref<128x128xf32, #tpu.memory_space<vmem>>)
      %add3A_213 = arith.constant 2 : i32
      %add3A_214 = arith.addi %add3A_209, %add3A_213 : i32
      %mul3A_215 = arith.constant 128 : i32
      %mul3A_216 = arith.muli %add3A_214, %mul3A_215 : i32
      %add3A_217 = arith.addi %mul3A_2, %mul3A_216 : i32
      %dma_wait3A_218 = tpu.memref_slice %arg2[%add3A_217] : memref<327680xi32, #tpu.memory_space<hbm>> -> memref<128xi32, #tpu.memory_space<hbm>>
      %dma_wait3A_219 = tpu.memref_slice %arg2[%add3A_217] : memref<327680xi32, #tpu.memory_space<hbm>> -> memref<128xi32, #tpu.memory_space<hbm>>
      tpu.wait_dma2 semaphore(%arg20 : memref<!tpu.dma_semaphore, #tpu.memory_space<semaphore_mem>>) src(%dma_wait3A_219 : memref<128xi32, #tpu.memory_space<hbm>>) dst(%arg8 : memref<128xi32, #tpu.memory_space<vmem>>)
      %add3A_220 = arith.constant 2 : i32
      %add3A_221 = arith.addi %add3A_209, %add3A_220 : i32
      %dma_start3A_222 = arith.constant 0 : i32
      %dma_start3A_223 = arith.constant 0 : i32
      %dma_start3A_224 = tpu.memref_slice %arg4[%dma_start3A_222, %dma_start3A_223] : memref<10000x128xf32, #tpu.memory_space<hbm>> -> memref<10000x128xf32, #tpu.memory_space<hbm>>
      tpu.enqueue_indirect_dma source(%dma_start3A_224 : memref<10000x128xf32, #tpu.memory_space<hbm>>) target(%arg14 : memref<128x128xf32, #tpu.memory_space<vmem>>) offsets(%arg8 : memref<128xi32, #tpu.memory_space<vmem>>) semaphore(%arg17 : memref<!tpu.dma_semaphore, #tpu.memory_space<semaphore_mem>>)
      %add3A_225 = arith.constant 3 : i32
      %add3A_226 = arith.addi %add3A_209, %add3A_225 : i32
      %mul3A_227 = arith.constant 128 : i32
      %mul3A_228 = arith.muli %add3A_226, %mul3A_227 : i32
      %add3A_229 = arith.addi %mul3A_2, %mul3A_228 : i32
      %dma_start3A_230 = tpu.memref_slice %arg2[%add3A_229] : memref<327680xi32, #tpu.memory_space<hbm>> -> memref<128xi32, #tpu.memory_space<hbm>>
      %dma_start3A_231 = tpu.memref_slice %arg2[%add3A_229] : memref<327680xi32, #tpu.memory_space<hbm>> -> memref<128xi32, #tpu.memory_space<hbm>>
      tpu.enqueue_dma source(%dma_start3A_231 : memref<128xi32, #tpu.memory_space<hbm>>) target(%arg9 : memref<128xi32, #tpu.memory_space<vmem>>) target_semaphore(%arg21 : memref<!tpu.dma_semaphore, #tpu.memory_space<semaphore_mem>>)
      %mul3A_232 = arith.constant 128 : i32
      %mul3A_233 = arith.muli %add3A_209, %mul3A_232 : i32
      %add3A_234 = arith.addi %mul3A_2, %mul3A_233 : i32
      %dma_wait3A_235 = tpu.memref_slice %arg3[%add3A_234] : memref<327680xi32, #tpu.memory_space<hbm>> -> memref<128xi32, #tpu.memory_space<hbm>>
      %dma_wait3A_236 = tpu.memref_slice %arg3[%add3A_234] : memref<327680xi32, #tpu.memory_space<hbm>> -> memref<128xi32, #tpu.memory_space<hbm>>
      tpu.wait_dma2 semaphore(%arg24 : memref<!tpu.dma_semaphore, #tpu.memory_space<semaphore_mem>>) src(%dma_wait3A_236 : memref<128xi32, #tpu.memory_space<hbm>>) dst(%arg12 : memref<128xi32, #tpu.memory_space<vmem>>)
      "tpu.region"() ({
        %run_scoped3A = tpu.sem_alloc : memref<!tpu.dma_semaphore, #tpu.memory_space<semaphore_mem>>
        %dma_start3A_244 = arith.constant 0 : i32
        %dma_start3A_245 = arith.constant 0 : i32
        %dma_start3A_246 = tpu.memref_slice %arg25[%dma_start3A_244, %dma_start3A_245] : memref<10048x128xf32, #tpu.memory_space<vmem_shared>> -> memref<10048x128xf32, #tpu.memory_space<vmem_shared>>
        tpu.enqueue_indirect_dma source(%arg15 : memref<128x128xf32, #tpu.memory_space<vmem>>) target(%dma_start3A_246 : memref<10048x128xf32, #tpu.memory_space<vmem_shared>>) offsets(%arg12 : memref<128xi32, #tpu.memory_space<vmem>>) semaphore(%run_scoped3A : memref<!tpu.dma_semaphore, #tpu.memory_space<semaphore_mem>>) {add = true}
        %dma_wait3A_247 = arith.constant 0 : i32
        %dma_wait3A_248 = arith.constant 0 : i32
        %dma_wait3A_249 = tpu.memref_slice %arg25[%dma_wait3A_247, %dma_wait3A_248] : memref<10048x128xf32, #tpu.memory_space<vmem_shared>> -> memref<10048x128xf32, #tpu.memory_space<vmem_shared>>
        tpu.wait_indirect_dma semaphore(%run_scoped3A : memref<!tpu.dma_semaphore, #tpu.memory_space<semaphore_mem>>) src(%arg15 : memref<128x128xf32, #tpu.memory_space<vmem>>) dst(%dma_wait3A_249 : memref<10048x128xf32, #tpu.memory_space<vmem_shared>>)
        tpu.yield
      }) : () -> ()
      %add3A_237 = arith.constant 3 : i32
      %add3A_238 = arith.addi %add3A_209, %add3A_237 : i32
      %mul3A_239 = arith.constant 128 : i32
      %mul3A_240 = arith.muli %add3A_238, %mul3A_239 : i32
      %add3A_241 = arith.addi %mul3A_2, %mul3A_240 : i32
      %dma_start3A_242 = tpu.memref_slice %arg3[%add3A_241] : memref<327680xi32, #tpu.memory_space<hbm>> -> memref<128xi32, #tpu.memory_space<hbm>>
      %dma_start3A_243 = tpu.memref_slice %arg3[%add3A_241] : memref<327680xi32, #tpu.memory_space<hbm>> -> memref<128xi32, #tpu.memory_space<hbm>>
      tpu.enqueue_dma source(%dma_start3A_243 : memref<128xi32, #tpu.memory_space<hbm>>) target(%arg12 : memref<128xi32, #tpu.memory_space<vmem>>) target_semaphore(%arg24 : memref<!tpu.dma_semaphore, #tpu.memory_space<semaphore_mem>>)
    }
    %scan3A_49 = arith.constant 25 : i32
    %dma_wait3A_50 = arith.constant 0 : i32
    %dma_wait3A_51 = arith.constant 0 : i32
    %dma_wait3A_52 = tpu.memref_slice %arg4[%dma_wait3A_50, %dma_wait3A_51] : memref<10000x128xf32, #tpu.memory_space<hbm>> -> memref<10000x128xf32, #tpu.memory_space<hbm>>
    tpu.wait_indirect_dma semaphore(%arg16 : memref<!tpu.dma_semaphore, #tpu.memory_space<semaphore_mem>>) src(%dma_wait3A_52 : memref<10000x128xf32, #tpu.memory_space<hbm>>) dst(%arg13 : memref<128x128xf32, #tpu.memory_space<vmem>>)
    %add3A_53 = arith.constant 9856 : i32
    %add3A_54 = arith.addi %mul3A_2, %add3A_53 : i32
    %dma_wait3A_55 = tpu.memref_slice %arg2[%add3A_54] : memref<327680xi32, #tpu.memory_space<hbm>> -> memref<128xi32, #tpu.memory_space<hbm>>
    %dma_wait3A_56 = tpu.memref_slice %arg2[%add3A_54] : memref<327680xi32, #tpu.memory_space<hbm>> -> memref<128xi32, #tpu.memory_space<hbm>>
    tpu.wait_dma2 semaphore(%arg21 : memref<!tpu.dma_semaphore, #tpu.memory_space<semaphore_mem>>) src(%dma_wait3A_56 : memref<128xi32, #tpu.memory_space<hbm>>) dst(%arg9 : memref<128xi32, #tpu.memory_space<vmem>>)
    %dma_start3A_57 = arith.constant 0 : i32
    %dma_start3A_58 = arith.constant 0 : i32
    %dma_start3A_59 = tpu.memref_slice %arg4[%dma_start3A_57, %dma_start3A_58] : memref<10000x128xf32, #tpu.memory_space<hbm>> -> memref<10000x128xf32, #tpu.memory_space<hbm>>
    tpu.enqueue_indirect_dma source(%dma_start3A_59 : memref<10000x128xf32, #tpu.memory_space<hbm>>) target(%arg15 : memref<128x128xf32, #tpu.memory_space<vmem>>) offsets(%arg9 : memref<128xi32, #tpu.memory_space<vmem>>) semaphore(%arg18 : memref<!tpu.dma_semaphore, #tpu.memory_space<semaphore_mem>>)
    %add3A_60 = arith.constant 9984 : i32
    %add3A_61 = arith.addi %mul3A_2, %add3A_60 : i32
    %dma_start3A_62 = tpu.memref_slice %arg2[%add3A_61] : memref<327680xi32, #tpu.memory_space<hbm>> -> memref<128xi32, #tpu.memory_space<hbm>>
    %dma_start3A_63 = tpu.memref_slice %arg2[%add3A_61] : memref<327680xi32, #tpu.memory_space<hbm>> -> memref<128xi32, #tpu.memory_space<hbm>>
    tpu.enqueue_dma source(%dma_start3A_63 : memref<128xi32, #tpu.memory_space<hbm>>) target(%arg7 : memref<128xi32, #tpu.memory_space<vmem>>) target_semaphore(%arg19 : memref<!tpu.dma_semaphore, #tpu.memory_space<semaphore_mem>>)
    %add3A_64 = arith.constant 9600 : i32
    %add3A_65 = arith.addi %mul3A_2, %add3A_64 : i32
    %dma_wait3A_66 = tpu.memref_slice %arg3[%add3A_65] : memref<327680xi32, #tpu.memory_space<hbm>> -> memref<128xi32, #tpu.memory_space<hbm>>
    %dma_wait3A_67 = tpu.memref_slice %arg3[%add3A_65] : memref<327680xi32, #tpu.memory_space<hbm>> -> memref<128xi32, #tpu.memory_space<hbm>>
    tpu.wait_dma2 semaphore(%arg22 : memref<!tpu.dma_semaphore, #tpu.memory_space<semaphore_mem>>) src(%dma_wait3A_67 : memref<128xi32, #tpu.memory_space<hbm>>) dst(%arg10 : memref<128xi32, #tpu.memory_space<vmem>>)
    "tpu.region"() ({
      %run_scoped3A = tpu.sem_alloc : memref<!tpu.dma_semaphore, #tpu.memory_space<semaphore_mem>>
      %dma_start3A_135 = arith.constant 0 : i32
      %dma_start3A_136 = arith.constant 0 : i32
      %dma_start3A_137 = tpu.memref_slice %arg25[%dma_start3A_135, %dma_start3A_136] : memref<10048x128xf32, #tpu.memory_space<vmem_shared>> -> memref<10048x128xf32, #tpu.memory_space<vmem_shared>>
      tpu.enqueue_indirect_dma source(%arg13 : memref<128x128xf32, #tpu.memory_space<vmem>>) target(%dma_start3A_137 : memref<10048x128xf32, #tpu.memory_space<vmem_shared>>) offsets(%arg10 : memref<128xi32, #tpu.memory_space<vmem>>) semaphore(%run_scoped3A : memref<!tpu.dma_semaphore, #tpu.memory_space<semaphore_mem>>) {add = true}
      %dma_wait3A_138 = arith.constant 0 : i32
      %dma_wait3A_139 = arith.constant 0 : i32
      %dma_wait3A_140 = tpu.memref_slice %arg25[%dma_wait3A_138, %dma_wait3A_139] : memref<10048x128xf32, #tpu.memory_space<vmem_shared>> -> memref<10048x128xf32, #tpu.memory_space<vmem_shared>>
      tpu.wait_indirect_dma semaphore(%run_scoped3A : memref<!tpu.dma_semaphore, #tpu.memory_space<semaphore_mem>>) src(%arg13 : memref<128x128xf32, #tpu.memory_space<vmem>>) dst(%dma_wait3A_140 : memref<10048x128xf32, #tpu.memory_space<vmem_shared>>)
      tpu.yield
    }) : () -> ()
    %add3A_68 = arith.constant 9984 : i32
    %add3A_69 = arith.addi %mul3A_2, %add3A_68 : i32
    %dma_start3A_70 = tpu.memref_slice %arg3[%add3A_69] : memref<327680xi32, #tpu.memory_space<hbm>> -> memref<128xi32, #tpu.memory_space<hbm>>
    %dma_start3A_71 = tpu.memref_slice %arg3[%add3A_69] : memref<327680xi32, #tpu.memory_space<hbm>> -> memref<128xi32, #tpu.memory_space<hbm>>
    tpu.enqueue_dma source(%dma_start3A_71 : memref<128xi32, #tpu.memory_space<hbm>>) target(%arg10 : memref<128xi32, #tpu.memory_space<vmem>>) target_semaphore(%arg22 : memref<!tpu.dma_semaphore, #tpu.memory_space<semaphore_mem>>)
    %dma_wait3A_72 = arith.constant 0 : i32
    %dma_wait3A_73 = arith.constant 0 : i32
    %dma_wait3A_74 = tpu.memref_slice %arg4[%dma_wait3A_72, %dma_wait3A_73] : memref<10000x128xf32, #tpu.memory_space<hbm>> -> memref<10000x128xf32, #tpu.memory_space<hbm>>
    tpu.wait_indirect_dma semaphore(%arg17 : memref<!tpu.dma_semaphore, #tpu.memory_space<semaphore_mem>>) src(%dma_wait3A_74 : memref<10000x128xf32, #tpu.memory_space<hbm>>) dst(%arg14 : memref<128x128xf32, #tpu.memory_space<vmem>>)
    %add3A_75 = arith.constant 9984 : i32
    %add3A_76 = arith.addi %mul3A_2, %add3A_75 : i32
    %dma_wait3A_77 = tpu.memref_slice %arg2[%add3A_76] : memref<327680xi32, #tpu.memory_space<hbm>> -> memref<128xi32, #tpu.memory_space<hbm>>
    %dma_wait3A_78 = tpu.memref_slice %arg2[%add3A_76] : memref<327680xi32, #tpu.memory_space<hbm>> -> memref<128xi32, #tpu.memory_space<hbm>>
    tpu.wait_dma2 semaphore(%arg19 : memref<!tpu.dma_semaphore, #tpu.memory_space<semaphore_mem>>) src(%dma_wait3A_78 : memref<128xi32, #tpu.memory_space<hbm>>) dst(%arg7 : memref<128xi32, #tpu.memory_space<vmem>>)
    %dma_start3A_79 = arith.constant 0 : i32
    %dma_start3A_80 = arith.constant 0 : i32
    %dma_start3A_81 = tpu.memref_slice %arg4[%dma_start3A_79, %dma_start3A_80] : memref<10000x128xf32, #tpu.memory_space<hbm>> -> memref<10000x128xf32, #tpu.memory_space<hbm>>
    tpu.enqueue_indirect_dma source(%dma_start3A_81 : memref<10000x128xf32, #tpu.memory_space<hbm>>) target(%arg13 : memref<128x128xf32, #tpu.memory_space<vmem>>) offsets(%arg7 : memref<128xi32, #tpu.memory_space<vmem>>) semaphore(%arg16 : memref<!tpu.dma_semaphore, #tpu.memory_space<semaphore_mem>>)
    %add3A_82 = arith.constant 10112 : i32
    %add3A_83 = arith.addi %mul3A_2, %add3A_82 : i32
    %dma_start3A_84 = tpu.memref_slice %arg2[%add3A_83] : memref<327680xi32, #tpu.memory_space<hbm>> -> memref<128xi32, #tpu.memory_space<hbm>>
    %dma_start3A_85 = tpu.memref_slice %arg2[%add3A_83] : memref<327680xi32, #tpu.memory_space<hbm>> -> memref<128xi32, #tpu.memory_space<hbm>>
    tpu.enqueue_dma source(%dma_start3A_85 : memref<128xi32, #tpu.memory_space<hbm>>) target(%arg8 : memref<128xi32, #tpu.memory_space<vmem>>) target_semaphore(%arg20 : memref<!tpu.dma_semaphore, #tpu.memory_space<semaphore_mem>>)
    %add3A_86 = arith.constant 9728 : i32
    %add3A_87 = arith.addi %mul3A_2, %add3A_86 : i32
    %dma_wait3A_88 = tpu.memref_slice %arg3[%add3A_87] : memref<327680xi32, #tpu.memory_space<hbm>> -> memref<128xi32, #tpu.memory_space<hbm>>
    %dma_wait3A_89 = tpu.memref_slice %arg3[%add3A_87] : memref<327680xi32, #tpu.memory_space<hbm>> -> memref<128xi32, #tpu.memory_space<hbm>>
    tpu.wait_dma2 semaphore(%arg23 : memref<!tpu.dma_semaphore, #tpu.memory_space<semaphore_mem>>) src(%dma_wait3A_89 : memref<128xi32, #tpu.memory_space<hbm>>) dst(%arg11 : memref<128xi32, #tpu.memory_space<vmem>>)
    "tpu.region"() ({
      %run_scoped3A = tpu.sem_alloc : memref<!tpu.dma_semaphore, #tpu.memory_space<semaphore_mem>>
      %dma_start3A_135 = arith.constant 0 : i32
      %dma_start3A_136 = arith.constant 0 : i32
      %dma_start3A_137 = tpu.memref_slice %arg25[%dma_start3A_135, %dma_start3A_136] : memref<10048x128xf32, #tpu.memory_space<vmem_shared>> -> memref<10048x128xf32, #tpu.memory_space<vmem_shared>>
      tpu.enqueue_indirect_dma source(%arg14 : memref<128x128xf32, #tpu.memory_space<vmem>>) target(%dma_start3A_137 : memref<10048x128xf32, #tpu.memory_space<vmem_shared>>) offsets(%arg11 : memref<128xi32, #tpu.memory_space<vmem>>) semaphore(%run_scoped3A : memref<!tpu.dma_semaphore, #tpu.memory_space<semaphore_mem>>) {add = true}
      %dma_wait3A_138 = arith.constant 0 : i32
      %dma_wait3A_139 = arith.constant 0 : i32
      %dma_wait3A_140 = tpu.memref_slice %arg25[%dma_wait3A_138, %dma_wait3A_139] : memref<10048x128xf32, #tpu.memory_space<vmem_shared>> -> memref<10048x128xf32, #tpu.memory_space<vmem_shared>>
      tpu.wait_indirect_dma semaphore(%run_scoped3A : memref<!tpu.dma_semaphore, #tpu.memory_space<semaphore_mem>>) src(%arg14 : memref<128x128xf32, #tpu.memory_space<vmem>>) dst(%dma_wait3A_140 : memref<10048x128xf32, #tpu.memory_space<vmem_shared>>)
      tpu.yield
    }) : () -> ()
    %add3A_90 = arith.constant 10112 : i32
    %add3A_91 = arith.addi %mul3A_2, %add3A_90 : i32
    %dma_start3A_92 = tpu.memref_slice %arg3[%add3A_91] : memref<327680xi32, #tpu.memory_space<hbm>> -> memref<128xi32, #tpu.memory_space<hbm>>
    %dma_start3A_93 = tpu.memref_slice %arg3[%add3A_91] : memref<327680xi32, #tpu.memory_space<hbm>> -> memref<128xi32, #tpu.memory_space<hbm>>
    tpu.enqueue_dma source(%dma_start3A_93 : memref<128xi32, #tpu.memory_space<hbm>>) target(%arg11 : memref<128xi32, #tpu.memory_space<vmem>>) target_semaphore(%arg23 : memref<!tpu.dma_semaphore, #tpu.memory_space<semaphore_mem>>)
    %dma_wait3A_94 = arith.constant 0 : i32
    %dma_wait3A_95 = arith.constant 0 : i32
    %dma_wait3A_96 = tpu.memref_slice %arg4[%dma_wait3A_94, %dma_wait3A_95] : memref<10000x128xf32, #tpu.memory_space<hbm>> -> memref<10000x128xf32, #tpu.memory_space<hbm>>
    tpu.wait_indirect_dma semaphore(%arg18 : memref<!tpu.dma_semaphore, #tpu.memory_space<semaphore_mem>>) src(%dma_wait3A_96 : memref<10000x128xf32, #tpu.memory_space<hbm>>) dst(%arg15 : memref<128x128xf32, #tpu.memory_space<vmem>>)
    %add3A_97 = arith.constant 10112 : i32
    %add3A_98 = arith.addi %mul3A_2, %add3A_97 : i32
    %dma_wait3A_99 = tpu.memref_slice %arg2[%add3A_98] : memref<327680xi32, #tpu.memory_space<hbm>> -> memref<128xi32, #tpu.memory_space<hbm>>
    %dma_wait3A_100 = tpu.memref_slice %arg2[%add3A_98] : memref<327680xi32, #tpu.memory_space<hbm>> -> memref<128xi32, #tpu.memory_space<hbm>>
    tpu.wait_dma2 semaphore(%arg20 : memref<!tpu.dma_semaphore, #tpu.memory_space<semaphore_mem>>) src(%dma_wait3A_100 : memref<128xi32, #tpu.memory_space<hbm>>) dst(%arg8 : memref<128xi32, #tpu.memory_space<vmem>>)
    %dma_start3A_101 = arith.constant 0 : i32
    %dma_start3A_102 = arith.constant 0 : i32
    %dma_start3A_103 = tpu.memref_slice %arg4[%dma_start3A_101, %dma_start3A_102] : memref<10000x128xf32, #tpu.memory_space<hbm>> -> memref<10000x128xf32, #tpu.memory_space<hbm>>
    tpu.enqueue_indirect_dma source(%dma_start3A_103 : memref<10000x128xf32, #tpu.memory_space<hbm>>) target(%arg14 : memref<128x128xf32, #tpu.memory_space<vmem>>) offsets(%arg8 : memref<128xi32, #tpu.memory_space<vmem>>) semaphore(%arg17 : memref<!tpu.dma_semaphore, #tpu.memory_space<semaphore_mem>>)
    %add3A_104 = arith.constant 9856 : i32
    %add3A_105 = arith.addi %mul3A_2, %add3A_104 : i32
    %dma_wait3A_106 = tpu.memref_slice %arg3[%add3A_105] : memref<327680xi32, #tpu.memory_space<hbm>> -> memref<128xi32, #tpu.memory_space<hbm>>
    %dma_wait3A_107 = tpu.memref_slice %arg3[%add3A_105] : memref<327680xi32, #tpu.memory_space<hbm>> -> memref<128xi32, #tpu.memory_space<hbm>>
    tpu.wait_dma2 semaphore(%arg24 : memref<!tpu.dma_semaphore, #tpu.memory_space<semaphore_mem>>) src(%dma_wait3A_107 : memref<128xi32, #tpu.memory_space<hbm>>) dst(%arg12 : memref<128xi32, #tpu.memory_space<vmem>>)
    "tpu.region"() ({
      %run_scoped3A = tpu.sem_alloc : memref<!tpu.dma_semaphore, #tpu.memory_space<semaphore_mem>>
      %dma_start3A_135 = arith.constant 0 : i32
      %dma_start3A_136 = arith.constant 0 : i32
      %dma_start3A_137 = tpu.memref_slice %arg25[%dma_start3A_135, %dma_start3A_136] : memref<10048x128xf32, #tpu.memory_space<vmem_shared>> -> memref<10048x128xf32, #tpu.memory_space<vmem_shared>>
      tpu.enqueue_indirect_dma source(%arg15 : memref<128x128xf32, #tpu.memory_space<vmem>>) target(%dma_start3A_137 : memref<10048x128xf32, #tpu.memory_space<vmem_shared>>) offsets(%arg12 : memref<128xi32, #tpu.memory_space<vmem>>) semaphore(%run_scoped3A : memref<!tpu.dma_semaphore, #tpu.memory_space<semaphore_mem>>) {add = true}
      %dma_wait3A_138 = arith.constant 0 : i32
      %dma_wait3A_139 = arith.constant 0 : i32
      %dma_wait3A_140 = tpu.memref_slice %arg25[%dma_wait3A_138, %dma_wait3A_139] : memref<10048x128xf32, #tpu.memory_space<vmem_shared>> -> memref<10048x128xf32, #tpu.memory_space<vmem_shared>>
      tpu.wait_indirect_dma semaphore(%run_scoped3A : memref<!tpu.dma_semaphore, #tpu.memory_space<semaphore_mem>>) src(%arg15 : memref<128x128xf32, #tpu.memory_space<vmem>>) dst(%dma_wait3A_140 : memref<10048x128xf32, #tpu.memory_space<vmem_shared>>)
      tpu.yield
    }) : () -> ()
    %dma_wait3A_108 = arith.constant 0 : i32
    %dma_wait3A_109 = arith.constant 0 : i32
    %dma_wait3A_110 = tpu.memref_slice %arg4[%dma_wait3A_108, %dma_wait3A_109] : memref<10000x128xf32, #tpu.memory_space<hbm>> -> memref<10000x128xf32, #tpu.memory_space<hbm>>
    tpu.wait_indirect_dma semaphore(%arg16 : memref<!tpu.dma_semaphore, #tpu.memory_space<semaphore_mem>>) src(%dma_wait3A_110 : memref<10000x128xf32, #tpu.memory_space<hbm>>) dst(%arg13 : memref<128x128xf32, #tpu.memory_space<vmem>>)
    %add3A_111 = arith.constant 9984 : i32
    %add3A_112 = arith.addi %mul3A_2, %add3A_111 : i32
    %dma_wait3A_113 = tpu.memref_slice %arg3[%add3A_112] : memref<327680xi32, #tpu.memory_space<hbm>> -> memref<128xi32, #tpu.memory_space<hbm>>
    %dma_wait3A_114 = tpu.memref_slice %arg3[%add3A_112] : memref<327680xi32, #tpu.memory_space<hbm>> -> memref<128xi32, #tpu.memory_space<hbm>>
    tpu.wait_dma2 semaphore(%arg22 : memref<!tpu.dma_semaphore, #tpu.memory_space<semaphore_mem>>) src(%dma_wait3A_114 : memref<128xi32, #tpu.memory_space<hbm>>) dst(%arg10 : memref<128xi32, #tpu.memory_space<vmem>>)
    "tpu.region"() ({
      %run_scoped3A = tpu.sem_alloc : memref<!tpu.dma_semaphore, #tpu.memory_space<semaphore_mem>>
      %dma_start3A_135 = arith.constant 0 : i32
      %dma_start3A_136 = arith.constant 0 : i32
      %dma_start3A_137 = tpu.memref_slice %arg25[%dma_start3A_135, %dma_start3A_136] : memref<10048x128xf32, #tpu.memory_space<vmem_shared>> -> memref<10048x128xf32, #tpu.memory_space<vmem_shared>>
      tpu.enqueue_indirect_dma source(%arg13 : memref<128x128xf32, #tpu.memory_space<vmem>>) target(%dma_start3A_137 : memref<10048x128xf32, #tpu.memory_space<vmem_shared>>) offsets(%arg10 : memref<128xi32, #tpu.memory_space<vmem>>) semaphore(%run_scoped3A : memref<!tpu.dma_semaphore, #tpu.memory_space<semaphore_mem>>) {add = true}
      %dma_wait3A_138 = arith.constant 0 : i32
      %dma_wait3A_139 = arith.constant 0 : i32
      %dma_wait3A_140 = tpu.memref_slice %arg25[%dma_wait3A_138, %dma_wait3A_139] : memref<10048x128xf32, #tpu.memory_space<vmem_shared>> -> memref<10048x128xf32, #tpu.memory_space<vmem_shared>>
      tpu.wait_indirect_dma semaphore(%run_scoped3A : memref<!tpu.dma_semaphore, #tpu.memory_space<semaphore_mem>>) src(%arg13 : memref<128x128xf32, #tpu.memory_space<vmem>>) dst(%dma_wait3A_140 : memref<10048x128xf32, #tpu.memory_space<vmem_shared>>)
      tpu.yield
    }) : () -> ()
    %dma_wait3A_115 = arith.constant 0 : i32
    %dma_wait3A_116 = arith.constant 0 : i32
    %dma_wait3A_117 = tpu.memref_slice %arg4[%dma_wait3A_115, %dma_wait3A_116] : memref<10000x128xf32, #tpu.memory_space<hbm>> -> memref<10000x128xf32, #tpu.memory_space<hbm>>
    tpu.wait_indirect_dma semaphore(%arg17 : memref<!tpu.dma_semaphore, #tpu.memory_space<semaphore_mem>>) src(%dma_wait3A_117 : memref<10000x128xf32, #tpu.memory_space<hbm>>) dst(%arg14 : memref<128x128xf32, #tpu.memory_space<vmem>>)
    %add3A_118 = arith.constant 10112 : i32
    %add3A_119 = arith.addi %mul3A_2, %add3A_118 : i32
    %dma_wait3A_120 = tpu.memref_slice %arg3[%add3A_119] : memref<327680xi32, #tpu.memory_space<hbm>> -> memref<128xi32, #tpu.memory_space<hbm>>
    %dma_wait3A_121 = tpu.memref_slice %arg3[%add3A_119] : memref<327680xi32, #tpu.memory_space<hbm>> -> memref<128xi32, #tpu.memory_space<hbm>>
    tpu.wait_dma2 semaphore(%arg23 : memref<!tpu.dma_semaphore, #tpu.memory_space<semaphore_mem>>) src(%dma_wait3A_121 : memref<128xi32, #tpu.memory_space<hbm>>) dst(%arg11 : memref<128xi32, #tpu.memory_space<vmem>>)
    "tpu.region"() ({
      %run_scoped3A = tpu.sem_alloc : memref<!tpu.dma_semaphore, #tpu.memory_space<semaphore_mem>>
      %dma_start3A_135 = arith.constant 0 : i32
      %dma_start3A_136 = arith.constant 0 : i32
      %dma_start3A_137 = tpu.memref_slice %arg25[%dma_start3A_135, %dma_start3A_136] : memref<10048x128xf32, #tpu.memory_space<vmem_shared>> -> memref<10048x128xf32, #tpu.memory_space<vmem_shared>>
      tpu.enqueue_indirect_dma source(%arg14 : memref<128x128xf32, #tpu.memory_space<vmem>>) target(%dma_start3A_137 : memref<10048x128xf32, #tpu.memory_space<vmem_shared>>) offsets(%arg11 : memref<128xi32, #tpu.memory_space<vmem>>) semaphore(%run_scoped3A : memref<!tpu.dma_semaphore, #tpu.memory_space<semaphore_mem>>) {add = true}
      %dma_wait3A_138 = arith.constant 0 : i32
      %dma_wait3A_139 = arith.constant 0 : i32
      %dma_wait3A_140 = tpu.memref_slice %arg25[%dma_wait3A_138, %dma_wait3A_139] : memref<10048x128xf32, #tpu.memory_space<vmem_shared>> -> memref<10048x128xf32, #tpu.memory_space<vmem_shared>>
      tpu.wait_indirect_dma semaphore(%run_scoped3A : memref<!tpu.dma_semaphore, #tpu.memory_space<semaphore_mem>>) src(%arg14 : memref<128x128xf32, #tpu.memory_space<vmem>>) dst(%dma_wait3A_140 : memref<10048x128xf32, #tpu.memory_space<vmem_shared>>)
      tpu.yield
    }) : () -> ()
    %barrier3A_122 = arith.constant 0 : index
    tpu.barrier barrier_id(%barrier3A_122)
    %mul3A_123 = arith.constant 624 : i32
    %mul3A_124 = arith.muli %arg1, %mul3A_123 : i32
    %mul3A_125 = arith.constant 10000 : i32
    %mul3A_126 = arith.muli %arg0, %mul3A_125 : i32
    %mul3A_127 = arith.constant 624 : i32
    %mul3A_128 = arith.muli %arg1, %mul3A_127 : i32
    %add3A_129 = arith.addi %mul3A_126, %mul3A_128 : i32
    "tpu.region"() ({
      %run_scoped3A = tpu.sem_alloc : memref<!tpu.dma_semaphore, #tpu.memory_space<semaphore_mem>>
      %dma_start3A_135 = arith.constant 0 : i32
      %dma_start3A_136 = tpu.memref_slice %arg6[%add3A_129, %dma_start3A_135] : memref<20000x128xf32, #tpu.memory_space<hbm>> -> memref<624x128xf32, #tpu.memory_space<hbm>>
      %dma_start3A_137 = arith.constant 0 : i32
      %dma_start3A_138 = tpu.memref_slice %arg25[%mul3A_124, %dma_start3A_137] : memref<10048x128xf32, #tpu.memory_space<vmem_shared>> -> memref<624x128xf32, #tpu.memory_space<vmem_shared>>
      tpu.enqueue_dma source(%dma_start3A_138 : memref<624x128xf32, #tpu.memory_space<vmem_shared>>) target(%dma_start3A_136 : memref<624x128xf32, #tpu.memory_space<hbm>>) target_semaphore(%run_scoped3A : memref<!tpu.dma_semaphore, #tpu.memory_space<semaphore_mem>>)
      %dma_wait3A_139 = arith.constant 0 : i32
      %dma_wait3A_140 = tpu.memref_slice %arg6[%add3A_129, %dma_wait3A_139] : memref<20000x128xf32, #tpu.memory_space<hbm>> -> memref<624x128xf32, #tpu.memory_space<hbm>>
      %dma_wait3A_141 = arith.constant 0 : i32
      %dma_wait3A_142 = tpu.memref_slice %arg25[%mul3A_124, %dma_wait3A_141] : memref<10048x128xf32, #tpu.memory_space<vmem_shared>> -> memref<624x128xf32, #tpu.memory_space<vmem_shared>>
      tpu.wait_dma2 semaphore(%run_scoped3A : memref<!tpu.dma_semaphore, #tpu.memory_space<semaphore_mem>>) src(%dma_wait3A_142 : memref<624x128xf32, #tpu.memory_space<vmem_shared>>) dst(%dma_wait3A_140 : memref<624x128xf32, #tpu.memory_space<hbm>>)
      tpu.yield
    }) : () -> ()
    %eq3A_130 = arith.constant 0 : i32
    %eq3A_131 = arith.cmpi eq, %arg1, %eq3A_130 : i32
    %convert_element_type3A_132 = arith.extui %eq3A_131 : i1 to i32
    %cond3A_133 = arith.constant 0 : i32
    %cond3A_134 = arith.cmpi ne, %convert_element_type3A_132, %cond3A_133 : i32
    scf.if %cond3A_134 {
      %mul3A_135 = arith.constant 10000 : i32
      %mul3A_136 = arith.muli %arg0, %mul3A_135 : i32
      %add3A_137 = arith.constant 9984 : i32
      %add3A_138 = arith.addi %mul3A_136, %add3A_137 : i32
      "tpu.region"() ({
        %run_scoped3A = tpu.sem_alloc : memref<!tpu.dma_semaphore, #tpu.memory_space<semaphore_mem>>
        %dma_start3A_139 = arith.constant 0 : i32
        %dma_start3A_140 = tpu.memref_slice %arg6[%add3A_138, %dma_start3A_139] : memref<20000x128xf32, #tpu.memory_space<hbm>> -> memref<16x128xf32, #tpu.memory_space<hbm>>
        %dma_start3A_141 = arith.constant 9984 : i32
        %dma_start3A_142 = arith.constant 0 : i32
        %dma_start3A_143 = tpu.memref_slice %arg25[%dma_start3A_141, %dma_start3A_142] : memref<10048x128xf32, #tpu.memory_space<vmem_shared>> -> memref<16x128xf32, #tpu.memory_space<vmem_shared>>
        tpu.enqueue_dma source(%dma_start3A_143 : memref<16x128xf32, #tpu.memory_space<vmem_shared>>) target(%dma_start3A_140 : memref<16x128xf32, #tpu.memory_space<hbm>>) target_semaphore(%run_scoped3A : memref<!tpu.dma_semaphore, #tpu.memory_space<semaphore_mem>>)
        %dma_wait3A_144 = arith.constant 0 : i32
        %dma_wait3A_145 = tpu.memref_slice %arg6[%add3A_138, %dma_wait3A_144] : memref<20000x128xf32, #tpu.memory_space<hbm>> -> memref<16x128xf32, #tpu.memory_space<hbm>>
        %dma_wait3A_146 = arith.constant 9984 : i32
        %dma_wait3A_147 = arith.constant 0 : i32
        %dma_wait3A_148 = tpu.memref_slice %arg25[%dma_wait3A_146, %dma_wait3A_147] : memref<10048x128xf32, #tpu.memory_space<vmem_shared>> -> memref<16x128xf32, #tpu.memory_space<vmem_shared>>
        tpu.wait_dma2 semaphore(%run_scoped3A : memref<!tpu.dma_semaphore, #tpu.memory_space<semaphore_mem>>) src(%dma_wait3A_148 : memref<16x128xf32, #tpu.memory_space<vmem_shared>>) dst(%dma_wait3A_145 : memref<16x128xf32, #tpu.memory_space<hbm>>)
        tpu.yield
      }) : () -> ()
    } else {
    }
    return
  }
}

module attributes {stable_mosaic.version = 14 : i64} {
  func.func @_lin_tc_body(%arg0: i32, %arg1: memref<1000x128xf32, #tpu.memory_space<vmem>>, %arg2: memref<128x128xf32, #tpu.memory_space<vmem>>, %arg3: memref<1x128xf32, #tpu.memory_space<vmem>>, %arg4: memref<128x128xf32, #tpu.memory_space<vmem>>, %arg5: memref<1000x128xf32, #tpu.memory_space<vmem>>) attributes {dimension_semantics = [#tpu.dimension_semantics<arbitrary>], iteration_bounds = array<i64: 10>, scalar_prefetch = 0 : i64, scratch_operands = 0 : i64, tpu.core_type = #tpu.core_type<tc>, window_params = [{transform_indices = @transform_0, window_bounds = array<i64: 1000, 128>}, {pipeline_mode = #tpu.pipeline_mode<synchronous>, transform_indices = @transform_1, window_bounds = array<i64: 128, 128>}, {pipeline_mode = #tpu.pipeline_mode<synchronous>, transform_indices = @transform_2, window_bounds = array<i64: 1, 128>}, {pipeline_mode = #tpu.pipeline_mode<synchronous>, transform_indices = @transform_3, window_bounds = array<i64: 128, 128>}, {transform_indices = @transform_4, window_bounds = array<i64: 1000, 128>}]} {
    %get3A = arith.constant 0 : index
    %get3A_0 = arith.constant 0 : index
    %get3A_1 = vector.load %arg1[%get3A, %get3A_0] : memref<1000x128xf32, #tpu.memory_space<vmem>>, vector<1000x128xf32>
    %get3A_2 = arith.constant 0 : index
    %get3A_3 = arith.constant 0 : index
    %get3A_4 = vector.load %arg2[%get3A_2, %get3A_3] : memref<128x128xf32, #tpu.memory_space<vmem>>, vector<128x128xf32>
    %dot_general3A = arith.constant dense<0.000000e+00> : vector<1000x128xf32>
    %dot_general3A_5 = tpu.matmul %get3A_1, %get3A_4, %dot_general3A {dimension_numbers = #tpu.dot_dimension_numbers<[1], [0], [0], [1], [0, 0, 1, 1], [], []>, transpose_lhs_hint = false} : vector<1000x128xf32>, vector<128x128xf32>, vector<1000x128xf32> -> vector<1000x128xf32>
    %get3A_6 = arith.constant 0 : index
    %get3A_7 = arith.constant 0 : index
    %get3A_8 = vector.load %arg3[%get3A_6, %get3A_7] : memref<1x128xf32, #tpu.memory_space<vmem>>, vector<1x128xf32>
    %add3A = vector.broadcast %get3A_8 : vector<1x128xf32> to vector<1000x128xf32>
    %add3A_9 = arith.addf %dot_general3A_5, %add3A : vector<1000x128xf32>
    %get3A_10 = arith.constant 0 : index
    %get3A_11 = arith.constant 0 : index
    %get3A_12 = vector.load %arg4[%get3A_10, %get3A_11] : memref<128x128xf32, #tpu.memory_space<vmem>>, vector<128x128xf32>
    %dot_general3A_13 = arith.constant dense<0.000000e+00> : vector<1000x128xf32>
    %dot_general3A_14 = tpu.matmul %add3A_9, %get3A_12, %dot_general3A_13 {dimension_numbers = #tpu.dot_dimension_numbers<[1], [0], [0], [1], [0, 0, 1, 1], [], []>, transpose_lhs_hint = false} : vector<1000x128xf32>, vector<128x128xf32>, vector<1000x128xf32> -> vector<1000x128xf32>
    %swap3A = arith.constant 0 : index
    %swap3A_15 = arith.constant 0 : index
    %swap3A_16 = vector.load %arg5[%swap3A, %swap3A_15] : memref<1000x128xf32, #tpu.memory_space<vmem>>, vector<1000x128xf32>
    tpu.vector_store %arg5[%swap3A, %swap3A_15], %dot_general3A_14 {strides = array<i32>} : memref<1000x128xf32, #tpu.memory_space<vmem>>, vector<1000x128xf32>,
    return
  }
  func.func @transform_0(%arg0: i32) -> (i32, i32) {
    %c0_i32 = arith.constant 0 : i32
    %c0_i32_0 = arith.constant 0 : i32
    return %arg0, %c0_i32 : i32, i32
  }
  func.func @transform_1(%arg0: i32) -> (i32, i32) {
    %c0_i32 = arith.constant 0 : i32
    %c0_i32_0 = arith.constant 0 : i32
    %c0_i32_1 = arith.constant 0 : i32
    return %c0_i32, %c0_i32_0 : i32, i32
  }
  func.func @transform_2(%arg0: i32) -> (i32, i32) {
    %c0_i32 = arith.constant 0 : i32
    %c0_i32_0 = arith.constant 0 : i32
    %c0_i32_1 = arith.constant 0 : i32
    return %c0_i32, %c0_i32_0 : i32, i32
  }
  func.func @transform_3(%arg0: i32) -> (i32, i32) {
    %c0_i32 = arith.constant 0 : i32
    %c0_i32_0 = arith.constant 0 : i32
    %c0_i32_1 = arith.constant 0 : i32
    return %c0_i32, %c0_i32_0 : i32, i32
  }
  func.func @transform_4(%arg0: i32) -> (i32, i32) {
    %c0_i32 = arith.constant 0 : i32
    %c0_i32_0 = arith.constant 0 : i32
    return %arg0, %c0_i32 : i32, i32
  }
}

module attributes {stable_mosaic.version = 14 : i64} {
  func.func @_scale_tc_body(%arg0: i32, %arg1: memref<1000x128xf32, #tpu.memory_space<vmem>>, %arg2: memref<1000x128xf32, #tpu.memory_space<vmem>>, %arg3: memref<1000x128xf32, #tpu.memory_space<vmem>>, %arg4: memref<1000x1xf32, #tpu.memory_space<vmem>>, %arg5: memref<1000x128xf32, #tpu.memory_space<vmem>>) attributes {dimension_semantics = [#tpu.dimension_semantics<arbitrary>], iteration_bounds = array<i64: 10>, scalar_prefetch = 0 : i64, scratch_operands = 0 : i64, tpu.core_type = #tpu.core_type<tc>, window_params = [{transform_indices = @transform_0, window_bounds = array<i64: 1000, 128>}, {transform_indices = @transform_1, window_bounds = array<i64: 1000, 128>}, {transform_indices = @transform_2, window_bounds = array<i64: 1000, 128>}, {transform_indices = @transform_3, window_bounds = array<i64: 1000, 1>}, {transform_indices = @transform_4, window_bounds = array<i64: 1000, 128>}]} {
    %get3A = arith.constant 0 : index
    %get3A_0 = arith.constant 0 : index
    %get3A_1 = vector.load %arg2[%get3A, %get3A_0] : memref<1000x128xf32, #tpu.memory_space<vmem>>, vector<1000x1xf32>
    %add3A = arith.constant 1.000000e+00 : f32
    %add3A_2 = vector.broadcast %add3A : f32 to vector<1000x1xf32>
    %add3A_3 = arith.addf %add3A_2, %get3A_1 : vector<1000x1xf32>
    %get3A_4 = arith.constant 0 : index
    %get3A_5 = arith.constant 0 : index
    %get3A_6 = vector.load %arg3[%get3A_4, %get3A_5] : memref<1000x128xf32, #tpu.memory_space<vmem>>, vector<1000x1xf32>
    %add3A_7 = arith.addf %add3A_3, %get3A_6 : vector<1000x1xf32>
    %rsqrt3A = math.rsqrt %add3A_7 : vector<1000x1xf32>
    %swap3A = arith.constant 0 : index
    %swap3A_8 = arith.constant 0 : index
    %swap3A_9 = vector.load %arg4[%swap3A, %swap3A_8] : memref<1000x1xf32, #tpu.memory_space<vmem>>, vector<1000x1xf32>
    tpu.vector_store %arg4[%swap3A, %swap3A_8], %rsqrt3A {strides = array<i32>} : memref<1000x1xf32, #tpu.memory_space<vmem>>, vector<1000x1xf32>,
    %get3A_10 = arith.constant 0 : index
    %get3A_11 = arith.constant 0 : index
    %get3A_12 = vector.load %arg1[%get3A_10, %get3A_11] : memref<1000x128xf32, #tpu.memory_space<vmem>>, vector<1000x128xf32>
    %mul3A = vector.broadcast %rsqrt3A : vector<1000x1xf32> to vector<1000x128xf32>
    %mul3A_13 = arith.mulf %get3A_12, %mul3A : vector<1000x128xf32>
    %swap3A_14 = arith.constant 0 : index
    %swap3A_15 = arith.constant 0 : index
    %swap3A_16 = vector.load %arg5[%swap3A_14, %swap3A_15] : memref<1000x128xf32, #tpu.memory_space<vmem>>, vector<1000x128xf32>
    tpu.vector_store %arg5[%swap3A_14, %swap3A_15], %mul3A_13 {strides = array<i32>} : memref<1000x128xf32, #tpu.memory_space<vmem>>, vector<1000x128xf32>,
    return
  }
  func.func @transform_0(%arg0: i32) -> (i32, i32) {
    %c0_i32 = arith.constant 0 : i32
    %c0_i32_0 = arith.constant 0 : i32
    return %arg0, %c0_i32 : i32, i32
  }
  func.func @transform_1(%arg0: i32) -> (i32, i32) {
    %c0_i32 = arith.constant 0 : i32
    %c0_i32_0 = arith.constant 0 : i32
    return %arg0, %c0_i32 : i32, i32
  }
  func.func @transform_2(%arg0: i32) -> (i32, i32) {
    %add3A = arith.constant 10 : i32
    %add3A_0 = arith.addi %add3A, %arg0 : i32
    %c0_i32 = arith.constant 0 : i32
    %c0_i32_1 = arith.constant 0 : i32
    return %add3A_0, %c0_i32 : i32, i32
  }
  func.func @transform_3(%arg0: i32) -> (i32, i32) {
    %c0_i32 = arith.constant 0 : i32
    %c0_i32_0 = arith.constant 0 : i32
    return %arg0, %c0_i32 : i32, i32
  }
  func.func @transform_4(%arg0: i32) -> (i32, i32) {
    %c0_i32 = arith.constant 0 : i32
    %c0_i32_0 = arith.constant 0 : i32
    return %arg0, %c0_i32 : i32, i32
  }
}

module attributes {stable_mosaic.version = 14 : i64} {
  func.func @_mid_tc_body(%arg0: i32, %arg1: memref<1000x128xf32, #tpu.memory_space<vmem>>, %arg2: memref<1000x128xf32, #tpu.memory_space<vmem>>, %arg3: memref<1000x128xf32, #tpu.memory_space<vmem>>, %arg4: memref<1000x1xf32, #tpu.memory_space<vmem>>, %arg5: memref<1x128xf32, #tpu.memory_space<vmem>>, %arg6: memref<128x128xf32, #tpu.memory_space<vmem>>, %arg7: memref<1000x128xf32, #tpu.memory_space<vmem>>) attributes {dimension_semantics = [#tpu.dimension_semantics<arbitrary>], iteration_bounds = array<i64: 10>, scalar_prefetch = 0 : i64, scratch_operands = 0 : i64, tpu.core_type = #tpu.core_type<tc>, window_params = [{transform_indices = @transform_0, window_bounds = array<i64: 1000, 128>}, {transform_indices = @transform_1, window_bounds = array<i64: 1000, 128>}, {transform_indices = @transform_2, window_bounds = array<i64: 1000, 128>}, {transform_indices = @transform_3, window_bounds = array<i64: 1000, 1>}, {pipeline_mode = #tpu.pipeline_mode<synchronous>, transform_indices = @transform_4, window_bounds = array<i64: 1, 128>}, {pipeline_mode = #tpu.pipeline_mode<synchronous>, transform_indices = @transform_5, window_bounds = array<i64: 128, 128>}, {transform_indices = @transform_6, window_bounds = array<i64: 1000, 128>}]} {
    %get3A = arith.constant 0 : index
    %get3A_0 = arith.constant 0 : index
    %get3A_1 = vector.load %arg4[%get3A, %get3A_0] : memref<1000x1xf32, #tpu.memory_space<vmem>>, vector<1000x1xf32>
    %get3A_2 = arith.constant 0 : index
    %get3A_3 = arith.constant 0 : index
    %get3A_4 = vector.load %arg1[%get3A_2, %get3A_3] : memref<1000x128xf32, #tpu.memory_space<vmem>>, vector<1000x128xf32>
    %get3A_5 = arith.constant 0 : index
    %get3A_6 = arith.constant 0 : index
    %get3A_7 = vector.load %arg2[%get3A_5, %get3A_6] : memref<1000x128xf32, #tpu.memory_space<vmem>>, vector<1000x128xf32>
    %add3A = arith.addf %get3A_4, %get3A_7 : vector<1000x128xf32>
    %get3A_8 = arith.constant 0 : index
    %get3A_9 = arith.constant 0 : index
    %get3A_10 = vector.load %arg3[%get3A_8, %get3A_9] : memref<1000x128xf32, #tpu.memory_space<vmem>>, vector<1000x128xf32>
    %add3A_11 = arith.addf %add3A, %get3A_10 : vector<1000x128xf32>
    %mul3A = vector.broadcast %get3A_1 : vector<1000x1xf32> to vector<1000x128xf32>
    %mul3A_12 = arith.mulf %mul3A, %add3A_11 : vector<1000x128xf32>
    %get3A_13 = arith.constant 0 : index
    %get3A_14 = arith.constant 0 : index
    %get3A_15 = vector.load %arg5[%get3A_13, %get3A_14] : memref<1x128xf32, #tpu.memory_space<vmem>>, vector<1x128xf32>
    %add3A_16 = vector.broadcast %get3A_15 : vector<1x128xf32> to vector<1000x128xf32>
    %add3A_17 = arith.addf %mul3A_12, %add3A_16 : vector<1000x128xf32>
    %get3A_18 = arith.constant 0 : index
    %get3A_19 = arith.constant 0 : index
    %get3A_20 = vector.load %arg6[%get3A_18, %get3A_19] : memref<128x128xf32, #tpu.memory_space<vmem>>, vector<128x128xf32>
    %dot_general3A = arith.constant dense<0.000000e+00> : vector<1000x128xf32>
    %dot_general3A_21 = tpu.matmul %add3A_17, %get3A_20, %dot_general3A {dimension_numbers = #tpu.dot_dimension_numbers<[1], [0], [0], [1], [0, 0, 1, 1], [], []>, transpose_lhs_hint = false} : vector<1000x128xf32>, vector<128x128xf32>, vector<1000x128xf32> -> vector<1000x128xf32>
    %mul3A_22 = vector.broadcast %get3A_1 : vector<1000x1xf32> to vector<1000x128xf32>
    %mul3A_23 = arith.mulf %dot_general3A_21, %mul3A_22 : vector<1000x128xf32>
    %swap3A = arith.constant 0 : index
    %swap3A_24 = arith.constant 0 : index
    %swap3A_25 = vector.load %arg7[%swap3A, %swap3A_24] : memref<1000x128xf32, #tpu.memory_space<vmem>>, vector<1000x128xf32>
    tpu.vector_store %arg7[%swap3A, %swap3A_24], %mul3A_23 {strides = array<i32>} : memref<1000x128xf32, #tpu.memory_space<vmem>>, vector<1000x128xf32>,
    return
  }
  func.func @transform_0(%arg0: i32) -> (i32, i32) {
    %c0_i32 = arith.constant 0 : i32
    %c0_i32_0 = arith.constant 0 : i32
    return %arg0, %c0_i32 : i32, i32
  }
  func.func @transform_1(%arg0: i32) -> (i32, i32) {
    %add3A = arith.constant 10 : i32
    %add3A_0 = arith.addi %add3A, %arg0 : i32
    %c0_i32 = arith.constant 0 : i32
    %c0_i32_1 = arith.constant 0 : i32
    return %add3A_0, %c0_i32 : i32, i32
  }
  func.func @transform_2(%arg0: i32) -> (i32, i32) {
    %c0_i32 = arith.constant 0 : i32
    %c0_i32_0 = arith.constant 0 : i32
    return %arg0, %c0_i32 : i32, i32
  }
  func.func @transform_3(%arg0: i32) -> (i32, i32) {
    %c0_i32 = arith.constant 0 : i32
    %c0_i32_0 = arith.constant 0 : i32
    return %arg0, %c0_i32 : i32, i32
  }
  func.func @transform_4(%arg0: i32) -> (i32, i32) {
    %c0_i32 = arith.constant 0 : i32
    %c0_i32_0 = arith.constant 0 : i32
    %c0_i32_1 = arith.constant 0 : i32
    return %c0_i32, %c0_i32_0 : i32, i32
  }
  func.func @transform_5(%arg0: i32) -> (i32, i32) {
    %c0_i32 = arith.constant 0 : i32
    %c0_i32_0 = arith.constant 0 : i32
    %c0_i32_1 = arith.constant 0 : i32
    return %c0_i32, %c0_i32_0 : i32, i32
  }
  func.func @transform_6(%arg0: i32) -> (i32, i32) {
    %c0_i32 = arith.constant 0 : i32
    %c0_i32_0 = arith.constant 0 : i32
    return %arg0, %c0_i32 : i32, i32
  }
}

module attributes {stable_mosaic.version = 14 : i64} {
  func.func @_final_tc_body(%arg0: i32, %arg1: memref<1000x128xf32, #tpu.memory_space<vmem>>, %arg2: memref<1000x128xf32, #tpu.memory_space<vmem>>, %arg3: memref<1000x128xf32, #tpu.memory_space<vmem>>, %arg4: memref<1000x1xf32, #tpu.memory_space<vmem>>, %arg5: memref<1x128xf32, #tpu.memory_space<vmem>>, %arg6: memref<1000x128xf32, #tpu.memory_space<vmem>>) attributes {dimension_semantics = [#tpu.dimension_semantics<arbitrary>], iteration_bounds = array<i64: 10>, scalar_prefetch = 0 : i64, scratch_operands = 0 : i64, tpu.core_type = #tpu.core_type<tc>, window_params = [{transform_indices = @transform_0, window_bounds = array<i64: 1000, 128>}, {transform_indices = @transform_1, window_bounds = array<i64: 1000, 128>}, {transform_indices = @transform_2, window_bounds = array<i64: 1000, 128>}, {transform_indices = @transform_3, window_bounds = array<i64: 1000, 1>}, {pipeline_mode = #tpu.pipeline_mode<synchronous>, transform_indices = @transform_4, window_bounds = array<i64: 1, 128>}, {transform_indices = @transform_5, window_bounds = array<i64: 1000, 128>}]} {
    %get3A = arith.constant 0 : index
    %get3A_0 = arith.constant 0 : index
    %get3A_1 = vector.load %arg4[%get3A, %get3A_0] : memref<1000x1xf32, #tpu.memory_space<vmem>>, vector<1000x1xf32>
    %get3A_2 = arith.constant 0 : index
    %get3A_3 = arith.constant 0 : index
    %get3A_4 = vector.load %arg1[%get3A_2, %get3A_3] : memref<1000x128xf32, #tpu.memory_space<vmem>>, vector<1000x128xf32>
    %get3A_5 = arith.constant 0 : index
    %get3A_6 = arith.constant 0 : index
    %get3A_7 = vector.load %arg2[%get3A_5, %get3A_6] : memref<1000x128xf32, #tpu.memory_space<vmem>>, vector<1000x128xf32>
    %add3A = arith.addf %get3A_4, %get3A_7 : vector<1000x128xf32>
    %get3A_8 = arith.constant 0 : index
    %get3A_9 = arith.constant 0 : index
    %get3A_10 = vector.load %arg3[%get3A_8, %get3A_9] : memref<1000x128xf32, #tpu.memory_space<vmem>>, vector<1000x128xf32>
    %add3A_11 = arith.addf %add3A, %get3A_10 : vector<1000x128xf32>
    %mul3A = vector.broadcast %get3A_1 : vector<1000x1xf32> to vector<1000x128xf32>
    %mul3A_12 = arith.mulf %mul3A, %add3A_11 : vector<1000x128xf32>
    %get3A_13 = arith.constant 0 : index
    %get3A_14 = arith.constant 0 : index
    %get3A_15 = vector.load %arg5[%get3A_13, %get3A_14] : memref<1x128xf32, #tpu.memory_space<vmem>>, vector<1x128xf32>
    %add3A_16 = vector.broadcast %get3A_15 : vector<1x128xf32> to vector<1000x128xf32>
    %add3A_17 = arith.addf %mul3A_12, %add3A_16 : vector<1000x128xf32>
    %swap3A = arith.constant 0 : index
    %swap3A_18 = arith.constant 0 : index
    %swap3A_19 = vector.load %arg6[%swap3A, %swap3A_18] : memref<1000x128xf32, #tpu.memory_space<vmem>>, vector<1000x128xf32>
    tpu.vector_store %arg6[%swap3A, %swap3A_18], %add3A_17 {strides = array<i32>} : memref<1000x128xf32, #tpu.memory_space<vmem>>, vector<1000x128xf32>,
    return
  }
  func.func @transform_0(%arg0: i32) -> (i32, i32) {
    %c0_i32 = arith.constant 0 : i32
    %c0_i32_0 = arith.constant 0 : i32
    return %arg0, %c0_i32 : i32, i32
  }
  func.func @transform_1(%arg0: i32) -> (i32, i32) {
    %add3A = arith.constant 10 : i32
    %add3A_0 = arith.addi %add3A, %arg0 : i32
    %c0_i32 = arith.constant 0 : i32
    %c0_i32_1 = arith.constant 0 : i32
    return %add3A_0, %c0_i32 : i32, i32
  }
  func.func @transform_2(%arg0: i32) -> (i32, i32) {
    %c0_i32 = arith.constant 0 : i32
    %c0_i32_0 = arith.constant 0 : i32
    return %arg0, %c0_i32 : i32, i32
  }
  func.func @transform_3(%arg0: i32) -> (i32, i32) {
    %c0_i32 = arith.constant 0 : i32
    %c0_i32_0 = arith.constant 0 : i32
    return %arg0, %c0_i32 : i32, i32
  }
  func.func @transform_4(%arg0: i32) -> (i32, i32) {
    %c0_i32 = arith.constant 0 : i32
    %c0_i32_0 = arith.constant 0 : i32
    %c0_i32_1 = arith.constant 0 : i32
    return %c0_i32, %c0_i32_0 : i32, i32
  }
  func.func @transform_5(%arg0: i32) -> (i32, i32) {
    %c0_i32 = arith.constant 0 : i32
    %c0_i32_0 = arith.constant 0 : i32
    return %arg0, %c0_i32 : i32, i32
  }
}

</mosaic_0001>

<sc_bundles>
// kernel: kernel.12.cloned.1.call-start
scs
__scs_entry_jumppad:
0x0: {  	(pc) =	sbr.rel $0x88, $3  }
0x1: {  	(tag) =	ssettag $0x0;
	lr =	simm.s32 $0x1  }
0x2: {  	[smem:$0x3F99] =	sst lr;
	_ =	strace $0xD0000000  }
0x3: {  	_ = 	snop  }
0x4: {  	_ = 	snop  }
0x5: {  	_ = 	snop  }
0x6: {  	_ = 	snop  }
0x7: {  	_ = 	snop  }
__scs_overlays_trampoline_lowered:
0x8: {  	[smem:$0x3FA8] =	sst s0  }
0x9: {  	[smem:$0x3FA9] =	sst s1  }
0xa: {  	[smem:$0x3FAA] =	sst s2  }
0xb: {  	[smem:$0x3FAB] =	sst s3  }
0xc: {  	[smem:$0x3FAC] =	sst s4  }
0xd: {  	[smem:$0x3FAD] =	sst s5  }
0xe: {  	[smem:$0x3FAE] =	sst s6  }
0xf: {  	[smem:$0x3FAF] =	sst s7  }
0x10: {  	[smem:$0x3FB0] =	sst s8  }
0x11: {  	[smem:$0x3FB1] =	sst s9;
	s0 =	simm.s32 @!p0 $0x0  }
0x12: {  	s1 =	sld [smem:$0x3F97];
	s0 =	simm.s32 @p0 $0x1  }
0x13: {  	[smem:$0x3FB2] =	sst s0;
	s0 =	simm.s32 @!p1 $0x0  }
0x14: {  	s2 =	sld [smem:$0x3F96];
	s0 =	simm.s32 @p1 $0x1  }
0x15: {  	[smem:$0x3FB3] =	sst s0;
	s0 =	simm.s32 @!p2 $0x0  }
0x16: {  	s3 =	sld [smem:$0x3FDB];
	s0 =	simm.s32 @p2 $0x1  }
0x17: {  	s4 =	simm.s32 $0x1BF5;
	[smem:$0x3FB5] =	sst s0  }
0x18: {  	s0 =	sld [smem:$0x3F98];
	_ =	swait.ge [sflag:s4], $0x0  }
0x19: {  	s7 =	sld [smem:$0x3F99]  }
0x1a: {  	s8 =	sadd.s32 $0xFFFFE003, lr  }
0x1b: {  	s9 =	sadd.s32 $0xFFFFFEF7, lr;
	s5 =	simm.s32 $0xFFFFFFFF;
	p2 =	slt.u32 s8, $0xFFFFF086  }
0x1c: {  	p1 =	slt.u32 s9, $0xF7A;
	s5 =	simm.s32 @!p2 $0x0  }
0x1d: {  	s5 =	simm.s32 @p1 $0x1;
	p0 =	seq.s32 s7, s2  }
0x1e: {  	s7 =	smul.u32 @!p0 $0xF7A, s2;
	p2 =	seq.s32 @!p0 s5, $0x0  }
0x1f: {  	s9 =	smul.u32 $0xF7A, s1;
	s8 =	simm.s32 @!p0 $0x1BF5;
	p2 =	por !p2, p0  }
0x20: {  	[sflag:s8] =	ssyncset.s32 @!p0 $0xFFFFF086;
	s6 =	sadd.s32 @!p0 s3, s7;
	s7 =	simm.s32 @!p0 $0x108  }
0x21: {  	s3 =	sadd.s32 s3, s9;
	s6 =	sadd.s32 @!p0 $0x88, s6;
	s7 =	simm.s32 @p2 $0x1082  }
0x22: {  	[simem:s7], [sflag:s8] =	dma.local @!p0 [hbm:s6], $0xF7A  }
0x23: {  	s9 =	sor.u32 $0xD0000000, s2;
	s6 =	simm.s32 $0x108;
	_ =	swait.ge @!p0 [sflag:s8], $0x0  }
0x24: {  	s3 =	sadd.s32 $0x88, s3;
	s6 =	simm.s32 @!p1 $0x1082;
	[sflag:s4] =	ssyncset.s32 $0xFFFFF086  }
0x25: {  	[simem:s6], [sflag:s4] =	dma.local [hbm:s3], $0xF7A  }
0x26: {  	[smem:$0x3F99] =	sst s1;
	(tag) =	ssettag s2;
	_ =	strace s9  }
0x27: {  	s1 =	sld [smem:$0x3FA9]  }
0x28: {  	s2 =	sld [smem:$0x3FAA]  }
0x29: {  	s4 =	sld [smem:$0x3FAC]  }
0x2a: {  	p0 =	seq.s32 s5, $0x0;
	s5 =	sld [smem:$0x3FAD]  }
0x2b: {  	s6 =	sld [smem:$0x3FAE]  }
0x2c: {  	s7 =	sld [smem:$0x3FAF]  }
0x2d: {  	s3 =	simm.s32 $0x108;
	s8 =	sld [smem:$0x3FB0]  }
0x2e: {  	s3 =	simm.s32 @!p0 $0x1082;
	s9 =	sld [smem:$0x3FB1]  }
0x2f: {  	lr =	sadd.s32 s0, s3;
	s0 =	sld [smem:$0x3FA8]  }
0x30: {  	s3 =	sld [smem:$0x3FAB]  }
0x31: {  	[smem:$0x3FB4] =	sst s10  }
0x32: {  	s10 =	sld [smem:$0x3FB2];
	_ =	sdelay $0x3  }
0x33: {  	p0 =	seq.s32 s10, $0x1;
	s10 =	sld [smem:$0x3FB4];
	_ =	sdelay $0x3  }
0x34: {  	[smem:$0x3FB4] =	sst s10  }
0x35: {  	s10 =	sld [smem:$0x3FB3];
	_ =	sdelay $0x3  }
0x36: {  	p1 =	seq.s32 s10, $0x1;
	s10 =	sld [smem:$0x3FB4];
	_ =	sdelay $0x3  }
0x37: {  	[smem:$0x3FB4] =	sst s10  }
0x38: {  	s10 =	sld [smem:$0x3FB5]  }
0x39: {  	_ = 	snop;
	(pc) =	sbr.ind lr, $3  }
0x3a: {  	_ = 	snop  }
0x3b: {  	_ = 	snop  }
0x3c: {  	p2 =	seq.s32 s10, $0x1;
	s10 =	sld [smem:$0x3FB4]  }
0x3d: {  	_ =	shalt  }
0x3e: {  	_ =	shalt  }
0x3f: {  	_ =	shalt  }
0x40: {  	_ =	shalt  }
0x41: {  	_ =	shalt  }
0x42: {  	_ =	shalt  }
0x43: {  	_ =	shalt  }
0x44: {  	_ =	shalt  }
0x45: {  	_ =	shalt  }
0x46: {  	_ =	shalt  }
0x47: {  	_ =	shalt  }
0x48: {  	_ =	shalt  }
0x49: {  	_ =	shalt  }
0x4a: {  	_ =	shalt  }
0x4b: {  	_ =	shalt  }
0x4c: {  	_ =	shalt  }
0x4d: {  	_ =	shalt  }
0x4e: {  	_ =	shalt  }
0x4f: {  	_ =	shalt  }
0x50: {  	_ =	shalt  }
0x51: {  	_ =	shalt  }
0x52: {  	_ =	shalt  }
0x53: {  	_ =	shalt  }
0x54: {  	_ =	shalt  }
0x55: {  	_ =	shalt  }
0x56: {  	_ =	shalt  }
0x57: {  	_ =	shalt  }
0x58: {  	_ =	shalt  }
0x59: {  	_ =	shalt  }
0x5a: {  	_ =	shalt  }
0x5b: {  	_ =	shalt  }
0x5c: {  	_ =	shalt  }
0x5d: {  	_ =	shalt  }
0x5e: {  	_ =	shalt  }
0x5f: {  	_ =	shalt  }
0x60: {  	_ =	shalt  }
0x61: {  	_ =	shalt  }
0x62: {  	_ =	shalt  }
0x63: {  	_ =	shalt  }
0x64: {  	_ =	shalt  }
0x65: {  	_ =	shalt  }
0x66: {  	_ =	shalt  }
0x67: {  	_ =	shalt  }
0x68: {  	_ =	shalt  }
0x69: {  	_ =	shalt  }
0x6a: {  	_ =	shalt  }
0x6b: {  	_ =	shalt  }
0x6c: {  	_ =	shalt  }
0x6d: {  	_ =	shalt  }
0x6e: {  	_ =	shalt  }
0x6f: {  	_ =	shalt  }
0x70: {  	_ =	shalt  }
0x71: {  	_ =	shalt  }
0x72: {  	_ =	shalt  }
0x73: {  	_ =	shalt  }
0x74: {  	_ =	shalt  }
0x75: {  	_ =	shalt  }
0x76: {  	_ =	shalt  }
0x77: {  	_ =	shalt  }
0x78: {  	_ =	shalt  }
0x79: {  	_ =	shalt  }
0x7a: {  	_ =	shalt  }
0x7b: {  	_ =	shalt  }
0x7c: {  	_ =	shalt  }
0x7d: {  	_ =	shalt  }
0x7e: {  	_ =	shalt  }
0x7f: {  	_ =	shalt  }
0x80: {  	_ =	shalt  }
0x81: {  	_ =	shalt  }
0x82: {  	_ =	shalt  }
0x83: {  	_ =	shalt  }
0x84: {  	_ =	shalt  }
0x85: {  	_ =	shalt  }
0x86: {  	_ =	shalt  }
0x87: {  	_ =	shalt  }
.Lfunc_end0:
.L_simem_size_0:
called_computation.1_lowered:
.L_overlay_start_0:
0x88: {  	s2 =	sld [smem:$0x3FD9]  }
0x89: {  	s3 =	sld [smem:$0x3FFE];
	_ =	sdelay $0x1  }
0x8a: {  	s1 =	srdreg.scid  }
0x8b: {  	s0 =	sand.u32 $0x1, s1  }
0x8c: {  	s17 =	sshll.u32 s0, $0xA;
	s2 =	sadd.s32 s3, s2  }
0x8d: {  	s2 =	sadd.s32 s2, s17  }
0x8e: {  	[smem:$0x3FC0] =	sst s2  }
0x8f: {  	_ = 	snop  }
0x90: {  	s2 =	sld [smem:$0x3FD0];
	(tm) =	ssettm $0x1  }
0x91: {  	s18 =	sld [smem:$0x3FFB];
	_ =	sdelay $0x3  }
0x92: {  	_ =	strace s18  }
0x93: {  	s3 =	sld [smem:$0x3FFC];
	_ =	sdelay $0x3  }
0x94: {  	_ =	strace s3  }
0x95: {  	s3 =	sld [smem:$0x3FFD];
	_ =	sdelay $0x3  }
0x96: {  	_ =	strace s3  }
0x97: {  	_ =	strace $0x8FFFFFFF  }
0x98: {  	s19 =	sld [smem:$0x3FDB];
	_ =	sdelay $0x1  }
0x99: {  	s4 =	simm.s32 $_scs_section_size  }
0x9a: {  	s5 =	simm.s32 $_size__tile_overlayer_lowered;
	s6 =	simm.s32 $_tile_overlayer_lowered  }
0x9b: {  	s22 =	simm.s32 $0x1BFF;
	s21 =	sshll.u32 s6, $0x1;
	s3 =	sadd.s32 s4, s19  }
0x9c: {  	s7 =	simm.s32 $0x0;
	s20 =	sshll.u32 s5, $0x1;
	s5 =	sadd.s32 s21, s3  }
0x9d: {  	[timem:s7], [sflag:s22] =	dma.local [hbm:s5], s20  }
0x9e: {  	_ =	swait.ge [sflag:s22], s20  }
0x9f: {  	s4 =	ssub.s32 $0x0, s20;
	[sflag:s22] =	ssyncset.done $0x0  }
0xa0: {  	[sflag:s22] =	ssyncadd.s32 s4;
	_ =	sdelay $0x1  }
0xa1: {  	s23 =	simm.s32 $0x1B8B  }
0xa2: {  	_ =	swait.ge [sflag:s23], $0x1  }
0xa3: {  	[sflag:s23] =	ssyncset.done $0x0  }
0xa4: {  	s25 =	simm.s32 $0x1B8E;
	s24 =	sld [smem:$0x3FFE];
	[sflag:s23] =	ssyncadd.s32 $0xFFFFFFFF  }
0xa5: {  	s26 =	simm.s32 $execute0_lowered;
	[smem:$0x3FD2] =	sst s25  }
0xa6: {  	s5 =	sshll.u32 s26, $0x1;
	_ =	strace $0x80000049;
	[dreg:$0x1] =	wrdreg $0xFFFFFFFF  }
0xa7: {  	s28 =	simm.s32 $_size_execute0_lowered;
	s3 =	sadd.s32 s3, s5;
	[dreg:$0x0] =	wrdreg $0x0  }
0xa8: {  	s5 =	sshll.u32 s28, $0x1;
	[dreg:$0x2] =	wrdreg s3  }
0xa9: {  	[dreg:$0x3] =	wrdreg s5  }
0xaa: {  	[dreg:$0x4] =	wrdreg $0xC0  }
0xab: {  	_ =	task [dreg:s7], $0x5FFFF  }
0xac: {  	[dreg:$0x1] =	wrdreg $0xFFFFFFFF  }
0xad: {  	[dreg:$0x0] =	wrdreg $0x60  }
0xae: {  	[dreg:$0x2] =	wrdreg s24  }
0xaf: {  	[dreg:$0x3] =	wrdreg s2  }
0xb0: {  	[dreg:$0x4] =	wrdreg $0xC3000  }
0xb1: {  	[dreg:$0x5] =	wrdreg $0x9  }
0xb2: {  	_ =	task.clear_ibuf [dreg:s7], $0x6FFFF;
	_ =	strace $0x90000049  }
0xb3: {  	s29 =	simm.s32 $0x9;
	_ =	strace $0x8000004B  }
0xb4: {  	_ =	swait.ge [sflag:s29], $0x1  }
0xb5: {  	[sflag:s29] =	ssyncadd.s32 $0xFFFFFFFF  }
0xb6: {  	_ =	strace $0x9000004B  }
0xb7: {  	_ =	sfence  }
0xb8: {  	s30 =	sld [smem:$0x0];
	_ =	sdelay $0x2  }
0xb9: {  	s31 =	sshll.u32 s1, $0xD;
	s1 =	sshrl.u32 s1, $0x2  }
0xba: {  	s3 =	sand.u32 $0x4000, s31;
	s1 =	sadd.s32 s1, s30  }
0xbb: {  	s0 =	sor.u32 s3, s0;
	s1 =	sshll.u32 s1, $0x11  }
0xbc: {  	s0 =	sor.u32 s1, s0  }
0xbd: {  	s0 =	sadd.s32 $0x8F2B, s0  }
0xbe: {  	[sflag:s0] =	ssyncadd.remote.s32 $0x1  }
0xbf: {  	_ =	sfence.sel $0xFFFF  }
0xc0: {  	[dreg:$0x0] =	wrdreg $0xFFFFFFFF;
	(pc) =	sbr.abs _section_cstart, $3  }
0xc1: {  	[dreg:$0x1] =	wrdreg $0xFFFFFFFF  }
0xc2: {  	_ =	task.clear_ibuf [dreg:s7], $0x2FFFF;
	_ =	strace $0x9FFFFFFF  }
0xc3: {  	(tm) =	ssettm $0x7FFFFFFF  }
tec
execute0_lowered:
.L_overlay_start_1:
0x0: {  	(tag) =	ssettag $0x1  }
0x1: {  	s0 =	rddreg [dreg:$0x0]  }
0x2: {  	s3 =	rddreg [dreg:$0x1]  }
0x3: {  	s1 =	rddreg [dreg:$0x2];
	s2 =	simm.s32 $0x0;
	s4 =	srdreg.scid  }
0x4: {  	s7 =	stileid.u32;
	s28 =	simm.s32 $0xA;
	s29 =	simm.s32 $0x80  }
0x5: {  	s30 =	simm.s32 $0x100;
	s31 =	simm.s32 $0x180;
	[smem:$0x7FF] =	sst s2  }
0x6: {  	s6 =	sand.u32 $0x1, s4;
	s13 =	sadd.s32 $0x2C00, s0;
	s9 =	smul.u32 $0x4E000, s7  }
0x7: {  	s4 =	sadd.s32 $0xCC00, s0;
	s12 =	smul.u32 $0x2700, s7;
	s19 =	sshll.u32 s7, $0x6  }
0x8: {  	p0 =	sne.s32 s7, $0x0;
	_ =	strace $0x8000004A;
	s15 =	smul.u32 $0x27100, s6  }
0x9: {  	s5 =	sshll.u32 s6, $0x4;
	s10 =	ssub.s32 $0x2, s6;
	s17 =	smul.u32 $0x138800, s6  }
0xa: {  	s6 =	smul.u32 $0x28000, s6;
	[dreg:$0x4] =	wrdreg s13;
	s8 =	sor.u32 s7, s5  }
0xb: {  	s5 =	sadd.s32 $0x16C00, s0;
	s11 =	sshrl.u32 s10, $0x1;
	s9 =	sshrl.u32 s9, $0x2  }
0xc: {  	s0 =	sadd.s32 $0x3DE00, s0;
	s18 =	sadd.s32 s3, s12;
	s3 =	sadd.s32 $0x27000, s3  }
0xd: {  	s8 =	smul.u32 $0x2800, s8;
	s10 =	ssub.s32 s10, s11;
	[dreg:$0x6] =	wrdreg s18  }
0xe: {  	s9 =	sadd.s32 s9, s1;
	[dreg:$0x7] =	wrdreg s3;
	s18 =	smul.u32 $0x2800, s7  }
0xf: {  	s7 =	simm.s32 $0x4;
	[dreg:$0x5] =	wrdreg s9;
	s20 =	sshrl.u32 s8, $0x3  }
0x10: {  	s8 =	sor.u32 $0x1C0A, s19;
	s21 =	sor.u32 $0x10, s20;
	s22 =	sadd.s32 s13, s20  }
0x11: {  	s24 =	sor.u32 $0x20, s20;
	s25 =	sadd.s32 s4, s20;
	[dreg:$0x8] =	wrdreg s22  }
0x12: {  	s9 =	sadd.s32 $0x4E0, s20;
	s23 =	sadd.s32 s13, s21;
	[dreg:$0xb] =	wrdreg s25  }
0x13: {  	s11 =	sadd.s32 $0x4F0, s20;
	s14 =	sadd.s32 s13, s24;
	[dreg:$0x9] =	wrdreg s23  }
0x14: {  	s3 =	sadd.s32 s4, s21;
	s26 =	sadd.s32 s4, s24;
	[dreg:$0xa] =	wrdreg s14  }
0x15: {  	s16 =	sadd.s32 s13, s9;
	s19 =	sadd.s32 s13, s11;
	[dreg:$0xc] =	wrdreg s3  }
0x16: {  	s20 =	sadd.s32 s4, s11;
	s21 =	smax.u32 s10, $0x1;
	[dreg:$0xd] =	wrdreg s26  }
0x17: {  	s22 =	sadd.s32 s18, s6;
	s10 =	simm.s32 $0x5;
	[dreg:$0xe] =	wrdreg s16  }
0x18: {  	s11 =	simm.s32 $0x4300;
	s13 =	simm.s32 $0x6;
	[dreg:$0x11] =	wrdreg s19  }
0x19: {  	s18 =	simm.s32 $0x3;
	s3 =	sadd.s32 s4, s9;
	[dreg:$0x12] =	wrdreg s20  }
0x1a: {  	s9 =	sadd.s32 s12, s15;
	[dreg:$0x14] =	wrdreg s21;
	s25 =	sor.u32 $0x280, s22  }
0x1b: {  	s6 =	sor.u32 $0x200, s22;
	s26 =	sadd.s32 $0x138000, s1;
	s12 =	simm.s32 $0x1  }
0x1c: {  	s14 =	simm.s32 $0x8300;
	s15 =	simm.s32 $0x7;
	s16 =	simm.s32 $0x2  }
0x1d: {  	s19 =	simm.s32 $0x9;
	s20 =	simm.s32 $0x0;
	[dreg:$0xf] =	wrdreg s3  }
0x1e: {  	s9 =	sadd.s32 s0, s9;
	s3 =	sshrl.u32 s17, $0x3;
	s23 =	sshrl.u32 s25, $0x3  }
0x1f: {  	s24 =	sshrl.u32 s6, $0x3;
	[dreg:$0x15] =	wrdreg s26;
	s0 =	sadd.s32 s0, s3  }
0x20: {  	s6 =	simm.s32 $0x280;
	[dreg:$0x10] =	wrdreg s9;
	s0 =	sadd.s32 $0x27000, s0  }
0x21: {  	s17 =	simm.s32 $0x8;
	[dreg:$0x13] =	wrdreg s0;
	s0 =	sor.u32 $0x180, s22  }
0x22: {  	s9 =	simm.s32 $0x300;
	s25 =	sshrl.u32 s0, $0x3;
	s0 =	simm.s32 $0x200  }
.LBB2_1:
0x23: {  	s3 =	rddreg [dreg:$0x5]  }
0x24: {  	s22 =	rddreg [dreg:$0x6];
	s21 =	sshrl.u32 s3, $0x3  }
0x25: {  	[dreg:$0x16] =	wrdreg s21  }
0x26: {  	[spmem:s21], [sflag:s8] =	dma.local [hbm:s22], $0x2700  }
0x27: {  	_ =	swait.ge [sflag:s28], $0x2700  }
0x28: {  	s3 =	rddreg [dreg:$0x15]  }
0x29: {  	[sflag:s28] =	ssyncset.done $0x0;
	s21 =	sshrl.u32 @!p0 s3, $0x3;
	s3 =	rddreg [dreg:$0x7]  }
0x2a: {  	[sflag:s28] =	ssyncadd.s32 $0xFFFFD900;
	[dreg:$0x17] =	wrdreg s21  }
0x2b: {  	[spmem:s21], [sflag:s8] =	dma.local @!p0 [hbm:s3], $0x100  }
0x2c: {  	s3 =	simm.s32 @!p0 $0xA  }
0x2d: {  	_ =	swait.ge @!p0 [sflag:s3], $0x100  }
0x2e: {  	[sflag:s3] =	ssyncset.done @!p0 $0x0  }
0x2f: {  	[sflag:s3] =	ssyncadd.s32 @!p0 $0xFFFFFF00  }
0x30: {  	[bflag:$0x0] =	sbarrier.arrive $0xFFFF  }
0x31: {  	s26 =	rddreg [dreg:$0x8]  }
0x32: {  	[tilespmem:s2], [sflag:$0x4] =	stream.linear.gather [hbm4b:s26+s2], $0x80, $0x38;
	[tilespmem:$0x1FD00] =	vst v63  }
0x33: {  	s21 =	rddreg [dreg:$0x9]  }
0x34: {  	[tilespmem:s29], [sflag:$0x5] =	stream.linear.gather [hbm4b:s21+s2], $0x80, $0x38;
	[tilespmem:$0x1FD00] =	vst v63  }
0x35: {  	s22 =	rddreg [dreg:$0xa]  }
0x36: {  	[tilespmem:s30], [sflag:$0x6] =	stream.linear.gather [hbm4b:s22+s2], $0x80, $0x38;
	[tilespmem:$0x1FD00] =	vst v63  }
0x37: {  	s26 =	rddreg [dreg:$0xb]  }
0x38: {  	[tilespmem:s31], [sflag:$0x7] =	stream.linear.gather [hbm4b:s26+s2], $0x80, $0x38;
	[tilespmem:$0x1FD00] =	vst v63  }
0x39: {  	s21 =	rddreg [dreg:$0xc]  }
0x3a: {  	[tilespmem:s0], [sflag:$0x8] =	stream.linear.gather [hbm4b:s21+s2], $0x80, $0x38;
	[tilespmem:$0x1FD00] =	vst v63  }
0x3b: {  	s22 =	rddreg [dreg:$0xd]  }
0x3c: {  	[tilespmem:s6], [sflag:$0x9] =	stream.linear.gather [hbm4b:s22+s2], $0x80, $0x38;
	[tilespmem:$0x1FD00] =	vst v63  }
0x3d: {  	_ =	swait.ge [sflag:s7], $0x80  }
0x3e: {  	[sflag:s7] =	ssyncset.done $0x0  }
0x3f: {  	[sflag:s7] =	ssyncadd.s32 $0xFFFFFF80  }
0x40: {  	[tilespmem:s9], [sflag:$0x1] =	stream.indirect.gather [hbm4b:s5+s29], $0x80, s2, s29, $0xb8;
	[tilespmem:$0x1FD00] =	vst v63  }
0x41: {  	_ =	swait.ge [sflag:s10], $0x80  }
0x42: {  	[sflag:s10] =	ssyncset.done $0x0  }
0x43: {  	[sflag:s10] =	ssyncadd.s32 $0xFFFFFF80  }
0x44: {  	[tilespmem:s11], [sflag:$0x2] =	stream.indirect.gather [hbm4b:s5+s29], $0x80, s29, s29, $0xb8;
	[tilespmem:$0x1FD00] =	vst v63  }
0x45: {  	_ =	swait.ge [sflag:s12], $0x4000  }
0x46: {  	[sflag:s12] =	ssyncset.done $0x0  }
0x47: {  	[sflag:s12] =	ssyncadd.s32 $0xFFFFC000  }
0x48: {  	_ =	swait.ge [sflag:s13], $0x80  }
0x49: {  	[sflag:s13] =	ssyncset.done $0x0  }
0x4a: {  	s21 =	rddreg [dreg:$0x4];
	[sflag:s13] =	ssyncadd.s32 $0xFFFFFF80  }
0x4b: {  	[tilespmem:s14], [sflag:$0x3] =	stream.indirect.gather [hbm4b:s5+s29], $0x80, s30, s29, $0xb8;
	[tilespmem:$0x1FD00] =	vst v63  }
0x4c: {  	s26 =	sadd.s32 s21, s25  }
0x4d: {  	[tilespmem:s2], [sflag:$0x4] =	stream.linear.gather [hbm4b:s26+s2], $0x80, $0x38;
	[tilespmem:$0x1FD00] =	vst v63  }
0x4e: {  	_ =	swait.ge [sflag:s15], $0x80  }
0x4f: {  	[sflag:s15] =	ssyncset.done $0x0  }
0x50: {  	[sflag:s15] =	ssyncadd.s32 $0xFFFFFF80  }
0x51: {  	[spmem:s1] =	stream.indirect.scatter.add.f32 [tilespmem:s9], [sflag:$0xA], $0x80, s31, s29, $0xb8;
	[tilespmem:$0x1FD00] =	vst v63  }
0x52: {  	_ =	swait.ge [sflag:s28], $0x4000  }
0x53: {  	[sflag:s28] =	ssyncset.done $0x0  }
0x54: {  	s22 =	sadd.s32 s4, s25;
	[sflag:s28] =	ssyncadd.s32 $0xFFFFC000  }
0x55: {  	[tilespmem:s31], [sflag:$0x7] =	stream.linear.gather [hbm4b:s22+s2], $0x80, $0x38;
	[tilespmem:$0x1FD00] =	vst v63  }
0x56: {  	_ =	swait.ge [sflag:s16], $0x4000  }
0x57: {  	[sflag:s16] =	ssyncset.done $0x0  }
0x58: {  	[sflag:s16] =	ssyncadd.s32 $0xFFFFC000  }
0x59: {  	_ =	swait.ge [sflag:s7], $0x80  }
0x5a: {  	[sflag:s7] =	ssyncset.done $0x0  }
0x5b: {  	[sflag:s7] =	ssyncadd.s32 $0xFFFFFF80  }
0x5c: {  	[tilespmem:s9], [sflag:$0x1] =	stream.indirect.gather [hbm4b:s5+s29], $0x80, s2, s29, $0xb8;
	[tilespmem:$0x1FD00] =	vst v63  }
0x5d: {  	s26 =	sadd.s32 s21, s24  }
0x5e: {  	[tilespmem:s29], [sflag:$0x5] =	stream.linear.gather [hbm4b:s26+s2], $0x80, $0x38;
	[tilespmem:$0x1FD00] =	vst v63  }
0x5f: {  	_ =	swait.ge [sflag:s17], $0x80  }
0x60: {  	[sflag:s17] =	ssyncset.done $0x0  }
0x61: {  	[sflag:s17] =	ssyncadd.s32 $0xFFFFFF80  }
0x62: {  	[spmem:s1] =	stream.indirect.scatter.add.f32 [tilespmem:s11], [sflag:$0xA], $0x80, s0, s29, $0xb8;
	[tilespmem:$0x1FD00] =	vst v63  }
0x63: {  	_ =	swait.ge [sflag:s28], $0x4000  }
0x64: {  	[sflag:s28] =	ssyncset.done $0x0  }
0x65: {  	s22 =	sadd.s32 s4, s24;
	[sflag:s28] =	ssyncadd.s32 $0xFFFFC000  }
0x66: {  	[tilespmem:s0], [sflag:$0x8] =	stream.linear.gather [hbm4b:s22+s2], $0x80, $0x38;
	[tilespmem:$0x1FD00] =	vst v63  }
0x67: {  	_ =	swait.ge [sflag:s18], $0x4000  }
0x68: {  	[sflag:s18] =	ssyncset.done $0x0  }
0x69: {  	[sflag:s18] =	ssyncadd.s32 $0xFFFFC000  }
0x6a: {  	_ =	swait.ge [sflag:s10], $0x80  }
0x6b: {  	[sflag:s10] =	ssyncset.done $0x0  }
0x6c: {  	[sflag:s10] =	ssyncadd.s32 $0xFFFFFF80  }
0x6d: {  	[tilespmem:s11], [sflag:$0x2] =	stream.indirect.gather [hbm4b:s5+s29], $0x80, s29, s29, $0xb8;
	[tilespmem:$0x1FD00] =	vst v63  }
0x6e: {  	s26 =	sadd.s32 s21, s23  }
0x6f: {  	[tilespmem:s30], [sflag:$0x6] =	stream.linear.gather [hbm4b:s26+s2], $0x80, $0x38;
	[tilespmem:$0x1FD00] =	vst v63  }
0x70: {  	_ =	swait.ge [sflag:s19], $0x80  }
0x71: {  	[sflag:s19] =	ssyncset.done $0x0  }
0x72: {  	[sflag:s19] =	ssyncadd.s32 $0xFFFFFF80  }
0x73: {  	[spmem:s1] =	stream.indirect.scatter.add.f32 [tilespmem:s14], [sflag:$0xA], $0x80, s6, s29, $0xb8;
	[tilespmem:$0x1FD00] =	vst v63  }
0x74: {  	_ =	swait.ge [sflag:s28], $0x4000  }
0x75: {  	s3 =	sadd.s32 s4, s23;
	s21 =	sadd.s32 $0x30, s21;
	[sflag:s28] =	ssyncset.done $0x0  }
0x76: {  	s22 =	sadd.s32 $0x30, s4;
	s26 =	simm.s32 $0x18;
	[sflag:s28] =	ssyncadd.s32 $0xFFFFC000  }
.LBB2_2:
0x77: {  	[tilespmem:s6], [sflag:$0x9] =	stream.linear.gather [hbm4b:s3+s2], $0x80, $0x38;
	[tilespmem:$0x1FD00] =	vst v63  }
0x78: {  	p1 =	sne.s32 s26, $0x1;
	s26 =	sadd.s32 $0xFFFFFFFF, s26;
	_ =	swait.ge [sflag:s12], $0x4000  }
0x79: {  	[sflag:s12] =	ssyncset.done $0x0  }
0x7a: {  	[sflag:s12] =	ssyncadd.s32 $0xFFFFC000  }
0x7b: {  	_ =	swait.ge [sflag:s13], $0x80  }
0x7c: {  	[sflag:s13] =	ssyncset.done $0x0  }
0x7d: {  	[sflag:s13] =	ssyncadd.s32 $0xFFFFFF80  }
0x7e: {  	[tilespmem:s14], [sflag:$0x3] =	stream.indirect.gather [hbm4b:s5+s29], $0x80, s30, s29, $0xb8;
	[tilespmem:$0x1FD00] =	vst v63  }
0x7f: {  	s3 =	sadd.s32 s21, s25  }
0x80: {  	[tilespmem:s2], [sflag:$0x4] =	stream.linear.gather [hbm4b:s3+s2], $0x80, $0x38;
	[tilespmem:$0x1FD00] =	vst v63  }
0x81: {  	_ =	swait.ge [sflag:s15], $0x80  }
0x82: {  	[sflag:s15] =	ssyncset.done $0x0  }
0x83: {  	[sflag:s15] =	ssyncadd.s32 $0xFFFFFF80  }
0x84: {  	[spmem:s1] =	stream.indirect.scatter.add.f32 [tilespmem:s9], [sflag:$0xA], $0x80, s31, s29, $0xb8;
	[tilespmem:$0x1FD00] =	vst v63  }
0x85: {  	_ =	swait.ge [sflag:s28], $0x4000  }
0x86: {  	[sflag:s28] =	ssyncset.done $0x0  }
0x87: {  	s3 =	sadd.s32 s22, s25;
	[sflag:s28] =	ssyncadd.s32 $0xFFFFC000  }
0x88: {  	[tilespmem:s31], [sflag:$0x7] =	stream.linear.gather [hbm4b:s3+s2], $0x80, $0x38;
	[tilespmem:$0x1FD00] =	vst v63  }
0x89: {  	_ =	swait.ge [sflag:s16], $0x4000  }
0x8a: {  	[sflag:s16] =	ssyncset.done $0x0  }
0x8b: {  	[sflag:s16] =	ssyncadd.s32 $0xFFFFC000  }
0x8c: {  	_ =	swait.ge [sflag:s7], $0x80  }
0x8d: {  	[sflag:s7] =	ssyncset.done $0x0  }
0x8e: {  	[sflag:s7] =	ssyncadd.s32 $0xFFFFFF80  }
0x8f: {  	[tilespmem:s9], [sflag:$0x1] =	stream.indirect.gather [hbm4b:s5+s29], $0x80, s2, s29, $0xb8;
	[tilespmem:$0x1FD00] =	vst v63  }
0x90: {  	s3 =	sadd.s32 s21, s24  }
0x91: {  	[tilespmem:s29], [sflag:$0x5] =	stream.linear.gather [hbm4b:s3+s2], $0x80, $0x38;
	[tilespmem:$0x1FD00] =	vst v63  }
0x92: {  	_ =	swait.ge [sflag:s17], $0x80  }
0x93: {  	[sflag:s17] =	ssyncset.done $0x0  }
0x94: {  	[sflag:s17] =	ssyncadd.s32 $0xFFFFFF80  }
0x95: {  	[spmem:s1] =	stream.indirect.scatter.add.f32 [tilespmem:s11], [sflag:$0xA], $0x80, s0, s29, $0xb8;
	[tilespmem:$0x1FD00] =	vst v63  }
0x96: {  	_ =	swait.ge [sflag:s28], $0x4000  }
0x97: {  	[sflag:s28] =	ssyncset.done $0x0  }
0x98: {  	s3 =	sadd.s32 s22, s24;
	[sflag:s28] =	ssyncadd.s32 $0xFFFFC000  }
0x99: {  	[tilespmem:s0], [sflag:$0x8] =	stream.linear.gather [hbm4b:s3+s2], $0x80, $0x38;
	[tilespmem:$0x1FD00] =	vst v63  }
0x9a: {  	_ =	swait.ge [sflag:s18], $0x4000  }
0x9b: {  	[sflag:s18] =	ssyncset.done $0x0  }
0x9c: {  	[sflag:s18] =	ssyncadd.s32 $0xFFFFC000  }
0x9d: {  	_ =	swait.ge [sflag:s10], $0x80  }
0x9e: {  	[sflag:s10] =	ssyncset.done $0x0  }
0x9f: {  	[sflag:s10] =	ssyncadd.s32 $0xFFFFFF80  }
0xa0: {  	[tilespmem:s11], [sflag:$0x2] =	stream.indirect.gather [hbm4b:s5+s29], $0x80, s29, s29, $0xb8;
	[tilespmem:$0x1FD00] =	vst v63  }
0xa1: {  	s3 =	sadd.s32 s21, s23  }
0xa2: {  	[tilespmem:s30], [sflag:$0x6] =	stream.linear.gather [hbm4b:s3+s2], $0x80, $0x38;
	[tilespmem:$0x1FD00] =	vst v63  }
0xa3: {  	_ =	swait.ge [sflag:s19], $0x80  }
0xa4: {  	[sflag:s19] =	ssyncset.done $0x0  }
.Ltmp0:
0xa5: {  	[sflag:s19] =	ssyncadd.s32 $0xFFFFFF80;
	(pc) =	sbr.rel @p1 .LBB2_2-.Ltmp0, $4  }
0xa6: {  	[spmem:s1] =	stream.indirect.scatter.add.f32 [tilespmem:s14], [sflag:$0xA], $0x80, s6, s29, $0xb8;
	[tilespmem:$0x1FD00] =	vst v63  }
0xa7: {  	_ =	swait.ge [sflag:s28], $0x4000  }
0xa8: {  	s21 =	sadd.s32 $0x30, s21;
	[sflag:s28] =	ssyncset.done $0x0  }
0xa9: {  	s3 =	sadd.s32 s22, s23;
	s22 =	sadd.s32 $0x30, s22;
	[sflag:s28] =	ssyncadd.s32 $0xFFFFC000  }
0xaa: {  	[tilespmem:s6], [sflag:$0x9] =	stream.linear.gather [hbm4b:s3+s2], $0x80, $0x38;
	[tilespmem:$0x1FD00] =	vst v63  }
0xab: {  	_ =	swait.ge [sflag:s12], $0x4000  }
0xac: {  	[sflag:s12] =	ssyncset.done $0x0  }
0xad: {  	[sflag:s12] =	ssyncadd.s32 $0xFFFFC000  }
0xae: {  	_ =	swait.ge [sflag:s13], $0x80  }
0xaf: {  	[sflag:s13] =	ssyncset.done $0x0  }
0xb0: {  	[sflag:s13] =	ssyncadd.s32 $0xFFFFFF80  }
0xb1: {  	[tilespmem:s14], [sflag:$0x3] =	stream.indirect.gather [hbm4b:s5+s29], $0x80, s30, s29, $0xb8;
	[tilespmem:$0x1FD00] =	vst v63  }
0xb2: {  	s21 =	rddreg [dreg:$0xe]  }
0xb3: {  	[tilespmem:s2], [sflag:$0x4] =	stream.linear.gather [hbm4b:s21+s2], $0x80, $0x38;
	[tilespmem:$0x1FD00] =	vst v63  }
0xb4: {  	_ =	swait.ge [sflag:s15], $0x80  }
0xb5: {  	[sflag:s15] =	ssyncset.done $0x0  }
0xb6: {  	[sflag:s15] =	ssyncadd.s32 $0xFFFFFF80  }
0xb7: {  	[spmem:s1] =	stream.indirect.scatter.add.f32 [tilespmem:s9], [sflag:$0xA], $0x80, s31, s29, $0xb8;
	[tilespmem:$0x1FD00] =	vst v63  }
0xb8: {  	_ =	swait.ge [sflag:s28], $0x4000  }
0xb9: {  	[sflag:s28] =	ssyncset.done $0x0  }
0xba: {  	s22 =	rddreg [dreg:$0xf];
	[sflag:s28] =	ssyncadd.s32 $0xFFFFC000  }
0xbb: {  	[tilespmem:s31], [sflag:$0x7] =	stream.linear.gather [hbm4b:s22+s2], $0x80, $0x38;
	[tilespmem:$0x1FD00] =	vst v63  }
0xbc: {  	_ =	swait.ge [sflag:s16], $0x4000  }
0xbd: {  	[sflag:s16] =	ssyncset.done $0x0  }
0xbe: {  	[sflag:s16] =	ssyncadd.s32 $0xFFFFC000  }
0xbf: {  	_ =	swait.ge [sflag:s7], $0x80  }
0xc0: {  	[sflag:s7] =	ssyncset.done $0x0  }
0xc1: {  	[sflag:s7] =	ssyncadd.s32 $0xFFFFFF80  }
0xc2: {  	[tilespmem:s9], [sflag:$0x1] =	stream.indirect.gather [hbm4b:s5+s29], $0x80, s2, s29, $0xb8;
	[tilespmem:$0x1FD00] =	vst v63  }
0xc3: {  	s26 =	rddreg [dreg:$0x11]  }
0xc4: {  	[tilespmem:s29], [sflag:$0x5] =	stream.linear.gather [hbm4b:s26+s2], $0x80, $0x38;
	[tilespmem:$0x1FD00] =	vst v63  }
0xc5: {  	_ =	swait.ge [sflag:s17], $0x80  }
0xc6: {  	[sflag:s17] =	ssyncset.done $0x0  }
0xc7: {  	[sflag:s17] =	ssyncadd.s32 $0xFFFFFF80  }
0xc8: {  	[spmem:s1] =	stream.indirect.scatter.add.f32 [tilespmem:s11], [sflag:$0xA], $0x80, s0, s29, $0xb8;
	[tilespmem:$0x1FD00] =	vst v63  }
0xc9: {  	_ =	swait.ge [sflag:s28], $0x4000  }
0xca: {  	[sflag:s28] =	ssyncset.done $0x0  }
0xcb: {  	s21 =	rddreg [dreg:$0x12];
	[sflag:s28] =	ssyncadd.s32 $0xFFFFC000  }
0xcc: {  	[tilespmem:s0], [sflag:$0x8] =	stream.linear.gather [hbm4b:s21+s2], $0x80, $0x38;
	[tilespmem:$0x1FD00] =	vst v63  }
0xcd: {  	_ =	swait.ge [sflag:s18], $0x4000  }
0xce: {  	[sflag:s18] =	ssyncset.done $0x0  }
0xcf: {  	[sflag:s18] =	ssyncadd.s32 $0xFFFFC000  }
0xd0: {  	_ =	swait.ge [sflag:s10], $0x80  }
0xd1: {  	[sflag:s10] =	ssyncset.done $0x0  }
0xd2: {  	[sflag:s10] =	ssyncadd.s32 $0xFFFFFF80  }
0xd3: {  	[tilespmem:s11], [sflag:$0x2] =	stream.indirect.gather [hbm4b:s5+s29], $0x80, s29, s29, $0xb8;
	[tilespmem:$0x1FD00] =	vst v63  }
0xd4: {  	_ =	swait.ge [sflag:s19], $0x80  }
0xd5: {  	[sflag:s19] =	ssyncset.done $0x0  }
0xd6: {  	[sflag:s19] =	ssyncadd.s32 $0xFFFFFF80  }
0xd7: {  	[spmem:s1] =	stream.indirect.scatter.add.f32 [tilespmem:s14], [sflag:$0xA], $0x80, s6, s29, $0xb8;
	[tilespmem:$0x1FD00] =	vst v63  }
0xd8: {  	_ =	swait.ge [sflag:s28], $0x4000  }
0xd9: {  	[sflag:s28] =	ssyncset.done $0x0  }
0xda: {  	[sflag:s28] =	ssyncadd.s32 $0xFFFFC000  }
0xdb: {  	_ =	swait.ge [sflag:s12], $0x4000  }
0xdc: {  	[sflag:s12] =	ssyncset.done $0x0  }
0xdd: {  	[sflag:s12] =	ssyncadd.s32 $0xFFFFC000  }
0xde: {  	_ =	swait.ge [sflag:s15], $0x80  }
0xdf: {  	[sflag:s15] =	ssyncset.done $0x0  }
0xe0: {  	[sflag:s15] =	ssyncadd.s32 $0xFFFFFF80  }
0xe1: {  	[spmem:s1] =	stream.indirect.scatter.add.f32 [tilespmem:s9], [sflag:$0xA], $0x80, s31, s29, $0xb8;
	[tilespmem:$0x1FD00] =	vst v63  }
0xe2: {  	_ =	swait.ge [sflag:s28], $0x4000  }
0xe3: {  	[sflag:s28] =	ssyncset.done $0x0  }
0xe4: {  	[sflag:s28] =	ssyncadd.s32 $0xFFFFC000  }
0xe5: {  	_ =	swait.ge [sflag:s16], $0x4000  }
0xe6: {  	[sflag:s16] =	ssyncset.done $0x0  }
0xe7: {  	[sflag:s16] =	ssyncadd.s32 $0xFFFFC000  }
0xe8: {  	_ =	swait.ge [sflag:s17], $0x80  }
0xe9: {  	[sflag:s17] =	ssyncset.done $0x0  }
0xea: {  	[sflag:s17] =	ssyncadd.s32 $0xFFFFFF80  }
0xeb: {  	[spmem:s1] =	stream.indirect.scatter.add.f32 [tilespmem:s11], [sflag:$0xA], $0x80, s0, s29, $0xb8;
	[tilespmem:$0x1FD00] =	vst v63  }
0xec: {  	_ =	swait.ge [sflag:s28], $0x4000  }
0xed: {  	[sflag:s28] =	ssyncset.done $0x0  }
0xee: {  	[sflag:s28] =	ssyncadd.s32 $0xFFFFC000  }
0xef: {  	[bflag:$0x0] =	sbarrier.arrive $0xFFFF  }
0xf0: {  	s22 =	rddreg [dreg:$0x10]  }
0xf1: {  	s21 =	rddreg [dreg:$0x16]  }
0xf2: {  	[hbm:s22], [sflag:s8] =	dma.local [spmem:s21], $0x2700  }
0xf3: {  	_ =	swait.ge [sflag:s28], $0x2700  }
0xf4: {  	[sflag:s28] =	ssyncset.done $0x0;
	s3 =	rddreg [dreg:$0x13]  }
0xf5: {  	s21 =	rddreg [dreg:$0x17];
	[sflag:s28] =	ssyncadd.s32 $0xFFFFD900  }
0xf6: {  	[hbm:s3], [sflag:s8] =	dma.local @!p0 [spmem:s21], $0x100  }
0xf7: {  	s3 =	simm.s32 @!p0 $0xA  }
0xf8: {  	_ =	swait.ge @!p0 [sflag:s3], $0x100  }
0xf9: {  	s20 =	sadd.s32 $0x1, s20;
	s26 =	rddreg [dreg:$0x14]  }
0xfa: {  	p1 =	sne.s32 s20, s26  }
.Ltmp1:
0xfb: {  	_ = 	snop;
	(pc) =	sbr.rel @p1 .LBB2_1-.Ltmp1, $3  }
0xfc: {  	_ =	sdelay $0x1  }
0xfd: {  	[sflag:s3] =	ssyncset.done @!p0 $0x0  }
0xfe: {  	[sflag:s3] =	ssyncadd.s32 @!p0 $0xFFFFFF00  }
0xff: {  	_ =	sfence.sel $0x180000  }
0x100: {  	[bflag:$0x0] =	sbarrier.arrive $0xFFFF  }
0x101: {  	_ =	strace $0x9000004A  }
0x102: {  	[bflag:$0x2] =	sbarrier.arrive $0xFFFF  }
0x103: {  	s0 =	rddreg [dreg:$0x3]  }
0x104: {  	s0 =	sadd.s32 @!p0 $0x100000, s0  }
0x105: {  	[sflag:s0] =	ssyncadd.tile.s32 @!p0 $0x1;
	_ =	shalt  }
.Lfunc_end2:
_tile_overlayer_lowered:
.L_overlay_start_2:
0x106: {  	(tag) =	ssettag $0x2  }
0x107: {  	s0 =	rddreg [dreg:$0x0];
	s2 =	stileid.u32  }
0x108: {  	s1 =	rddreg [dreg:$0x1];
	p0 =	sne.s32 s2, $0x0  }
0x109: {  	s3 =	rddreg [dreg:$0x2];
	[bflag:$0x3] =	sbarrier.arrive $0xFFFF;
	s2 =	simm.s32 @!p0 $0x1C0A  }
0x10a: {  	[timem:s3], [sflag:s2] =	dma.local @!p0 [hbm:s0], s1  }
0x10b: {  	s0 =	simm.s32 @!p0 $0xA  }
0x10c: {  	_ =	swait.ge @!p0 [sflag:s0], s1  }
0x10d: {  	s1 =	ssub.s32 @!p0 $0x0, s1;
	[sflag:s0] =	ssyncset.done @!p0 $0x0  }
0x10e: {  	[sflag:s0] =	ssyncadd.s32 @!p0 s1  }
0x10f: {  	[bflag:$0x3] =	sbarrier.arrive $0xFFFF  }
0x110: {  	_ =	shalt  }

// kernel: kernel.15.cloned.1.call-start
scs
__scs_entry_jumppad:
0x0: {  	(pc) =	sbr.rel $0x88, $3  }
0x1: {  	(tag) =	ssettag $0x0;
	lr =	simm.s32 $0x1  }
0x2: {  	[smem:$0x3F99] =	sst lr;
	_ =	strace $0xD0000000  }
0x3: {  	_ = 	snop  }
0x4: {  	_ = 	snop  }
0x5: {  	_ = 	snop  }
0x6: {  	_ = 	snop  }
0x7: {  	_ = 	snop  }
__scs_overlays_trampoline_lowered:
0x8: {  	[smem:$0x3FA8] =	sst s0  }
0x9: {  	[smem:$0x3FA9] =	sst s1  }
0xa: {  	[smem:$0x3FAA] =	sst s2  }
0xb: {  	[smem:$0x3FAB] =	sst s3  }
0xc: {  	[smem:$0x3FAC] =	sst s4  }
0xd: {  	[smem:$0x3FAD] =	sst s5  }
0xe: {  	[smem:$0x3FAE] =	sst s6  }
0xf: {  	[smem:$0x3FAF] =	sst s7  }
0x10: {  	[smem:$0x3FB0] =	sst s8  }
0x11: {  	[smem:$0x3FB1] =	sst s9;
	s0 =	simm.s32 @!p0 $0x0  }
0x12: {  	s1 =	sld [smem:$0x3F97];
	s0 =	simm.s32 @p0 $0x1  }
0x13: {  	[smem:$0x3FB2] =	sst s0;
	s0 =	simm.s32 @!p1 $0x0  }
0x14: {  	s2 =	sld [smem:$0x3F96];
	s0 =	simm.s32 @p1 $0x1  }
0x15: {  	[smem:$0x3FB3] =	sst s0;
	s0 =	simm.s32 @!p2 $0x0  }
0x16: {  	s3 =	sld [smem:$0x3FDB];
	s0 =	simm.s32 @p2 $0x1  }
0x17: {  	s4 =	simm.s32 $0x1BF5;
	[smem:$0x3FB5] =	sst s0  }
0x18: {  	s0 =	sld [smem:$0x3F98];
	_ =	swait.ge [sflag:s4], $0x0  }
0x19: {  	s7 =	sld [smem:$0x3F99]  }
0x1a: {  	s8 =	sadd.s32 $0xFFFFE003, lr  }
0x1b: {  	s9 =	sadd.s32 $0xFFFFFEF7, lr;
	s5 =	simm.s32 $0xFFFFFFFF;
	p2 =	slt.u32 s8, $0xFFFFF086  }
0x1c: {  	p1 =	slt.u32 s9, $0xF7A;
	s5 =	simm.s32 @!p2 $0x0  }
0x1d: {  	s5 =	simm.s32 @p1 $0x1;
	p0 =	seq.s32 s7, s2  }
0x1e: {  	s7 =	smul.u32 @!p0 $0xF7A, s2;
	p2 =	seq.s32 @!p0 s5, $0x0  }
0x1f: {  	s9 =	smul.u32 $0xF7A, s1;
	s8 =	simm.s32 @!p0 $0x1BF5;
	p2 =	por !p2, p0  }
0x20: {  	[sflag:s8] =	ssyncset.s32 @!p0 $0xFFFFF086;
	s6 =	sadd.s32 @!p0 s3, s7;
	s7 =	simm.s32 @!p0 $0x108  }
0x21: {  	s3 =	sadd.s32 s3, s9;
	s6 =	sadd.s32 @!p0 $0x88, s6;
	s7 =	simm.s32 @p2 $0x1082  }
0x22: {  	[simem:s7], [sflag:s8] =	dma.local @!p0 [hbm:s6], $0xF7A  }
0x23: {  	s9 =	sor.u32 $0xD0000000, s2;
	s6 =	simm.s32 $0x108;
	_ =	swait.ge @!p0 [sflag:s8], $0x0  }
0x24: {  	s3 =	sadd.s32 $0x88, s3;
	s6 =	simm.s32 @!p1 $0x1082;
	[sflag:s4] =	ssyncset.s32 $0xFFFFF086  }
0x25: {  	[simem:s6], [sflag:s4] =	dma.local [hbm:s3], $0xF7A  }
0x26: {  	[smem:$0x3F99] =	sst s1;
	(tag) =	ssettag s2;
	_ =	strace s9  }
0x27: {  	s1 =	sld [smem:$0x3FA9]  }
0x28: {  	s2 =	sld [smem:$0x3FAA]  }
0x29: {  	s4 =	sld [smem:$0x3FAC]  }
0x2a: {  	p0 =	seq.s32 s5, $0x0;
	s5 =	sld [smem:$0x3FAD]  }
0x2b: {  	s6 =	sld [smem:$0x3FAE]  }
0x2c: {  	s7 =	sld [smem:$0x3FAF]  }
0x2d: {  	s3 =	simm.s32 $0x108;
	s8 =	sld [smem:$0x3FB0]  }
0x2e: {  	s3 =	simm.s32 @!p0 $0x1082;
	s9 =	sld [smem:$0x3FB1]  }
0x2f: {  	lr =	sadd.s32 s0, s3;
	s0 =	sld [smem:$0x3FA8]  }
0x30: {  	s3 =	sld [smem:$0x3FAB]  }
0x31: {  	[smem:$0x3FB4] =	sst s10  }
0x32: {  	s10 =	sld [smem:$0x3FB2];
	_ =	sdelay $0x3  }
0x33: {  	p0 =	seq.s32 s10, $0x1;
	s10 =	sld [smem:$0x3FB4];
	_ =	sdelay $0x3  }
0x34: {  	[smem:$0x3FB4] =	sst s10  }
0x35: {  	s10 =	sld [smem:$0x3FB3];
	_ =	sdelay $0x3  }
0x36: {  	p1 =	seq.s32 s10, $0x1;
	s10 =	sld [smem:$0x3FB4];
	_ =	sdelay $0x3  }
0x37: {  	[smem:$0x3FB4] =	sst s10  }
0x38: {  	s10 =	sld [smem:$0x3FB5]  }
0x39: {  	_ = 	snop;
	(pc) =	sbr.ind lr, $3  }
0x3a: {  	_ = 	snop  }
0x3b: {  	_ = 	snop  }
0x3c: {  	p2 =	seq.s32 s10, $0x1;
	s10 =	sld [smem:$0x3FB4]  }
0x3d: {  	_ =	shalt  }
0x3e: {  	_ =	shalt  }
0x3f: {  	_ =	shalt  }
0x40: {  	_ =	shalt  }
0x41: {  	_ =	shalt  }
0x42: {  	_ =	shalt  }
0x43: {  	_ =	shalt  }
0x44: {  	_ =	shalt  }
0x45: {  	_ =	shalt  }
0x46: {  	_ =	shalt  }
0x47: {  	_ =	shalt  }
0x48: {  	_ =	shalt  }
0x49: {  	_ =	shalt  }
0x4a: {  	_ =	shalt  }
0x4b: {  	_ =	shalt  }
0x4c: {  	_ =	shalt  }
0x4d: {  	_ =	shalt  }
0x4e: {  	_ =	shalt  }
0x4f: {  	_ =	shalt  }
0x50: {  	_ =	shalt  }
0x51: {  	_ =	shalt  }
0x52: {  	_ =	shalt  }
0x53: {  	_ =	shalt  }
0x54: {  	_ =	shalt  }
0x55: {  	_ =	shalt  }
0x56: {  	_ =	shalt  }
0x57: {  	_ =	shalt  }
0x58: {  	_ =	shalt  }
0x59: {  	_ =	shalt  }
0x5a: {  	_ =	shalt  }
0x5b: {  	_ =	shalt  }
0x5c: {  	_ =	shalt  }
0x5d: {  	_ =	shalt  }
0x5e: {  	_ =	shalt  }
0x5f: {  	_ =	shalt  }
0x60: {  	_ =	shalt  }
0x61: {  	_ =	shalt  }
0x62: {  	_ =	shalt  }
0x63: {  	_ =	shalt  }
0x64: {  	_ =	shalt  }
0x65: {  	_ =	shalt  }
0x66: {  	_ =	shalt  }
0x67: {  	_ =	shalt  }
0x68: {  	_ =	shalt  }
0x69: {  	_ =	shalt  }
0x6a: {  	_ =	shalt  }
0x6b: {  	_ =	shalt  }
0x6c: {  	_ =	shalt  }
0x6d: {  	_ =	shalt  }
0x6e: {  	_ =	shalt  }
0x6f: {  	_ =	shalt  }
0x70: {  	_ =	shalt  }
0x71: {  	_ =	shalt  }
0x72: {  	_ =	shalt  }
0x73: {  	_ =	shalt  }
0x74: {  	_ =	shalt  }
0x75: {  	_ =	shalt  }
0x76: {  	_ =	shalt  }
0x77: {  	_ =	shalt  }
0x78: {  	_ =	shalt  }
0x79: {  	_ =	shalt  }
0x7a: {  	_ =	shalt  }
0x7b: {  	_ =	shalt  }
0x7c: {  	_ =	shalt  }
0x7d: {  	_ =	shalt  }
0x7e: {  	_ =	shalt  }
0x7f: {  	_ =	shalt  }
0x80: {  	_ =	shalt  }
0x81: {  	_ =	shalt  }
0x82: {  	_ =	shalt  }
0x83: {  	_ =	shalt  }
0x84: {  	_ =	shalt  }
0x85: {  	_ =	shalt  }
0x86: {  	_ =	shalt  }
0x87: {  	_ =	shalt  }
.Lfunc_end0:
.L_simem_size_0:
called_computation.2_lowered:
.L_overlay_start_0:
0x88: {  	s2 =	sld [smem:$0x3FD9]  }
0x89: {  	s3 =	sld [smem:$0x3FFE];
	_ =	sdelay $0x1  }
0x8a: {  	s1 =	srdreg.scid  }
0x8b: {  	s0 =	sand.u32 $0x1, s1  }
0x8c: {  	s17 =	sshll.u32 s0, $0xA;
	s2 =	sadd.s32 s3, s2  }
0x8d: {  	s2 =	sadd.s32 s2, s17  }
0x8e: {  	[smem:$0x3FC0] =	sst s2  }
0x8f: {  	_ = 	snop  }
0x90: {  	s2 =	sld [smem:$0x3FD0];
	(tm) =	ssettm $0x1  }
0x91: {  	s18 =	sld [smem:$0x3FFB];
	_ =	sdelay $0x3  }
0x92: {  	_ =	strace s18  }
0x93: {  	s3 =	sld [smem:$0x3FFC];
	_ =	sdelay $0x3  }
0x94: {  	_ =	strace s3  }
0x95: {  	s3 =	sld [smem:$0x3FFD];
	_ =	sdelay $0x3  }
0x96: {  	_ =	strace s3  }
0x97: {  	_ =	strace $0x8FFFFFFF  }
0x98: {  	s19 =	sld [smem:$0x3FDB];
	_ =	sdelay $0x1  }
0x99: {  	s4 =	simm.s32 $_scs_section_size  }
0x9a: {  	s5 =	simm.s32 $_size__tile_overlayer_lowered;
	s6 =	simm.s32 $_tile_overlayer_lowered  }
0x9b: {  	s22 =	simm.s32 $0x1BFF;
	s21 =	sshll.u32 s6, $0x1;
	s3 =	sadd.s32 s4, s19  }
0x9c: {  	s7 =	simm.s32 $0x0;
	s20 =	sshll.u32 s5, $0x1;
	s5 =	sadd.s32 s21, s3  }
0x9d: {  	[timem:s7], [sflag:s22] =	dma.local [hbm:s5], s20  }
0x9e: {  	_ =	swait.ge [sflag:s22], s20  }
0x9f: {  	s4 =	ssub.s32 $0x0, s20;
	[sflag:s22] =	ssyncset.done $0x0  }
0xa0: {  	[sflag:s22] =	ssyncadd.s32 s4;
	_ =	sdelay $0x1  }
0xa1: {  	s23 =	simm.s32 $0x1B8B  }
0xa2: {  	_ =	swait.ge [sflag:s23], $0x1  }
0xa3: {  	[sflag:s23] =	ssyncset.done $0x0  }
0xa4: {  	s25 =	simm.s32 $0x1B8E;
	s24 =	sld [smem:$0x3FFE];
	[sflag:s23] =	ssyncadd.s32 $0xFFFFFFFF  }
0xa5: {  	s26 =	simm.s32 $execute0_lowered;
	[smem:$0x3FD2] =	sst s25  }
0xa6: {  	s5 =	sshll.u32 s26, $0x1;
	_ =	strace $0x8000004C;
	[dreg:$0x1] =	wrdreg $0xFFFFFFFF  }
0xa7: {  	s28 =	simm.s32 $_size_execute0_lowered;
	s3 =	sadd.s32 s3, s5;
	[dreg:$0x0] =	wrdreg $0x0  }
0xa8: {  	s5 =	sshll.u32 s28, $0x1;
	[dreg:$0x2] =	wrdreg s3  }
0xa9: {  	[dreg:$0x3] =	wrdreg s5  }
0xaa: {  	[dreg:$0x4] =	wrdreg $0xC0  }
0xab: {  	_ =	task [dreg:s7], $0x5FFFF  }
0xac: {  	[dreg:$0x1] =	wrdreg $0xFFFFFFFF  }
0xad: {  	[dreg:$0x0] =	wrdreg $0x60  }
0xae: {  	[dreg:$0x2] =	wrdreg s24  }
0xaf: {  	[dreg:$0x3] =	wrdreg s2  }
0xb0: {  	[dreg:$0x4] =	wrdreg $0xC3000  }
0xb1: {  	[dreg:$0x5] =	wrdreg $0x9  }
0xb2: {  	_ =	task.clear_ibuf [dreg:s7], $0x6FFFF;
	_ =	strace $0x9000004C  }
0xb3: {  	s29 =	simm.s32 $0x9;
	_ =	strace $0x8000004E  }
0xb4: {  	_ =	swait.ge [sflag:s29], $0x1  }
0xb5: {  	[sflag:s29] =	ssyncadd.s32 $0xFFFFFFFF  }
0xb6: {  	_ =	strace $0x9000004E  }
0xb7: {  	_ =	sfence  }
0xb8: {  	s30 =	sld [smem:$0x0];
	_ =	sdelay $0x2  }
0xb9: {  	s31 =	sshll.u32 s1, $0xD;
	s1 =	sshrl.u32 s1, $0x2  }
0xba: {  	s3 =	sand.u32 $0x4000, s31;
	s1 =	sadd.s32 s1, s30  }
0xbb: {  	s0 =	sor.u32 s3, s0;
	s1 =	sshll.u32 s1, $0x11  }
0xbc: {  	s0 =	sor.u32 s1, s0  }
0xbd: {  	s0 =	sadd.s32 $0x8F2B, s0  }
0xbe: {  	[sflag:s0] =	ssyncadd.remote.s32 $0x1  }
0xbf: {  	_ =	sfence.sel $0xFFFF  }
0xc0: {  	[dreg:$0x0] =	wrdreg $0xFFFFFFFF;
	(pc) =	sbr.abs _section_cstart, $3  }
0xc1: {  	[dreg:$0x1] =	wrdreg $0xFFFFFFFF  }
0xc2: {  	_ =	task.clear_ibuf [dreg:s7], $0x2FFFF;
	_ =	strace $0x9FFFFFFF  }
0xc3: {  	(tm) =	ssettm $0x7FFFFFFF  }
tec
execute0_lowered:
.L_overlay_start_1:
0x0: {  	(tag) =	ssettag $0x1  }
0x1: {  	s0 =	rddreg [dreg:$0x0]  }
0x2: {  	s3 =	rddreg [dreg:$0x1]  }
0x3: {  	s1 =	rddreg [dreg:$0x2];
	s2 =	simm.s32 $0x0;
	s4 =	srdreg.scid  }
0x4: {  	s7 =	stileid.u32;
	s28 =	simm.s32 $0xA;
	s29 =	simm.s32 $0x80  }
0x5: {  	s30 =	simm.s32 $0x100;
	s31 =	simm.s32 $0x180;
	[smem:$0x7FF] =	sst s2  }
0x6: {  	s6 =	sand.u32 $0x1, s4;
	s13 =	sadd.s32 $0x2C00, s0;
	s9 =	smul.u32 $0x4E000, s7  }
0x7: {  	s4 =	sadd.s32 $0xCC00, s0;
	s12 =	smul.u32 $0x2700, s7;
	s19 =	sshll.u32 s7, $0x6  }
0x8: {  	p0 =	sne.s32 s7, $0x0;
	_ =	strace $0x8000004D;
	s15 =	smul.u32 $0x27100, s6  }
0x9: {  	s5 =	sshll.u32 s6, $0x4;
	s10 =	ssub.s32 $0x2, s6;
	s17 =	smul.u32 $0x138800, s6  }
0xa: {  	s6 =	smul.u32 $0x28000, s6;
	[dreg:$0x4] =	wrdreg s13;
	s8 =	sor.u32 s7, s5  }
0xb: {  	s5 =	sadd.s32 $0x16C00, s0;
	s11 =	sshrl.u32 s10, $0x1;
	s9 =	sshrl.u32 s9, $0x2  }
0xc: {  	s0 =	sadd.s32 $0x3DE00, s0;
	s18 =	sadd.s32 s3, s12;
	s3 =	sadd.s32 $0x27000, s3  }
0xd: {  	s8 =	smul.u32 $0x2800, s8;
	s10 =	ssub.s32 s10, s11;
	[dreg:$0x6] =	wrdreg s18  }
0xe: {  	s9 =	sadd.s32 s9, s1;
	[dreg:$0x7] =	wrdreg s3;
	s18 =	smul.u32 $0x2800, s7  }
0xf: {  	s7 =	simm.s32 $0x4;
	[dreg:$0x5] =	wrdreg s9;
	s20 =	sshrl.u32 s8, $0x3  }
0x10: {  	s8 =	sor.u32 $0x1C0A, s19;
	s21 =	sor.u32 $0x10, s20;
	s22 =	sadd.s32 s13, s20  }
0x11: {  	s24 =	sor.u32 $0x20, s20;
	s25 =	sadd.s32 s4, s20;
	[dreg:$0x8] =	wrdreg s22  }
0x12: {  	s9 =	sadd.s32 $0x4E0, s20;
	s23 =	sadd.s32 s13, s21;
	[dreg:$0xb] =	wrdreg s25  }
0x13: {  	s11 =	sadd.s32 $0x4F0, s20;
	s14 =	sadd.s32 s13, s24;
	[dreg:$0x9] =	wrdreg s23  }
0x14: {  	s3 =	sadd.s32 s4, s21;
	s26 =	sadd.s32 s4, s24;
	[dreg:$0xa] =	wrdreg s14  }
0x15: {  	s16 =	sadd.s32 s13, s9;
	s19 =	sadd.s32 s13, s11;
	[dreg:$0xc] =	wrdreg s3  }
0x16: {  	s20 =	sadd.s32 s4, s11;
	s21 =	smax.u32 s10, $0x1;
	[dreg:$0xd] =	wrdreg s26  }
0x17: {  	s22 =	sadd.s32 s18, s6;
	s10 =	simm.s32 $0x5;
	[dreg:$0xe] =	wrdreg s16  }
0x18: {  	s11 =	simm.s32 $0x4300;
	s13 =	simm.s32 $0x6;
	[dreg:$0x11] =	wrdreg s19  }
0x19: {  	s18 =	simm.s32 $0x3;
	s3 =	sadd.s32 s4, s9;
	[dreg:$0x12] =	wrdreg s20  }
0x1a: {  	s9 =	sadd.s32 s12, s15;
	[dreg:$0x14] =	wrdreg s21;
	s25 =	sor.u32 $0x280, s22  }
0x1b: {  	s6 =	sor.u32 $0x200, s22;
	s26 =	sadd.s32 $0x138000, s1;
	s12 =	simm.s32 $0x1  }
0x1c: {  	s14 =	simm.s32 $0x8300;
	s15 =	simm.s32 $0x7;
	s16 =	simm.s32 $0x2  }
0x1d: {  	s19 =	simm.s32 $0x9;
	s20 =	simm.s32 $0x0;
	[dreg:$0xf] =	wrdreg s3  }
0x1e: {  	s9 =	sadd.s32 s0, s9;
	s3 =	sshrl.u32 s17, $0x3;
	s23 =	sshrl.u32 s25, $0x3  }
0x1f: {  	s24 =	sshrl.u32 s6, $0x3;
	[dreg:$0x15] =	wrdreg s26;
	s0 =	sadd.s32 s0, s3  }
0x20: {  	s6 =	simm.s32 $0x280;
	[dreg:$0x10] =	wrdreg s9;
	s0 =	sadd.s32 $0x27000, s0  }
0x21: {  	s17 =	simm.s32 $0x8;
	[dreg:$0x13] =	wrdreg s0;
	s0 =	sor.u32 $0x180, s22  }
0x22: {  	s9 =	simm.s32 $0x300;
	s25 =	sshrl.u32 s0, $0x3;
	s0 =	simm.s32 $0x200  }
.LBB2_1:
0x23: {  	s3 =	rddreg [dreg:$0x5]  }
0x24: {  	s22 =	rddreg [dreg:$0x6];
	s21 =	sshrl.u32 s3, $0x3  }
0x25: {  	[dreg:$0x16] =	wrdreg s21  }
0x26: {  	[spmem:s21], [sflag:s8] =	dma.local [hbm:s22], $0x2700  }
0x27: {  	_ =	swait.ge [sflag:s28], $0x2700  }
0x28: {  	s3 =	rddreg [dreg:$0x15]  }
0x29: {  	[sflag:s28] =	ssyncset.done $0x0;
	s21 =	sshrl.u32 @!p0 s3, $0x3;
	s3 =	rddreg [dreg:$0x7]  }
0x2a: {  	[sflag:s28] =	ssyncadd.s32 $0xFFFFD900;
	[dreg:$0x17] =	wrdreg s21  }
0x2b: {  	[spmem:s21], [sflag:s8] =	dma.local @!p0 [hbm:s3], $0x100  }
0x2c: {  	s3 =	simm.s32 @!p0 $0xA  }
0x2d: {  	_ =	swait.ge @!p0 [sflag:s3], $0x100  }
0x2e: {  	[sflag:s3] =	ssyncset.done @!p0 $0x0  }
0x2f: {  	[sflag:s3] =	ssyncadd.s32 @!p0 $0xFFFFFF00  }
0x30: {  	[bflag:$0x0] =	sbarrier.arrive $0xFFFF  }
0x31: {  	s26 =	rddreg [dreg:$0x8]  }
0x32: {  	[tilespmem:s2], [sflag:$0x4] =	stream.linear.gather [hbm4b:s26+s2], $0x80, $0x38;
	[tilespmem:$0x1FD00] =	vst v63  }
0x33: {  	s21 =	rddreg [dreg:$0x9]  }
0x34: {  	[tilespmem:s29], [sflag:$0x5] =	stream.linear.gather [hbm4b:s21+s2], $0x80, $0x38;
	[tilespmem:$0x1FD00] =	vst v63  }
0x35: {  	s22 =	rddreg [dreg:$0xa]  }
0x36: {  	[tilespmem:s30], [sflag:$0x6] =	stream.linear.gather [hbm4b:s22+s2], $0x80, $0x38;
	[tilespmem:$0x1FD00] =	vst v63  }
0x37: {  	s26 =	rddreg [dreg:$0xb]  }
0x38: {  	[tilespmem:s31], [sflag:$0x7] =	stream.linear.gather [hbm4b:s26+s2], $0x80, $0x38;
	[tilespmem:$0x1FD00] =	vst v63  }
0x39: {  	s21 =	rddreg [dreg:$0xc]  }
0x3a: {  	[tilespmem:s0], [sflag:$0x8] =	stream.linear.gather [hbm4b:s21+s2], $0x80, $0x38;
	[tilespmem:$0x1FD00] =	vst v63  }
0x3b: {  	s22 =	rddreg [dreg:$0xd]  }
0x3c: {  	[tilespmem:s6], [sflag:$0x9] =	stream.linear.gather [hbm4b:s22+s2], $0x80, $0x38;
	[tilespmem:$0x1FD00] =	vst v63  }
0x3d: {  	_ =	swait.ge [sflag:s7], $0x80  }
0x3e: {  	[sflag:s7] =	ssyncset.done $0x0  }
0x3f: {  	[sflag:s7] =	ssyncadd.s32 $0xFFFFFF80  }
0x40: {  	[tilespmem:s9], [sflag:$0x1] =	stream.indirect.gather [hbm4b:s5+s29], $0x80, s2, s29, $0xb8;
	[tilespmem:$0x1FD00] =	vst v63  }
0x41: {  	_ =	swait.ge [sflag:s10], $0x80  }
0x42: {  	[sflag:s10] =	ssyncset.done $0x0  }
0x43: {  	[sflag:s10] =	ssyncadd.s32 $0xFFFFFF80  }
0x44: {  	[tilespmem:s11], [sflag:$0x2] =	stream.indirect.gather [hbm4b:s5+s29], $0x80, s29, s29, $0xb8;
	[tilespmem:$0x1FD00] =	vst v63  }
0x45: {  	_ =	swait.ge [sflag:s12], $0x4000  }
0x46: {  	[sflag:s12] =	ssyncset.done $0x0  }
0x47: {  	[sflag:s12] =	ssyncadd.s32 $0xFFFFC000  }
0x48: {  	_ =	swait.ge [sflag:s13], $0x80  }
0x49: {  	[sflag:s13] =	ssyncset.done $0x0  }
0x4a: {  	s21 =	rddreg [dreg:$0x4];
	[sflag:s13] =	ssyncadd.s32 $0xFFFFFF80  }
0x4b: {  	[tilespmem:s14], [sflag:$0x3] =	stream.indirect.gather [hbm4b:s5+s29], $0x80, s30, s29, $0xb8;
	[tilespmem:$0x1FD00] =	vst v63  }
0x4c: {  	s26 =	sadd.s32 s21, s25  }
0x4d: {  	[tilespmem:s2], [sflag:$0x4] =	stream.linear.gather [hbm4b:s26+s2], $0x80, $0x38;
	[tilespmem:$0x1FD00] =	vst v63  }
0x4e: {  	_ =	swait.ge [sflag:s15], $0x80  }
0x4f: {  	[sflag:s15] =	ssyncset.done $0x0  }
0x50: {  	[sflag:s15] =	ssyncadd.s32 $0xFFFFFF80  }
0x51: {  	[spmem:s1] =	stream.indirect.scatter.add.f32 [tilespmem:s9], [sflag:$0xA], $0x80, s31, s29, $0xb8;
	[tilespmem:$0x1FD00] =	vst v63  }
0x52: {  	_ =	swait.ge [sflag:s28], $0x4000  }
0x53: {  	[sflag:s28] =	ssyncset.done $0x0  }
0x54: {  	s22 =	sadd.s32 s4, s25;
	[sflag:s28] =	ssyncadd.s32 $0xFFFFC000  }
0x55: {  	[tilespmem:s31], [sflag:$0x7] =	stream.linear.gather [hbm4b:s22+s2], $0x80, $0x38;
	[tilespmem:$0x1FD00] =	vst v63  }
0x56: {  	_ =	swait.ge [sflag:s16], $0x4000  }
0x57: {  	[sflag:s16] =	ssyncset.done $0x0  }
0x58: {  	[sflag:s16] =	ssyncadd.s32 $0xFFFFC000  }
0x59: {  	_ =	swait.ge [sflag:s7], $0x80  }
0x5a: {  	[sflag:s7] =	ssyncset.done $0x0  }
0x5b: {  	[sflag:s7] =	ssyncadd.s32 $0xFFFFFF80  }
0x5c: {  	[tilespmem:s9], [sflag:$0x1] =	stream.indirect.gather [hbm4b:s5+s29], $0x80, s2, s29, $0xb8;
	[tilespmem:$0x1FD00] =	vst v63  }
0x5d: {  	s26 =	sadd.s32 s21, s24  }
0x5e: {  	[tilespmem:s29], [sflag:$0x5] =	stream.linear.gather [hbm4b:s26+s2], $0x80, $0x38;
	[tilespmem:$0x1FD00] =	vst v63  }
0x5f: {  	_ =	swait.ge [sflag:s17], $0x80  }
0x60: {  	[sflag:s17] =	ssyncset.done $0x0  }
0x61: {  	[sflag:s17] =	ssyncadd.s32 $0xFFFFFF80  }
0x62: {  	[spmem:s1] =	stream.indirect.scatter.add.f32 [tilespmem:s11], [sflag:$0xA], $0x80, s0, s29, $0xb8;
	[tilespmem:$0x1FD00] =	vst v63  }
0x63: {  	_ =	swait.ge [sflag:s28], $0x4000  }
0x64: {  	[sflag:s28] =	ssyncset.done $0x0  }
0x65: {  	s22 =	sadd.s32 s4, s24;
	[sflag:s28] =	ssyncadd.s32 $0xFFFFC000  }
0x66: {  	[tilespmem:s0], [sflag:$0x8] =	stream.linear.gather [hbm4b:s22+s2], $0x80, $0x38;
	[tilespmem:$0x1FD00] =	vst v63  }
0x67: {  	_ =	swait.ge [sflag:s18], $0x4000  }
0x68: {  	[sflag:s18] =	ssyncset.done $0x0  }
0x69: {  	[sflag:s18] =	ssyncadd.s32 $0xFFFFC000  }
0x6a: {  	_ =	swait.ge [sflag:s10], $0x80  }
0x6b: {  	[sflag:s10] =	ssyncset.done $0x0  }
0x6c: {  	[sflag:s10] =	ssyncadd.s32 $0xFFFFFF80  }
0x6d: {  	[tilespmem:s11], [sflag:$0x2] =	stream.indirect.gather [hbm4b:s5+s29], $0x80, s29, s29, $0xb8;
	[tilespmem:$0x1FD00] =	vst v63  }
0x6e: {  	s26 =	sadd.s32 s21, s23  }
0x6f: {  	[tilespmem:s30], [sflag:$0x6] =	stream.linear.gather [hbm4b:s26+s2], $0x80, $0x38;
	[tilespmem:$0x1FD00] =	vst v63  }
0x70: {  	_ =	swait.ge [sflag:s19], $0x80  }
0x71: {  	[sflag:s19] =	ssyncset.done $0x0  }
0x72: {  	[sflag:s19] =	ssyncadd.s32 $0xFFFFFF80  }
0x73: {  	[spmem:s1] =	stream.indirect.scatter.add.f32 [tilespmem:s14], [sflag:$0xA], $0x80, s6, s29, $0xb8;
	[tilespmem:$0x1FD00] =	vst v63  }
0x74: {  	_ =	swait.ge [sflag:s28], $0x4000  }
0x75: {  	s3 =	sadd.s32 s4, s23;
	s21 =	sadd.s32 $0x30, s21;
	[sflag:s28] =	ssyncset.done $0x0  }
0x76: {  	s22 =	sadd.s32 $0x30, s4;
	s26 =	simm.s32 $0x18;
	[sflag:s28] =	ssyncadd.s32 $0xFFFFC000  }
.LBB2_2:
0x77: {  	[tilespmem:s6], [sflag:$0x9] =	stream.linear.gather [hbm4b:s3+s2], $0x80, $0x38;
	[tilespmem:$0x1FD00] =	vst v63  }
0x78: {  	p1 =	sne.s32 s26, $0x1;
	s26 =	sadd.s32 $0xFFFFFFFF, s26;
	_ =	swait.ge [sflag:s12], $0x4000  }
0x79: {  	[sflag:s12] =	ssyncset.done $0x0  }
0x7a: {  	[sflag:s12] =	ssyncadd.s32 $0xFFFFC000  }
0x7b: {  	_ =	swait.ge [sflag:s13], $0x80  }
0x7c: {  	[sflag:s13] =	ssyncset.done $0x0  }
0x7d: {  	[sflag:s13] =	ssyncadd.s32 $0xFFFFFF80  }
0x7e: {  	[tilespmem:s14], [sflag:$0x3] =	stream.indirect.gather [hbm4b:s5+s29], $0x80, s30, s29, $0xb8;
	[tilespmem:$0x1FD00] =	vst v63  }
0x7f: {  	s3 =	sadd.s32 s21, s25  }
0x80: {  	[tilespmem:s2], [sflag:$0x4] =	stream.linear.gather [hbm4b:s3+s2], $0x80, $0x38;
	[tilespmem:$0x1FD00] =	vst v63  }
0x81: {  	_ =	swait.ge [sflag:s15], $0x80  }
0x82: {  	[sflag:s15] =	ssyncset.done $0x0  }
0x83: {  	[sflag:s15] =	ssyncadd.s32 $0xFFFFFF80  }
0x84: {  	[spmem:s1] =	stream.indirect.scatter.add.f32 [tilespmem:s9], [sflag:$0xA], $0x80, s31, s29, $0xb8;
	[tilespmem:$0x1FD00] =	vst v63  }
0x85: {  	_ =	swait.ge [sflag:s28], $0x4000  }
0x86: {  	[sflag:s28] =	ssyncset.done $0x0  }
0x87: {  	s3 =	sadd.s32 s22, s25;
	[sflag:s28] =	ssyncadd.s32 $0xFFFFC000  }
0x88: {  	[tilespmem:s31], [sflag:$0x7] =	stream.linear.gather [hbm4b:s3+s2], $0x80, $0x38;
	[tilespmem:$0x1FD00] =	vst v63  }
0x89: {  	_ =	swait.ge [sflag:s16], $0x4000  }
0x8a: {  	[sflag:s16] =	ssyncset.done $0x0  }
0x8b: {  	[sflag:s16] =	ssyncadd.s32 $0xFFFFC000  }
0x8c: {  	_ =	swait.ge [sflag:s7], $0x80  }
0x8d: {  	[sflag:s7] =	ssyncset.done $0x0  }
0x8e: {  	[sflag:s7] =	ssyncadd.s32 $0xFFFFFF80  }
0x8f: {  	[tilespmem:s9], [sflag:$0x1] =	stream.indirect.gather [hbm4b:s5+s29], $0x80, s2, s29, $0xb8;
	[tilespmem:$0x1FD00] =	vst v63  }
0x90: {  	s3 =	sadd.s32 s21, s24  }
0x91: {  	[tilespmem:s29], [sflag:$0x5] =	stream.linear.gather [hbm4b:s3+s2], $0x80, $0x38;
	[tilespmem:$0x1FD00] =	vst v63  }
0x92: {  	_ =	swait.ge [sflag:s17], $0x80  }
0x93: {  	[sflag:s17] =	ssyncset.done $0x0  }
0x94: {  	[sflag:s17] =	ssyncadd.s32 $0xFFFFFF80  }
0x95: {  	[spmem:s1] =	stream.indirect.scatter.add.f32 [tilespmem:s11], [sflag:$0xA], $0x80, s0, s29, $0xb8;
	[tilespmem:$0x1FD00] =	vst v63  }
0x96: {  	_ =	swait.ge [sflag:s28], $0x4000  }
0x97: {  	[sflag:s28] =	ssyncset.done $0x0  }
0x98: {  	s3 =	sadd.s32 s22, s24;
	[sflag:s28] =	ssyncadd.s32 $0xFFFFC000  }
0x99: {  	[tilespmem:s0], [sflag:$0x8] =	stream.linear.gather [hbm4b:s3+s2], $0x80, $0x38;
	[tilespmem:$0x1FD00] =	vst v63  }
0x9a: {  	_ =	swait.ge [sflag:s18], $0x4000  }
0x9b: {  	[sflag:s18] =	ssyncset.done $0x0  }
0x9c: {  	[sflag:s18] =	ssyncadd.s32 $0xFFFFC000  }
0x9d: {  	_ =	swait.ge [sflag:s10], $0x80  }
0x9e: {  	[sflag:s10] =	ssyncset.done $0x0  }
0x9f: {  	[sflag:s10] =	ssyncadd.s32 $0xFFFFFF80  }
0xa0: {  	[tilespmem:s11], [sflag:$0x2] =	stream.indirect.gather [hbm4b:s5+s29], $0x80, s29, s29, $0xb8;
	[tilespmem:$0x1FD00] =	vst v63  }
0xa1: {  	s3 =	sadd.s32 s21, s23  }
0xa2: {  	[tilespmem:s30], [sflag:$0x6] =	stream.linear.gather [hbm4b:s3+s2], $0x80, $0x38;
	[tilespmem:$0x1FD00] =	vst v63  }
0xa3: {  	_ =	swait.ge [sflag:s19], $0x80  }
0xa4: {  	[sflag:s19] =	ssyncset.done $0x0  }
.Ltmp0:
0xa5: {  	[sflag:s19] =	ssyncadd.s32 $0xFFFFFF80;
	(pc) =	sbr.rel @p1 .LBB2_2-.Ltmp0, $4  }
0xa6: {  	[spmem:s1] =	stream.indirect.scatter.add.f32 [tilespmem:s14], [sflag:$0xA], $0x80, s6, s29, $0xb8;
	[tilespmem:$0x1FD00] =	vst v63  }
0xa7: {  	_ =	swait.ge [sflag:s28], $0x4000  }
0xa8: {  	s21 =	sadd.s32 $0x30, s21;
	[sflag:s28] =	ssyncset.done $0x0  }
0xa9: {  	s3 =	sadd.s32 s22, s23;
	s22 =	sadd.s32 $0x30, s22;
	[sflag:s28] =	ssyncadd.s32 $0xFFFFC000  }
0xaa: {  	[tilespmem:s6], [sflag:$0x9] =	stream.linear.gather [hbm4b:s3+s2], $0x80, $0x38;
	[tilespmem:$0x1FD00] =	vst v63  }
0xab: {  	_ =	swait.ge [sflag:s12], $0x4000  }
0xac: {  	[sflag:s12] =	ssyncset.done $0x0  }
0xad: {  	[sflag:s12] =	ssyncadd.s32 $0xFFFFC000  }
0xae: {  	_ =	swait.ge [sflag:s13], $0x80  }
0xaf: {  	[sflag:s13] =	ssyncset.done $0x0  }
0xb0: {  	[sflag:s13] =	ssyncadd.s32 $0xFFFFFF80  }
0xb1: {  	[tilespmem:s14], [sflag:$0x3] =	stream.indirect.gather [hbm4b:s5+s29], $0x80, s30, s29, $0xb8;
	[tilespmem:$0x1FD00] =	vst v63  }
0xb2: {  	s21 =	rddreg [dreg:$0xe]  }
0xb3: {  	[tilespmem:s2], [sflag:$0x4] =	stream.linear.gather [hbm4b:s21+s2], $0x80, $0x38;
	[tilespmem:$0x1FD00] =	vst v63  }
0xb4: {  	_ =	swait.ge [sflag:s15], $0x80  }
0xb5: {  	[sflag:s15] =	ssyncset.done $0x0  }
0xb6: {  	[sflag:s15] =	ssyncadd.s32 $0xFFFFFF80  }
0xb7: {  	[spmem:s1] =	stream.indirect.scatter.add.f32 [tilespmem:s9], [sflag:$0xA], $0x80, s31, s29, $0xb8;
	[tilespmem:$0x1FD00] =	vst v63  }
0xb8: {  	_ =	swait.ge [sflag:s28], $0x4000  }
0xb9: {  	[sflag:s28] =	ssyncset.done $0x0  }
0xba: {  	s22 =	rddreg [dreg:$0xf];
	[sflag:s28] =	ssyncadd.s32 $0xFFFFC000  }
0xbb: {  	[tilespmem:s31], [sflag:$0x7] =	stream.linear.gather [hbm4b:s22+s2], $0x80, $0x38;
	[tilespmem:$0x1FD00] =	vst v63  }
0xbc: {  	_ =	swait.ge [sflag:s16], $0x4000  }
0xbd: {  	[sflag:s16] =	ssyncset.done $0x0  }
0xbe: {  	[sflag:s16] =	ssyncadd.s32 $0xFFFFC000  }
0xbf: {  	_ =	swait.ge [sflag:s7], $0x80  }
0xc0: {  	[sflag:s7] =	ssyncset.done $0x0  }
0xc1: {  	[sflag:s7] =	ssyncadd.s32 $0xFFFFFF80  }
0xc2: {  	[tilespmem:s9], [sflag:$0x1] =	stream.indirect.gather [hbm4b:s5+s29], $0x80, s2, s29, $0xb8;
	[tilespmem:$0x1FD00] =	vst v63  }
0xc3: {  	s26 =	rddreg [dreg:$0x11]  }
0xc4: {  	[tilespmem:s29], [sflag:$0x5] =	stream.linear.gather [hbm4b:s26+s2], $0x80, $0x38;
	[tilespmem:$0x1FD00] =	vst v63  }
0xc5: {  	_ =	swait.ge [sflag:s17], $0x80  }
0xc6: {  	[sflag:s17] =	ssyncset.done $0x0  }
0xc7: {  	[sflag:s17] =	ssyncadd.s32 $0xFFFFFF80  }
0xc8: {  	[spmem:s1] =	stream.indirect.scatter.add.f32 [tilespmem:s11], [sflag:$0xA], $0x80, s0, s29, $0xb8;
	[tilespmem:$0x1FD00] =	vst v63  }
0xc9: {  	_ =	swait.ge [sflag:s28], $0x4000  }
0xca: {  	[sflag:s28] =	ssyncset.done $0x0  }
0xcb: {  	s21 =	rddreg [dreg:$0x12];
	[sflag:s28] =	ssyncadd.s32 $0xFFFFC000  }
0xcc: {  	[tilespmem:s0], [sflag:$0x8] =	stream.linear.gather [hbm4b:s21+s2], $0x80, $0x38;
	[tilespmem:$0x1FD00] =	vst v63  }
0xcd: {  	_ =	swait.ge [sflag:s18], $0x4000  }
0xce: {  	[sflag:s18] =	ssyncset.done $0x0  }
0xcf: {  	[sflag:s18] =	ssyncadd.s32 $0xFFFFC000  }
0xd0: {  	_ =	swait.ge [sflag:s10], $0x80  }
0xd1: {  	[sflag:s10] =	ssyncset.done $0x0  }
0xd2: {  	[sflag:s10] =	ssyncadd.s32 $0xFFFFFF80  }
0xd3: {  	[tilespmem:s11], [sflag:$0x2] =	stream.indirect.gather [hbm4b:s5+s29], $0x80, s29, s29, $0xb8;
	[tilespmem:$0x1FD00] =	vst v63  }
0xd4: {  	_ =	swait.ge [sflag:s19], $0x80  }
0xd5: {  	[sflag:s19] =	ssyncset.done $0x0  }
0xd6: {  	[sflag:s19] =	ssyncadd.s32 $0xFFFFFF80  }
0xd7: {  	[spmem:s1] =	stream.indirect.scatter.add.f32 [tilespmem:s14], [sflag:$0xA], $0x80, s6, s29, $0xb8;
	[tilespmem:$0x1FD00] =	vst v63  }
0xd8: {  	_ =	swait.ge [sflag:s28], $0x4000  }
0xd9: {  	[sflag:s28] =	ssyncset.done $0x0  }
0xda: {  	[sflag:s28] =	ssyncadd.s32 $0xFFFFC000  }
0xdb: {  	_ =	swait.ge [sflag:s12], $0x4000  }
0xdc: {  	[sflag:s12] =	ssyncset.done $0x0  }
0xdd: {  	[sflag:s12] =	ssyncadd.s32 $0xFFFFC000  }
0xde: {  	_ =	swait.ge [sflag:s15], $0x80  }
0xdf: {  	[sflag:s15] =	ssyncset.done $0x0  }
0xe0: {  	[sflag:s15] =	ssyncadd.s32 $0xFFFFFF80  }
0xe1: {  	[spmem:s1] =	stream.indirect.scatter.add.f32 [tilespmem:s9], [sflag:$0xA], $0x80, s31, s29, $0xb8;
	[tilespmem:$0x1FD00] =	vst v63  }
0xe2: {  	_ =	swait.ge [sflag:s28], $0x4000  }
0xe3: {  	[sflag:s28] =	ssyncset.done $0x0  }
0xe4: {  	[sflag:s28] =	ssyncadd.s32 $0xFFFFC000  }
0xe5: {  	_ =	swait.ge [sflag:s16], $0x4000  }
0xe6: {  	[sflag:s16] =	ssyncset.done $0x0  }
0xe7: {  	[sflag:s16] =	ssyncadd.s32 $0xFFFFC000  }
0xe8: {  	_ =	swait.ge [sflag:s17], $0x80  }
0xe9: {  	[sflag:s17] =	ssyncset.done $0x0  }
0xea: {  	[sflag:s17] =	ssyncadd.s32 $0xFFFFFF80  }
0xeb: {  	[spmem:s1] =	stream.indirect.scatter.add.f32 [tilespmem:s11], [sflag:$0xA], $0x80, s0, s29, $0xb8;
	[tilespmem:$0x1FD00] =	vst v63  }
0xec: {  	_ =	swait.ge [sflag:s28], $0x4000  }
0xed: {  	[sflag:s28] =	ssyncset.done $0x0  }
0xee: {  	[sflag:s28] =	ssyncadd.s32 $0xFFFFC000  }
0xef: {  	[bflag:$0x0] =	sbarrier.arrive $0xFFFF  }
0xf0: {  	s22 =	rddreg [dreg:$0x10]  }
0xf1: {  	s21 =	rddreg [dreg:$0x16]  }
0xf2: {  	[hbm:s22], [sflag:s8] =	dma.local [spmem:s21], $0x2700  }
0xf3: {  	_ =	swait.ge [sflag:s28], $0x2700  }
0xf4: {  	[sflag:s28] =	ssyncset.done $0x0;
	s3 =	rddreg [dreg:$0x13]  }
0xf5: {  	s21 =	rddreg [dreg:$0x17];
	[sflag:s28] =	ssyncadd.s32 $0xFFFFD900  }
0xf6: {  	[hbm:s3], [sflag:s8] =	dma.local @!p0 [spmem:s21], $0x100  }
0xf7: {  	s3 =	simm.s32 @!p0 $0xA  }
0xf8: {  	_ =	swait.ge @!p0 [sflag:s3], $0x100  }
0xf9: {  	s20 =	sadd.s32 $0x1, s20;
	s26 =	rddreg [dreg:$0x14]  }
0xfa: {  	p1 =	sne.s32 s20, s26  }
.Ltmp1:
0xfb: {  	_ = 	snop;
	(pc) =	sbr.rel @p1 .LBB2_1-.Ltmp1, $3  }
0xfc: {  	_ =	sdelay $0x1  }
0xfd: {  	[sflag:s3] =	ssyncset.done @!p0 $0x0  }
0xfe: {  	[sflag:s3] =	ssyncadd.s32 @!p0 $0xFFFFFF00  }
0xff: {  	_ =	sfence.sel $0x180000  }
0x100: {  	[bflag:$0x0] =	sbarrier.arrive $0xFFFF  }
0x101: {  	_ =	strace $0x9000004D  }
0x102: {  	[bflag:$0x2] =	sbarrier.arrive $0xFFFF  }
0x103: {  	s0 =	rddreg [dreg:$0x3]  }
0x104: {  	s0 =	sadd.s32 @!p0 $0x100000, s0  }
0x105: {  	[sflag:s0] =	ssyncadd.tile.s32 @!p0 $0x1;
	_ =	shalt  }
.Lfunc_end2:
_tile_overlayer_lowered:
.L_overlay_start_2:
0x106: {  	(tag) =	ssettag $0x2  }
0x107: {  	s0 =	rddreg [dreg:$0x0];
	s2 =	stileid.u32  }
0x108: {  	s1 =	rddreg [dreg:$0x1];
	p0 =	sne.s32 s2, $0x0  }
0x109: {  	s3 =	rddreg [dreg:$0x2];
	[bflag:$0x3] =	sbarrier.arrive $0xFFFF;
	s2 =	simm.s32 @!p0 $0x1C0A  }
0x10a: {  	[timem:s3], [sflag:s2] =	dma.local @!p0 [hbm:s0], s1  }
0x10b: {  	s0 =	simm.s32 @!p0 $0xA  }
0x10c: {  	_ =	swait.ge @!p0 [sflag:s0], s1  }
0x10d: {  	s1 =	ssub.s32 @!p0 $0x0, s1;
	[sflag:s0] =	ssyncset.done @!p0 $0x0  }
0x10e: {  	[sflag:s0] =	ssyncadd.s32 @!p0 s1  }
0x10f: {  	[bflag:$0x3] =	sbarrier.arrive $0xFFFF  }
0x110: {  	_ =	shalt  }

// kernel: kernel.9.cloned.1.call-start
scs
__scs_entry_jumppad:
0x0: {  	(pc) =	sbr.rel $0x88, $3  }
0x1: {  	(tag) =	ssettag $0x0;
	lr =	simm.s32 $0x1  }
0x2: {  	[smem:$0x3F99] =	sst lr;
	_ =	strace $0xD0000000  }
0x3: {  	_ = 	snop  }
0x4: {  	_ = 	snop  }
0x5: {  	_ = 	snop  }
0x6: {  	_ = 	snop  }
0x7: {  	_ = 	snop  }
__scs_overlays_trampoline_lowered:
0x8: {  	[smem:$0x3FA8] =	sst s0  }
0x9: {  	[smem:$0x3FA9] =	sst s1  }
0xa: {  	[smem:$0x3FAA] =	sst s2  }
0xb: {  	[smem:$0x3FAB] =	sst s3  }
0xc: {  	[smem:$0x3FAC] =	sst s4  }
0xd: {  	[smem:$0x3FAD] =	sst s5  }
0xe: {  	[smem:$0x3FAE] =	sst s6  }
0xf: {  	[smem:$0x3FAF] =	sst s7  }
0x10: {  	[smem:$0x3FB0] =	sst s8  }
0x11: {  	[smem:$0x3FB1] =	sst s9;
	s0 =	simm.s32 @!p0 $0x0  }
0x12: {  	s1 =	sld [smem:$0x3F97];
	s0 =	simm.s32 @p0 $0x1  }
0x13: {  	[smem:$0x3FB2] =	sst s0;
	s0 =	simm.s32 @!p1 $0x0  }
0x14: {  	s2 =	sld [smem:$0x3F96];
	s0 =	simm.s32 @p1 $0x1  }
0x15: {  	[smem:$0x3FB3] =	sst s0;
	s0 =	simm.s32 @!p2 $0x0  }
0x16: {  	s3 =	sld [smem:$0x3FDB];
	s0 =	simm.s32 @p2 $0x1  }
0x17: {  	s4 =	simm.s32 $0x1BF5;
	[smem:$0x3FB5] =	sst s0  }
0x18: {  	s0 =	sld [smem:$0x3F98];
	_ =	swait.ge [sflag:s4], $0x0  }
0x19: {  	s7 =	sld [smem:$0x3F99]  }
0x1a: {  	s8 =	sadd.s32 $0xFFFFE003, lr  }
0x1b: {  	s9 =	sadd.s32 $0xFFFFFEF7, lr;
	s5 =	simm.s32 $0xFFFFFFFF;
	p2 =	slt.u32 s8, $0xFFFFF086  }
0x1c: {  	p1 =	slt.u32 s9, $0xF7A;
	s5 =	simm.s32 @!p2 $0x0  }
0x1d: {  	s5 =	simm.s32 @p1 $0x1;
	p0 =	seq.s32 s7, s2  }
0x1e: {  	s7 =	smul.u32 @!p0 $0xF7A, s2;
	p2 =	seq.s32 @!p0 s5, $0x0  }
0x1f: {  	s9 =	smul.u32 $0xF7A, s1;
	s8 =	simm.s32 @!p0 $0x1BF5;
	p2 =	por !p2, p0  }
0x20: {  	[sflag:s8] =	ssyncset.s32 @!p0 $0xFFFFF086;
	s6 =	sadd.s32 @!p0 s3, s7;
	s7 =	simm.s32 @!p0 $0x108  }
0x21: {  	s3 =	sadd.s32 s3, s9;
	s6 =	sadd.s32 @!p0 $0x88, s6;
	s7 =	simm.s32 @p2 $0x1082  }
0x22: {  	[simem:s7], [sflag:s8] =	dma.local @!p0 [hbm:s6], $0xF7A  }
0x23: {  	s9 =	sor.u32 $0xD0000000, s2;
	s6 =	simm.s32 $0x108;
	_ =	swait.ge @!p0 [sflag:s8], $0x0  }
0x24: {  	s3 =	sadd.s32 $0x88, s3;
	s6 =	simm.s32 @!p1 $0x1082;
	[sflag:s4] =	ssyncset.s32 $0xFFFFF086  }
0x25: {  	[simem:s6], [sflag:s4] =	dma.local [hbm:s3], $0xF7A  }
0x26: {  	[smem:$0x3F99] =	sst s1;
	(tag) =	ssettag s2;
	_ =	strace s9  }
0x27: {  	s1 =	sld [smem:$0x3FA9]  }
0x28: {  	s2 =	sld [smem:$0x3FAA]  }
0x29: {  	s4 =	sld [smem:$0x3FAC]  }
0x2a: {  	p0 =	seq.s32 s5, $0x0;
	s5 =	sld [smem:$0x3FAD]  }
0x2b: {  	s6 =	sld [smem:$0x3FAE]  }
0x2c: {  	s7 =	sld [smem:$0x3FAF]  }
0x2d: {  	s3 =	simm.s32 $0x108;
	s8 =	sld [smem:$0x3FB0]  }
0x2e: {  	s3 =	simm.s32 @!p0 $0x1082;
	s9 =	sld [smem:$0x3FB1]  }
0x2f: {  	lr =	sadd.s32 s0, s3;
	s0 =	sld [smem:$0x3FA8]  }
0x30: {  	s3 =	sld [smem:$0x3FAB]  }
0x31: {  	[smem:$0x3FB4] =	sst s10  }
0x32: {  	s10 =	sld [smem:$0x3FB2];
	_ =	sdelay $0x3  }
0x33: {  	p0 =	seq.s32 s10, $0x1;
	s10 =	sld [smem:$0x3FB4];
	_ =	sdelay $0x3  }
0x34: {  	[smem:$0x3FB4] =	sst s10  }
0x35: {  	s10 =	sld [smem:$0x3FB3];
	_ =	sdelay $0x3  }
0x36: {  	p1 =	seq.s32 s10, $0x1;
	s10 =	sld [smem:$0x3FB4];
	_ =	sdelay $0x3  }
0x37: {  	[smem:$0x3FB4] =	sst s10  }
0x38: {  	s10 =	sld [smem:$0x3FB5]  }
0x39: {  	_ = 	snop;
	(pc) =	sbr.ind lr, $3  }
0x3a: {  	_ = 	snop  }
0x3b: {  	_ = 	snop  }
0x3c: {  	p2 =	seq.s32 s10, $0x1;
	s10 =	sld [smem:$0x3FB4]  }
0x3d: {  	_ =	shalt  }
0x3e: {  	_ =	shalt  }
0x3f: {  	_ =	shalt  }
0x40: {  	_ =	shalt  }
0x41: {  	_ =	shalt  }
0x42: {  	_ =	shalt  }
0x43: {  	_ =	shalt  }
0x44: {  	_ =	shalt  }
0x45: {  	_ =	shalt  }
0x46: {  	_ =	shalt  }
0x47: {  	_ =	shalt  }
0x48: {  	_ =	shalt  }
0x49: {  	_ =	shalt  }
0x4a: {  	_ =	shalt  }
0x4b: {  	_ =	shalt  }
0x4c: {  	_ =	shalt  }
0x4d: {  	_ =	shalt  }
0x4e: {  	_ =	shalt  }
0x4f: {  	_ =	shalt  }
0x50: {  	_ =	shalt  }
0x51: {  	_ =	shalt  }
0x52: {  	_ =	shalt  }
0x53: {  	_ =	shalt  }
0x54: {  	_ =	shalt  }
0x55: {  	_ =	shalt  }
0x56: {  	_ =	shalt  }
0x57: {  	_ =	shalt  }
0x58: {  	_ =	shalt  }
0x59: {  	_ =	shalt  }
0x5a: {  	_ =	shalt  }
0x5b: {  	_ =	shalt  }
0x5c: {  	_ =	shalt  }
0x5d: {  	_ =	shalt  }
0x5e: {  	_ =	shalt  }
0x5f: {  	_ =	shalt  }
0x60: {  	_ =	shalt  }
0x61: {  	_ =	shalt  }
0x62: {  	_ =	shalt  }
0x63: {  	_ =	shalt  }
0x64: {  	_ =	shalt  }
0x65: {  	_ =	shalt  }
0x66: {  	_ =	shalt  }
0x67: {  	_ =	shalt  }
0x68: {  	_ =	shalt  }
0x69: {  	_ =	shalt  }
0x6a: {  	_ =	shalt  }
0x6b: {  	_ =	shalt  }
0x6c: {  	_ =	shalt  }
0x6d: {  	_ =	shalt  }
0x6e: {  	_ =	shalt  }
0x6f: {  	_ =	shalt  }
0x70: {  	_ =	shalt  }
0x71: {  	_ =	shalt  }
0x72: {  	_ =	shalt  }
0x73: {  	_ =	shalt  }
0x74: {  	_ =	shalt  }
0x75: {  	_ =	shalt  }
0x76: {  	_ =	shalt  }
0x77: {  	_ =	shalt  }
0x78: {  	_ =	shalt  }
0x79: {  	_ =	shalt  }
0x7a: {  	_ =	shalt  }
0x7b: {  	_ =	shalt  }
0x7c: {  	_ =	shalt  }
0x7d: {  	_ =	shalt  }
0x7e: {  	_ =	shalt  }
0x7f: {  	_ =	shalt  }
0x80: {  	_ =	shalt  }
0x81: {  	_ =	shalt  }
0x82: {  	_ =	shalt  }
0x83: {  	_ =	shalt  }
0x84: {  	_ =	shalt  }
0x85: {  	_ =	shalt  }
0x86: {  	_ =	shalt  }
0x87: {  	_ =	shalt  }
.Lfunc_end0:
.L_simem_size_0:
called_computation_lowered:
.L_overlay_start_0:
0x88: {  	s2 =	sld [smem:$0x3FD9]  }
0x89: {  	s3 =	sld [smem:$0x3FFE];
	_ =	sdelay $0x1  }
0x8a: {  	s1 =	srdreg.scid  }
0x8b: {  	s0 =	sand.u32 $0x1, s1  }
0x8c: {  	s17 =	sshll.u32 s0, $0xA;
	s2 =	sadd.s32 s3, s2  }
0x8d: {  	s2 =	sadd.s32 s2, s17  }
0x8e: {  	[smem:$0x3FC0] =	sst s2  }
0x8f: {  	_ = 	snop  }
0x90: {  	s2 =	sld [smem:$0x3FD0];
	(tm) =	ssettm $0x1  }
0x91: {  	s18 =	sld [smem:$0x3FFB];
	_ =	sdelay $0x3  }
0x92: {  	_ =	strace s18  }
0x93: {  	s3 =	sld [smem:$0x3FFC];
	_ =	sdelay $0x3  }
0x94: {  	_ =	strace s3  }
0x95: {  	s3 =	sld [smem:$0x3FFD];
	_ =	sdelay $0x3  }
0x96: {  	_ =	strace s3  }
0x97: {  	_ =	strace $0x8FFFFFFF  }
0x98: {  	s19 =	sld [smem:$0x3FDB];
	_ =	sdelay $0x1  }
0x99: {  	s4 =	simm.s32 $_scs_section_size  }
0x9a: {  	s5 =	simm.s32 $_size__tile_overlayer_lowered;
	s6 =	simm.s32 $_tile_overlayer_lowered  }
0x9b: {  	s22 =	simm.s32 $0x1BFF;
	s21 =	sshll.u32 s6, $0x1;
	s3 =	sadd.s32 s4, s19  }
0x9c: {  	s7 =	simm.s32 $0x0;
	s20 =	sshll.u32 s5, $0x1;
	s5 =	sadd.s32 s21, s3  }
0x9d: {  	[timem:s7], [sflag:s22] =	dma.local [hbm:s5], s20  }
0x9e: {  	_ =	swait.ge [sflag:s22], s20  }
0x9f: {  	s4 =	ssub.s32 $0x0, s20;
	[sflag:s22] =	ssyncset.done $0x0  }
0xa0: {  	[sflag:s22] =	ssyncadd.s32 s4;
	_ =	sdelay $0x1  }
0xa1: {  	s23 =	simm.s32 $0x1B8B  }
0xa2: {  	_ =	swait.ge [sflag:s23], $0x1  }
0xa3: {  	[sflag:s23] =	ssyncset.done $0x0  }
0xa4: {  	s25 =	simm.s32 $0x1B8E;
	s24 =	sld [smem:$0x3FFE];
	[sflag:s23] =	ssyncadd.s32 $0xFFFFFFFF  }
0xa5: {  	s26 =	simm.s32 $execute0_lowered;
	[smem:$0x3FD2] =	sst s25  }
0xa6: {  	s5 =	sshll.u32 s26, $0x1;
	_ =	strace $0x80000046;
	[dreg:$0x1] =	wrdreg $0xFFFFFFFF  }
0xa7: {  	s28 =	simm.s32 $_size_execute0_lowered;
	s3 =	sadd.s32 s3, s5;
	[dreg:$0x0] =	wrdreg $0x0  }
0xa8: {  	s5 =	sshll.u32 s28, $0x1;
	[dreg:$0x2] =	wrdreg s3  }
0xa9: {  	[dreg:$0x3] =	wrdreg s5  }
0xaa: {  	[dreg:$0x4] =	wrdreg $0xC0  }
0xab: {  	_ =	task [dreg:s7], $0x5FFFF  }
0xac: {  	[dreg:$0x1] =	wrdreg $0xFFFFFFFF  }
0xad: {  	[dreg:$0x0] =	wrdreg $0x60  }
0xae: {  	[dreg:$0x2] =	wrdreg s24  }
0xaf: {  	[dreg:$0x3] =	wrdreg s2  }
0xb0: {  	[dreg:$0x4] =	wrdreg $0x68000  }
0xb1: {  	[dreg:$0x5] =	wrdreg $0x9  }
0xb2: {  	_ =	task.clear_ibuf [dreg:s7], $0x6FFFF;
	_ =	strace $0x90000046  }
0xb3: {  	s29 =	simm.s32 $0x9;
	_ =	strace $0x80000048  }
0xb4: {  	_ =	swait.ge [sflag:s29], $0x1  }
0xb5: {  	[sflag:s29] =	ssyncadd.s32 $0xFFFFFFFF  }
0xb6: {  	_ =	strace $0x90000048  }
0xb7: {  	_ =	sfence  }
0xb8: {  	s30 =	sld [smem:$0x0];
	_ =	sdelay $0x2  }
0xb9: {  	s31 =	sshll.u32 s1, $0xD;
	s1 =	sshrl.u32 s1, $0x2  }
0xba: {  	s3 =	sand.u32 $0x4000, s31;
	s1 =	sadd.s32 s1, s30  }
0xbb: {  	s0 =	sor.u32 s3, s0;
	s1 =	sshll.u32 s1, $0x11  }
0xbc: {  	s0 =	sor.u32 s1, s0  }
0xbd: {  	s0 =	sadd.s32 $0x8F2B, s0  }
0xbe: {  	[sflag:s0] =	ssyncadd.remote.s32 $0x1  }
0xbf: {  	_ =	sfence.sel $0xFFFF  }
0xc0: {  	[dreg:$0x0] =	wrdreg $0xFFFFFFFF;
	(pc) =	sbr.abs _section_cstart, $3  }
0xc1: {  	[dreg:$0x1] =	wrdreg $0xFFFFFFFF  }
0xc2: {  	_ =	task.clear_ibuf [dreg:s7], $0x2FFFF;
	_ =	strace $0x9FFFFFFF  }
0xc3: {  	(tm) =	ssettm $0x7FFFFFFF  }
tec
execute0_lowered:
.L_overlay_start_1:
0x0: {  	(tag) =	ssettag $0x1  }
0x1: {  	s4 =	rddreg [dreg:$0x0]  }
0x2: {  	s0 =	srdreg.scid;
	s6 =	rddreg [dreg:$0x1]  }
0x3: {  	s11 =	stileid.u32;
	s1 =	rddreg [dreg:$0x2]  }
0x4: {  	s2 =	simm.s32 $0x0;
	s17 =	simm.s32 $0x180;
	s18 =	simm.s32 $0x1  }
0x5: {  	s19 =	simm.s32 $0x2;
	s20 =	simm.s32 $0x3;
	s21 =	simm.s32 $0x4  }
0x6: {  	s22 =	simm.s32 $0x0;
	s5 =	sand.u32 $0x1, s0;
	s9 =	smul.u32 $0x4E000, s11  }
0x7: {  	[smem:$0x7FF] =	sst s2;
	s10 =	sadd.s32 $0x17400, s4;
	s12 =	smul.u32 $0x2700, s11  }
0x8: {  	s30 =	sshll.u32 s11, $0x6;
	s16 =	sadd.s32 $0x138000, s1;
	p0 =	sne.s32 s11, $0x0  }
0x9: {  	s0 =	sshll.u32 s5, $0x4;
	s8 =	ssub.s32 $0x2, s5;
	s29 =	smul.u32 $0x27100, s5  }
0xa: {  	s15 =	smul.u32 $0x138800, s5;
	s5 =	sor.u32 $0x1C05, s30;
	s3 =	sor.u32 s11, s0  }
0xb: {  	s0 =	rddreg [dreg:$0x3];
	_ =	strace $0x80000047;
	s26 =	sshrl.u32 s8, $0x1  }
0xc: {  	s28 =	sshrl.u32 s9, $0x2;
	s3 =	smul.u32 $0x500, s3;
	s13 =	ssub.s32 s8, s26  }
0xd: {  	s14 =	sadd.s32 s28, s1;
	s8 =	sadd.s32 s12, s29;
	s31 =	sshrl.u32 s15, $0x3  }
0xe: {  	s15 =	simm.s32 $0x80;
	s8 =	sadd.s32 s10, s8;
	s9 =	sadd.s32 s10, s31  }
0xf: {  	s10 =	smax.u32 s13, $0x1;
	s11 =	sshrl.u32 s14, $0x3;
	s13 =	sshrl.u32 @!p0 s16, $0x3  }
0x10: {  	s14 =	simm.s32 $0x2800;
	s16 =	simm.s32 $0x100;
	s7 =	sadd.s32 s3, s4  }
0x11: {  	s3 =	sadd.s32 $0x16C00, s4;
	s4 =	sadd.s32 s6, s12;
	s6 =	sadd.s32 $0x27000, s6  }
0x12: {  	s9 =	sadd.s32 $0x27000, s9;
	s12 =	simm.s32 $0x5;
	s7 =	sadd.s32 $0xCC00, s7  }
.LBB2_1:
0x13: {  	[spmem:s11], [sflag:s5] =	dma.local [hbm:s4], $0x2700  }
0x14: {  	_ =	swait.ge [sflag:s12], $0x2700  }
0x15: {  	[sflag:s12] =	ssyncset.done $0x0  }
0x16: {  	s23 =	simm.s32 @!p0 $0x5;
	[sflag:s12] =	ssyncadd.s32 $0xFFFFD900  }
0x17: {  	[spmem:s13], [sflag:s5] =	dma.local @!p0 [hbm:s6], $0x100  }
0x18: {  	_ =	swait.ge @!p0 [sflag:s23], $0x100  }
0x19: {  	[sflag:s23] =	ssyncset.done @!p0 $0x0  }
0x1a: {  	[sflag:s23] =	ssyncadd.s32 @!p0 $0xFFFFFF00  }
0x1b: {  	[tilespmem:s2], [sflag:$0x5] =	stream.linear.gather [hbm4b:s7+s2], $0x2800, $0x38;
	[tilespmem:$0x1A200] =	vst v63  }
0x1c: {  	_ =	swait.ge [sflag:s12], $0x2800  }
0x1d: {  	[sflag:s12] =	ssyncset.done $0x0  }
0x1e: {  	[sflag:s12] =	ssyncadd.s32 $0xFFFFD800  }
0x1f: {  	[tilespmem:s14], [sflag:$0x5] =	stream.linear.gather [hbm4b:s3+s2], $0x4000, $0x38;
	[tilespmem:$0x1A200] =	vst v63  }
0x20: {  	_ =	swait.ge [sflag:s12], $0x4000  }
0x21: {  	[sflag:s12] =	ssyncset.done $0x0  }
0x22: {  	[sflag:s12] =	ssyncadd.s32 $0xFFFFC000  }
0x23: {  	[bflag:$0x0] =	sbarrier.arrive $0xFFFF  }
0x24: {  	[spmem:s1] =	stream.indirect.scatter.add.f32 [tilespmem:s14], [sflag:$0x1], $0x80, s2, s15, $0xb8;
	[tilespmem:$0x1A200] =	vst v63  }
0x25: {  	_ = 	snop  }
0x26: {  	[spmem:s1] =	stream.indirect.scatter.add.f32 [tilespmem:s14], [sflag:$0x2], $0x80, s15, s15, $0xb8;
	[tilespmem:$0x1A200] =	vst v63  }
0x27: {  	_ = 	snop  }
0x28: {  	[spmem:s1] =	stream.indirect.scatter.add.f32 [tilespmem:s14], [sflag:$0x3], $0x80, s16, s15, $0xb8;
	[tilespmem:$0x1A200] =	vst v63  }
0x29: {  	_ = 	snop  }
0x2a: {  	[spmem:s1] =	stream.indirect.scatter.add.f32 [tilespmem:s14], [sflag:$0x4], $0x80, s17, s15, $0xb8;
	[tilespmem:$0x1A200] =	vst v63  }
0x2b: {  	_ =	swait.ge [sflag:s18], $0x4000  }
0x2c: {  	[sflag:s18] =	ssyncset.done $0x0  }
0x2d: {  	s29 =	simm.s32 $0x200;
	[sflag:s18] =	ssyncadd.s32 $0xFFFFC000  }
0x2e: {  	[spmem:s1] =	stream.indirect.scatter.add.f32 [tilespmem:s14], [sflag:$0x1], $0x80, s29, s15, $0xb8;
	[tilespmem:$0x1A200] =	vst v63  }
0x2f: {  	_ =	swait.ge [sflag:s19], $0x4000  }
0x30: {  	[sflag:s19] =	ssyncset.done $0x0  }
0x31: {  	s30 =	simm.s32 $0x280;
	[sflag:s19] =	ssyncadd.s32 $0xFFFFC000  }
0x32: {  	[spmem:s1] =	stream.indirect.scatter.add.f32 [tilespmem:s14], [sflag:$0x2], $0x80, s30, s15, $0xb8;
	[tilespmem:$0x1A200] =	vst v63  }
0x33: {  	_ =	swait.ge [sflag:s20], $0x4000  }
0x34: {  	[sflag:s20] =	ssyncset.done $0x0  }
0x35: {  	s31 =	simm.s32 $0x300;
	[sflag:s20] =	ssyncadd.s32 $0xFFFFC000  }
0x36: {  	[spmem:s1] =	stream.indirect.scatter.add.f32 [tilespmem:s14], [sflag:$0x3], $0x80, s31, s15, $0xb8;
	[tilespmem:$0x1A200] =	vst v63  }
0x37: {  	_ =	swait.ge [sflag:s21], $0x4000  }
0x38: {  	[sflag:s21] =	ssyncset.done $0x0  }
0x39: {  	s24 =	simm.s32 $0x380;
	s23 =	simm.s32 $0xFFFF7000;
	[sflag:s21] =	ssyncadd.s32 $0xFFFFC000  }
.LBB2_2:
0x3a: {  	[spmem:s1] =	stream.indirect.scatter.add.f32 [tilespmem:s14], [sflag:$0x4], $0x80, s24, s15, $0xb8;
	[tilespmem:$0x1A200] =	vst v63  }
0x3b: {  	s24 =	smov.u32 s23  }
0x3c: {  	p1 =	sne.s32 s23, $0xFFFFF800;
	s23 =	sadd.s32 $0x800, s23;
	_ =	swait.ge [sflag:s18], $0x4000  }
0x3d: {  	s24 =	sshra.s32 s24, $0x2;
	[sflag:s18] =	ssyncset.done $0x0  }
0x3e: {  	s25 =	sadd.s32 $0x2800, s24;
	[sflag:s18] =	ssyncadd.s32 $0xFFFFC000  }
0x3f: {  	[spmem:s1] =	stream.indirect.scatter.add.f32 [tilespmem:s14], [sflag:$0x1], $0x80, s25, s15, $0xb8;
	[tilespmem:$0x1A200] =	vst v63  }
0x40: {  	_ =	swait.ge [sflag:s19], $0x4000  }
0x41: {  	[sflag:s19] =	ssyncset.done $0x0  }
0x42: {  	s25 =	sadd.s32 $0x2880, s24;
	[sflag:s19] =	ssyncadd.s32 $0xFFFFC000  }
0x43: {  	[spmem:s1] =	stream.indirect.scatter.add.f32 [tilespmem:s14], [sflag:$0x2], $0x80, s25, s15, $0xb8;
	[tilespmem:$0x1A200] =	vst v63  }
0x44: {  	_ =	swait.ge [sflag:s20], $0x4000  }
0x45: {  	[sflag:s20] =	ssyncset.done $0x0  }
.Ltmp0:
0x46: {  	s25 =	sadd.s32 $0x2900, s24;
	[sflag:s20] =	ssyncadd.s32 $0xFFFFC000;
	(pc) =	sbr.rel @p1 .LBB2_2-.Ltmp0, $4  }
0x47: {  	[spmem:s1] =	stream.indirect.scatter.add.f32 [tilespmem:s14], [sflag:$0x3], $0x80, s25, s15, $0xb8;
	[tilespmem:$0x1A200] =	vst v63  }
0x48: {  	_ =	swait.ge [sflag:s21], $0x4000  }
0x49: {  	[sflag:s21] =	ssyncset.done $0x0  }
0x4a: {  	s24 =	sadd.s32 $0x2980, s24;
	[sflag:s21] =	ssyncadd.s32 $0xFFFFC000  }
0x4b: {  	[spmem:s1] =	stream.indirect.scatter.add.f32 [tilespmem:s14], [sflag:$0x4], $0x80, s24, s15, $0xb8;
	[tilespmem:$0x1A200] =	vst v63  }
0x4c: {  	_ =	swait.ge [sflag:s18], $0x4000  }
0x4d: {  	[sflag:s18] =	ssyncset.done $0x0  }
0x4e: {  	[sflag:s18] =	ssyncadd.s32 $0xFFFFC000  }
0x4f: {  	_ =	swait.ge [sflag:s19], $0x4000  }
0x50: {  	[sflag:s19] =	ssyncset.done $0x0  }
0x51: {  	[sflag:s19] =	ssyncadd.s32 $0xFFFFC000  }
0x52: {  	_ =	swait.ge [sflag:s20], $0x4000  }
0x53: {  	[sflag:s20] =	ssyncset.done $0x0  }
0x54: {  	[sflag:s20] =	ssyncadd.s32 $0xFFFFC000  }
0x55: {  	_ =	swait.ge [sflag:s21], $0x4000  }
0x56: {  	[sflag:s21] =	ssyncset.done $0x0  }
0x57: {  	[sflag:s21] =	ssyncadd.s32 $0xFFFFC000  }
0x58: {  	[bflag:$0x0] =	sbarrier.arrive $0xFFFF  }
0x59: {  	[hbm:s8], [sflag:s5] =	dma.local [spmem:s11], $0x2700  }
0x5a: {  	s22 =	sadd.s32 $0x1, s22;
	_ =	swait.ge [sflag:s12], $0x2700  }
0x5b: {  	p1 =	sne.s32 s22, s10;
	[sflag:s12] =	ssyncset.done $0x0  }
.Ltmp1:
0x5c: {  	s23 =	simm.s32 @!p0 $0x5;
	[sflag:s12] =	ssyncadd.s32 $0xFFFFD900;
	(pc) =	sbr.rel @p1 .LBB2_1-.Ltmp1, $4  }
0x5d: {  	[hbm:s9], [sflag:s5] =	dma.local @!p0 [spmem:s13], $0x100  }
0x5e: {  	_ =	swait.ge @!p0 [sflag:s23], $0x100  }
0x5f: {  	[sflag:s23] =	ssyncset.done @!p0 $0x0  }
0x60: {  	[sflag:s23] =	ssyncadd.s32 @!p0 $0xFFFFFF00  }
0x61: {  	_ =	sfence.sel $0x180000  }
0x62: {  	[bflag:$0x0] =	sbarrier.arrive $0xFFFF  }
0x63: {  	_ =	strace $0x90000047  }
0x64: {  	s0 =	sadd.s32 @!p0 $0x100000, s0;
	[bflag:$0x2] =	sbarrier.arrive $0xFFFF  }
0x65: {  	[sflag:s0] =	ssyncadd.tile.s32 @!p0 $0x1;
	_ =	shalt  }
.Lfunc_end2:
_tile_overlayer_lowered:
.L_overlay_start_2:
0x66: {  	(tag) =	ssettag $0x2  }
0x67: {  	s0 =	rddreg [dreg:$0x0];
	s2 =	stileid.u32  }
0x68: {  	s1 =	rddreg [dreg:$0x1];
	p0 =	sne.s32 s2, $0x0  }
0x69: {  	s3 =	rddreg [dreg:$0x2];
	[bflag:$0x3] =	sbarrier.arrive $0xFFFF;
	s2 =	simm.s32 @!p0 $0x1C05  }
0x6a: {  	[timem:s3], [sflag:s2] =	dma.local @!p0 [hbm:s0], s1  }
0x6b: {  	s0 =	simm.s32 @!p0 $0x5  }
0x6c: {  	_ =	swait.ge @!p0 [sflag:s0], s1  }
0x6d: {  	s1 =	ssub.s32 @!p0 $0x0, s1;
	[sflag:s0] =	ssyncset.done @!p0 $0x0  }
0x6e: {  	[sflag:s0] =	ssyncadd.s32 @!p0 s1  }
0x6f: {  	[bflag:$0x3] =	sbarrier.arrive $0xFFFF  }
0x70: {  	_ =	shalt  }

</sc_bundles>
